<compile_context>
chip_gen: v7x
topology: tpu7x:2x2x1
jax: 0.10.2.dev20260603
libtpu: 0.0.44.dev20260713+nightly
codegen_flags: <defaults>
</compile_context>

<pallas_src>
import jax
import jax.numpy as jnp
from jax import lax
from jax.experimental import pallas as pl
from jax.experimental.pallas import tpu as pltpu
from jax.experimental.pallas import tpu_sc as plsc

N_NODES = 10000
N_EDGES = 160000
D_FEAT = 256
N_SUPER = 512

NC = 2
NS = 16
L = 16

EPC = N_EDGES // NC
EPT = EPC // NS
NITER = (EPT + L - 1) // L
K = 128
COMP = ((EPT + K - 1) // K) * K
PCH = 512
SPT = N_SUPER // NS
OWN_CAP = 768
ACC_SEG = SPT + 8
ROWW = D_FEAT + 128


def _main_body(emb_hbm, src_hbm, dst_hbm, remap_hbm, zacc_hbm, canon_hbm,
               part_hbm, out_hbm,
               remap_v, dst_v, src_v, comp_src, comp_seg, seg_arr, pc_arr,
               scan_src, scan_seg, own_src, own_seg,
               srcbuf, rows_v, cnt_all_v, cntpub_v,
               acc2d, canon_v, canonb_v, r0, r1, outb,
               pair_src_sh, pair_seg_sh, cntp_sh, sem, sem2, xsem):
    cid = lax.axis_index("c")
    sid = lax.axis_index("s")
    lane = lax.iota(jnp.int32, L)

    ebase = cid * EPC + sid * EPT
    c0 = pltpu.async_copy(remap_hbm, remap_v, sem)
    c1 = pltpu.async_copy(src_hbm.at[pl.ds(ebase, EPT)],
                          src_v.at[pl.ds(0, EPT)], sem)
    c2 = pltpu.async_copy(dst_hbm.at[pl.ds(ebase, EPT)],
                          dst_v.at[pl.ds(0, EPT)], sem)
    c3 = pltpu.async_copy(zacc_hbm, acc2d, sem)
    c0.wait()
    c1.wait()
    c2.wait()
    c3.wait()

    tail = EPT - (EPT % L) if EPT % L else EPT
    if EPT % L:
        v = dst_v[pl.ds(tail, L)]
        dst_v[pl.ds(tail, L)] = jnp.where(lane < (EPT - tail), v, N_NODES)

    lane0 = lane == 0

    @plsc.parallel_loop(0, NITER, unroll=4)
    def _passA(i):
        dstv = dst_v[pl.ds(i * L, L)]
        segv = plsc.load_gather(remap_v, [dstv])
        seg_arr[pl.ds(i * L, L)] = segv
        pc = plsc.all_reduce_population_count(segv >= 0)
        plsc.store_scatter(pc_arr, [jnp.full((L,), 0, jnp.int32) + i], pc,
                           mask=lane0)

    ptail = (NITER // L) * L
    if NITER % L:
        pv = pc_arr[pl.ds(ptail, L)]
        pc_arr[pl.ds(ptail, L)] = jnp.where(lane < (NITER - ptail), pv, 0)

    def pfx(g, running):
        pcv = pc_arr[pl.ds(g * L, L)]
        cums = plsc.cumsum(pcv)
        pc_arr[pl.ds(g * L, L)] = running + (cums - pcv)
        return running + cums[L - 1]

    cnt = lax.fori_loop(0, (NITER + L - 1) // L, pfx, jnp.int32(0))

    @plsc.parallel_loop(0, NITER, unroll=4)
    def _passC(i):
        offv = plsc.load_gather(pc_arr, [jnp.full((L,), 0, jnp.int32) + i])
        off_s = offv[0]
        segv = seg_arr[pl.ds(i * L, L)]
        srcv = src_v[pl.ds(i * L, L)]
        m = segv >= 0
        plsc.store_compressed(comp_seg.at[pl.ds(off_s, L)], segv, mask=m)
        plsc.store_compressed(comp_src.at[pl.ds(off_s, L)], srcv, mask=m)

    pidx = cnt + lane
    plsc.store_scatter(comp_seg, [pidx], jnp.full((L,), N_SUPER, jnp.int32),
                       mask=pidx < ((cnt + L - 1) // L) * L)

    cntpub_v[pl.ds(0, L)] = jnp.full((L,), 0, jnp.int32) + cnt
    pltpu.sync_copy(cntpub_v, cntp_sh.at[pl.ds(sid * L, L)])
    npub = (cnt + PCH - 1) // PCH

    def pbody(j, _):
        off = pl.multiple_of(j * PCH, PCH)
        pltpu.sync_copy(comp_src.at[pl.ds(off, PCH)],
                        pair_src_sh.at[pl.ds(sid * COMP + off, PCH)])
        pltpu.sync_copy(comp_seg.at[pl.ds(off, PCH)],
                        pair_seg_sh.at[pl.ds(sid * COMP + off, PCH)])
        return 0

    lax.fori_loop(0, npub, pbody, 0)
    plsc.subcore_barrier()

    own_lo = sid * SPT
    pltpu.sync_copy(cntp_sh, cnt_all_v)
    ones16 = jnp.ones((L,), jnp.float32)

    def flush_blocks(ocnt):
        nfl = ocnt // K

        def fb(b, _):
            bbase = pl.multiple_of(b * K, K)
            for j in range(K // L):
                srcbuf[pl.ds(j * L, L)] = own_src[pl.ds(bbase + j * L, L)]
            pltpu.async_copy(emb_hbm.at[srcbuf], rows_v, sem).wait()

            def rb(r, _):
                seg_splat = plsc.load_gather(
                    own_seg, [jnp.full((L,), 0, jnp.int32) + (bbase + r)])

                @plsc.parallel_loop(0, D_FEAT // L, unroll=D_FEAT // L)
                def _chunks(ch):
                    plsc.addupdate_scatter(acc2d, [seg_splat, lane + ch * L],
                                           rows_v[r, pl.ds(ch * L, L)])

                plsc.addupdate_scatter(acc2d, [seg_splat, lane + D_FEAT],
                                       ones16)
                return 0

            lax.fori_loop(0, K, rb, 0, unroll=4)
            return 0

        lax.fori_loop(0, nfl, fb, 0)
        rem = ocnt - nfl * K
        rbase = pl.multiple_of(nfl * K, K)
        for j in range(K // L):
            own_src[pl.ds(j * L, L)] = own_src[pl.ds(rbase + j * L, L)]
            own_seg[pl.ds(j * L, L)] = own_seg[pl.ds(rbase + j * L, L)]
        return rem

    def fire_prefetch(t, p):
        poff = pl.multiple_of(t * COMP, PCH)
        boff = pl.multiple_of(p * PCH, PCH)
        pltpu.async_copy(pair_src_sh.at[pl.ds(poff, PCH)],
                         scan_src.at[pl.ds(boff, PCH)], sem2)
        pltpu.async_copy(pair_seg_sh.at[pl.ds(poff, PCH)],
                         scan_seg.at[pl.ds(boff, PCH)], sem2)

    def drain_prefetch():
        pltpu.make_async_copy(pair_src_sh.at[pl.ds(0, PCH)],
                              scan_src.at[pl.ds(0, PCH)], sem2).wait()
        pltpu.make_async_copy(pair_seg_sh.at[pl.ds(0, PCH)],
                              scan_seg.at[pl.ds(0, PCH)], sem2).wait()

    fire_prefetch(jnp.int32(0), jnp.int32(0))

    def tbody(t, ocnt):
        nt = cnt_all_v[pl.ds(t * L, L)][0]
        nchk = (nt + PCH - 1) // PCH
        p = lax.rem(t, 2)
        drain_prefetch()
        fire_prefetch(jnp.minimum(t + 1, NS - 1), lax.rem(t + 1, 2))
        base = pl.multiple_of(p * PCH, PCH)

        def jbody(j, ocnt):
            @pl.when(j > 0)
            def _extra_chunk():
                poff = pl.multiple_of(t * COMP + j * PCH, PCH)
                pltpu.sync_copy(pair_src_sh.at[pl.ds(poff, PCH)],
                                scan_src.at[pl.ds(base, PCH)])
                pltpu.sync_copy(pair_seg_sh.at[pl.ds(poff, PCH)],
                                scan_seg.at[pl.ds(base, PCH)])

            def kbody(k, ocnt):
                segv = scan_seg[pl.ds(base + k * L, L)]
                srcv = scan_src[pl.ds(base + k * L, L)]
                m = (segv >= own_lo) & (segv < own_lo + SPT)
                plsc.store_compressed(own_seg.at[pl.ds(ocnt, L)],
                                      segv - own_lo, mask=m)
                plsc.store_compressed(own_src.at[pl.ds(ocnt, L)],
                                      srcv, mask=m)
                return ocnt + plsc.all_reduce_population_count(m)[0]

            nvr = (jnp.minimum(nt - j * PCH, PCH) + L - 1) // L
            ocnt = lax.fori_loop(0, nvr, kbody, ocnt)
            return flush_blocks(ocnt)

        return lax.fori_loop(0, nchk, jbody, ocnt)

    ocnt = lax.fori_loop(0, NS, tbody, jnp.int32(0))
    drain_prefetch()

    pend = ((ocnt + L - 1) // L) * L
    idx = ocnt + lane
    plsc.store_scatter(own_seg, [idx], jnp.full((L,), SPT, jnp.int32),
                       mask=idx < pend)
    plsc.store_scatter(own_src, [idx], jnp.zeros((L,), jnp.int32),
                       mask=idx < pend)

    def tb(b, _):
        bbase = pl.multiple_of(b * L, L)
        srcbuf[pl.ds(0, L)] = own_src[pl.ds(bbase, L)]
        pltpu.async_copy(emb_hbm.at[srcbuf.at[pl.ds(0, L)]],
                         rows_v.at[pl.ds(0, L)], sem).wait()

        def rb16(r, _):
            seg_splat = plsc.load_gather(
                own_seg, [jnp.full((L,), 0, jnp.int32) + (bbase + r)])

            @plsc.parallel_loop(0, D_FEAT // L, unroll=D_FEAT // L)
            def _chunks(ch):
                plsc.addupdate_scatter(acc2d, [seg_splat, lane + ch * L],
                                       rows_v[r, pl.ds(ch * L, L)])

            plsc.addupdate_scatter(acc2d, [seg_splat, lane + D_FEAT], ones16)
            return 0

        lax.fori_loop(0, L, rb16, 0, unroll=4)
        return 0

    lax.fori_loop(0, pend // L, tb, 0)

    pltpu.sync_copy(acc2d.at[pl.ds(0, SPT)],
                    part_hbm.at[pl.ds(cid * N_SUPER + sid * SPT, SPT)])

    plsc.subcore_barrier()
    pl.semaphore_signal(xsem, 1, core_index=1 - cid)
    pl.semaphore_wait(xsem, 1)

    wid = sid * NC + cid
    base = wid * L
    pltpu.sync_copy(canon_hbm.at[pl.ds(base, L)], canon_v)
    cv = canon_v[pl.ds(0, L)]
    canonb_v[pl.ds(0, L)] = cv + N_SUPER

    g0 = pltpu.async_copy(part_hbm.at[canon_v], r0, sem)
    g1 = pltpu.async_copy(part_hbm.at[canonb_v], r1, sem)
    g0.wait()
    g1.wait()

    one = jnp.ones((L,), jnp.float32)

    def rbody(r, _):
        cntv = r0[r, pl.ds(D_FEAT, L)] + r1[r, pl.ds(D_FEAT, L)]
        scale = one / jnp.maximum(cntv, one)

        def chb(ch, _):
            o = pl.multiple_of(ch * L, L)
            outb[r, pl.ds(o, L)] = (r0[r, pl.ds(o, L)]
                                    + r1[r, pl.ds(o, L)]) * scale
            return 0

        lax.fori_loop(0, D_FEAT // L, chb, 0)
        return 0

    lax.fori_loop(0, L, rbody, 0)
    pltpu.sync_copy(outb, out_hbm.at[pl.ds(base, L)])


def _make_mesh():
    return plsc.VectorSubcoreMesh(core_axis_name="c", subcore_axis_name="s",
                                  num_cores=NC, num_subcores=NS)


_main = pl.kernel(
    _main_body,
    out_type=(
        jax.ShapeDtypeStruct((NC * N_SUPER, ROWW), jnp.float32),
        jax.ShapeDtypeStruct((N_SUPER, D_FEAT), jnp.float32),
    ),
    mesh=_make_mesh(),
    compiler_params=pltpu.CompilerParams(needs_layout_passes=False),
    scratch_types=[
        pltpu.VMEM((N_NODES + L,), jnp.int32),
        pltpu.VMEM((EPT + 8,), jnp.int32),
        pltpu.VMEM((EPT + 8,), jnp.int32),
        pltpu.VMEM((COMP,), jnp.int32),
        pltpu.VMEM((COMP,), jnp.int32),
        pltpu.VMEM((COMP,), jnp.int32),
        pltpu.VMEM((((NITER + L - 1) // L) * L,), jnp.int32),
        pltpu.VMEM((2 * PCH,), jnp.int32),
        pltpu.VMEM((2 * PCH,), jnp.int32),
        pltpu.VMEM((OWN_CAP,), jnp.int32),
        pltpu.VMEM((OWN_CAP,), jnp.int32),
        pltpu.VMEM((K,), jnp.int32),
        pltpu.VMEM((K, D_FEAT), jnp.float32),
        pltpu.VMEM((NS * L,), jnp.int32),
        pltpu.VMEM((L,), jnp.int32),
        pltpu.VMEM((ACC_SEG, ROWW), jnp.float32),
        pltpu.VMEM((L,), jnp.int32),
        pltpu.VMEM((L,), jnp.int32),
        pltpu.VMEM((L, ROWW), jnp.float32),
        pltpu.VMEM((L, ROWW), jnp.float32),
        pltpu.VMEM((L, D_FEAT), jnp.float32),
        pltpu.VMEM_SHARED((NS * COMP,), jnp.int32),
        pltpu.VMEM_SHARED((NS * COMP,), jnp.int32),
        pltpu.VMEM_SHARED((NS * L,), jnp.int32),
        pltpu.SemaphoreType.DMA,
        pltpu.SemaphoreType.DMA,
        pltpu.SemaphoreType.REGULAR,
    ],
)

@jax.jit
def kernel(all_node_emb, supernode_edge_index, supernode_idx, graph_batch):
    emb = all_node_emb.astype(jnp.float32)
    src = supernode_edge_index[0].astype(jnp.int32)
    dst = supernode_edge_index[1].astype(jnp.int32)
    snode = supernode_idx.astype(jnp.int32)

    remap = jnp.full((N_NODES + L,), -1, jnp.int32).at[snode].set(
        jnp.arange(N_SUPER, dtype=jnp.int32))
    canon = remap[snode]

    zacc = jnp.zeros((ACC_SEG, ROWW), jnp.float32)

    _, out = _main(emb, src, dst, remap, zacc, canon)
    return out

# --- scband reference (transcript-rebuilt; emitter-appended) ---
"""Pipeline reference for scband-bg-graph-to-supernode-propagator-60765197304221 (READ-ONLY COPY).

The authoritative reference and input builder live on the scoring server;
editing this copy changes nothing except your own understanding.
"""

import jax, jax.numpy as jnp
import numpy as np

N_NODES = 10000
N_EDGES = 160000
D_FEAT = 256
N_SUPER = 512

def setup_inputs(seed: int = 0) -> dict:
    key = jax.random.key(seed)
    k1, k2, k3, k4 = jax.random.split(key, 4)
    all_node_emb = jax.random.normal(k1, (N_NODES, D_FEAT), dtype=jnp.float32)
    supernode_edge_index = jax.random.randint(k2, (2, N_EDGES), 0, N_NODES, dtype=jnp.int64)
    supernode_idx = jax.random.randint(k3, (N_SUPER,), 0, N_NODES, dtype=jnp.int64)
    graph_batch = jnp.sort(jax.random.randint(k4, (N_NODES,), 0, 512, dtype=jnp.int64))
    return {
        "all_node_emb": all_node_emb,
        "supernode_edge_index": supernode_edge_index,
        "supernode_idx": supernode_idx,
        "graph_batch": graph_batch,
    }

def reference(all_node_emb, supernode_edge_index, supernode_idx, graph_batch):
    # scatter(src=all_node_emb[edge_index[0]], index=edge_index[1], dim=0, reduce='mean')[supernode_idx, :]
    src = jnp.take(all_node_emb, supernode_edge_index[0], axis=0)
    idx = supernode_edge_index[1]
    num_segments = N_NODES  # max index + 1 (indices drawn over full node range)
    sums = jax.ops.segment_sum(src, idx, num_segments=num_segments)
    counts = jax.ops.segment_sum(
        jnp.ones((src.shape[0],), dtype=src.dtype), idx, num_segments=num_segments
    )
    mean = sums / jnp.maximum(counts, 1.0)[:, None]
    return jnp.take(mean, supernode_idx, axis=0)

if __name__ == "__main__":
    import jax
    _d = setup_inputs()
    print(jax.jit(kernel)(*tuple(_d.values())))

</pallas_src>

<mosaic_0001>
#map = affine_map<(d0, d1) -> (0, 0)>
#map1 = affine_map<(d0, d1) -> (0)>
module attributes {stable_mosaic.version = 14 : i64} {
  func.func @_main_body(%arg0: i32, %arg1: i32, %arg2: memref<10000x256xf32, #tpu.memory_space<hbm>>, %arg3: memref<160000xi32, #tpu.memory_space<hbm>>, %arg4: memref<160000xi32, #tpu.memory_space<hbm>>, %arg5: memref<10016xi32, #tpu.memory_space<hbm>>, %arg6: memref<40x384xf32, #tpu.memory_space<hbm>>, %arg7: memref<512xi32, #tpu.memory_space<hbm>>, %arg8: memref<1024x384xf32, #tpu.memory_space<hbm>>, %arg9: memref<512x256xf32, #tpu.memory_space<hbm>>, %arg10: memref<10016xi32, #tpu.memory_space<vmem>>, %arg11: memref<5008xi32, #tpu.memory_space<vmem>>, %arg12: memref<5008xi32, #tpu.memory_space<vmem>>, %arg13: memref<5120xi32, #tpu.memory_space<vmem>>, %arg14: memref<5120xi32, #tpu.memory_space<vmem>>, %arg15: memref<5120xi32, #tpu.memory_space<vmem>>, %arg16: memref<320xi32, #tpu.memory_space<vmem>>, %arg17: memref<1024xi32, #tpu.memory_space<vmem>>, %arg18: memref<1024xi32, #tpu.memory_space<vmem>>, %arg19: memref<768xi32, #tpu.memory_space<vmem>>, %arg20: memref<768xi32, #tpu.memory_space<vmem>>, %arg21: memref<128xi32, #tpu.memory_space<vmem>>, %arg22: memref<128x256xf32, #tpu.memory_space<vmem>>, %arg23: memref<256xi32, #tpu.memory_space<vmem>>, %arg24: memref<16xi32, #tpu.memory_space<vmem>>, %arg25: memref<40x384xf32, #tpu.memory_space<vmem>>, %arg26: memref<16xi32, #tpu.memory_space<vmem>>, %arg27: memref<16xi32, #tpu.memory_space<vmem>>, %arg28: memref<16x384xf32, #tpu.memory_space<vmem>>, %arg29: memref<16x384xf32, #tpu.memory_space<vmem>>, %arg30: memref<16x256xf32, #tpu.memory_space<vmem>>, %arg31: memref<81920xi32, #tpu.memory_space<vmem_shared>>, %arg32: memref<81920xi32, #tpu.memory_space<vmem_shared>>, %arg33: memref<256xi32, #tpu.memory_space<vmem_shared>>, %arg34: memref<!tpu.dma_semaphore, #tpu.memory_space<semaphore_mem>>, %arg35: memref<!tpu.dma_semaphore, #tpu.memory_space<semaphore_mem>>, %arg36: memref<!tpu.semaphore, #tpu.memory_space<semaphore_mem>>) attributes {dimension_semantics = [#tpu.dimension_semantics<core_parallel>, #tpu.dimension_semantics<subcore_parallel>], iteration_bounds = array<i64: 2, 16>, scalar_prefetch = 0 : i64, scratch_operands = 27 : i64, tpu.core_type = #tpu.core_type<sc_vector_subcore>, window_params = [{transform_indices = #map}, {transform_indices = #map1}, {transform_indices = #map1}, {transform_indices = #map1}, {transform_indices = #map}, {transform_indices = #map1}, {transform_indices = #map}, {transform_indices = #map}]} {
    %iota3A = tpu.iota {dimensions = array<i32: 0>} : vector<16xi32>
    %mul3A = arith.constant 80000 : i32
    %mul3A_0 = arith.muli %arg0, %mul3A : i32
    %mul3A_1 = arith.constant 5000 : i32
    %mul3A_2 = arith.muli %arg1, %mul3A_1 : i32
    %add3A = arith.addi %mul3A_0, %mul3A_2 : i32
    tpu.enqueue_dma source(%arg5 : memref<10016xi32, #tpu.memory_space<hbm>>) target(%arg10 : memref<10016xi32, #tpu.memory_space<vmem>>) target_semaphore(%arg34 : memref<!tpu.dma_semaphore, #tpu.memory_space<semaphore_mem>>)
    %dma_start3A = arith.constant 0 : i32
    %dma_start3A_3 = tpu.memref_slice %arg12[%dma_start3A] : memref<5008xi32, #tpu.memory_space<vmem>> -> memref<5000xi32, #tpu.memory_space<vmem>>
    %dma_start3A_4 = tpu.memref_slice %arg3[%add3A] : memref<160000xi32, #tpu.memory_space<hbm>> -> memref<5000xi32, #tpu.memory_space<hbm>>
    %dma_start3A_5 = arith.constant 0 : i32
    %dma_start3A_6 = tpu.memref_slice %arg12[%dma_start3A_5] : memref<5008xi32, #tpu.memory_space<vmem>> -> memref<5000xi32, #tpu.memory_space<vmem>>
    %dma_start3A_7 = tpu.memref_slice %arg3[%add3A] : memref<160000xi32, #tpu.memory_space<hbm>> -> memref<5000xi32, #tpu.memory_space<hbm>>
    tpu.enqueue_dma source(%dma_start3A_7 : memref<5000xi32, #tpu.memory_space<hbm>>) target(%dma_start3A_6 : memref<5000xi32, #tpu.memory_space<vmem>>) target_semaphore(%arg34 : memref<!tpu.dma_semaphore, #tpu.memory_space<semaphore_mem>>)
    %dma_start3A_8 = arith.constant 0 : i32
    %dma_start3A_9 = tpu.memref_slice %arg11[%dma_start3A_8] : memref<5008xi32, #tpu.memory_space<vmem>> -> memref<5000xi32, #tpu.memory_space<vmem>>
    %dma_start3A_10 = tpu.memref_slice %arg4[%add3A] : memref<160000xi32, #tpu.memory_space<hbm>> -> memref<5000xi32, #tpu.memory_space<hbm>>
    %dma_start3A_11 = arith.constant 0 : i32
    %dma_start3A_12 = tpu.memref_slice %arg11[%dma_start3A_11] : memref<5008xi32, #tpu.memory_space<vmem>> -> memref<5000xi32, #tpu.memory_space<vmem>>
    %dma_start3A_13 = tpu.memref_slice %arg4[%add3A] : memref<160000xi32, #tpu.memory_space<hbm>> -> memref<5000xi32, #tpu.memory_space<hbm>>
    tpu.enqueue_dma source(%dma_start3A_13 : memref<5000xi32, #tpu.memory_space<hbm>>) target(%dma_start3A_12 : memref<5000xi32, #tpu.memory_space<vmem>>) target_semaphore(%arg34 : memref<!tpu.dma_semaphore, #tpu.memory_space<semaphore_mem>>)
    tpu.enqueue_dma source(%arg6 : memref<40x384xf32, #tpu.memory_space<hbm>>) target(%arg25 : memref<40x384xf32, #tpu.memory_space<vmem>>) target_semaphore(%arg34 : memref<!tpu.dma_semaphore, #tpu.memory_space<semaphore_mem>>)
    tpu.wait_dma2 semaphore(%arg34 : memref<!tpu.dma_semaphore, #tpu.memory_space<semaphore_mem>>) src(%arg5 : memref<10016xi32, #tpu.memory_space<hbm>>) dst(%arg10 : memref<10016xi32, #tpu.memory_space<vmem>>)
    %dma_wait3A = arith.constant 0 : i32
    %dma_wait3A_14 = tpu.memref_slice %arg12[%dma_wait3A] : memref<5008xi32, #tpu.memory_space<vmem>> -> memref<5000xi32, #tpu.memory_space<vmem>>
    %dma_wait3A_15 = tpu.memref_slice %arg3[%add3A] : memref<160000xi32, #tpu.memory_space<hbm>> -> memref<5000xi32, #tpu.memory_space<hbm>>
    %dma_wait3A_16 = arith.constant 0 : i32
    %dma_wait3A_17 = tpu.memref_slice %arg12[%dma_wait3A_16] : memref<5008xi32, #tpu.memory_space<vmem>> -> memref<5000xi32, #tpu.memory_space<vmem>>
    %dma_wait3A_18 = tpu.memref_slice %arg3[%add3A] : memref<160000xi32, #tpu.memory_space<hbm>> -> memref<5000xi32, #tpu.memory_space<hbm>>
    tpu.wait_dma2 semaphore(%arg34 : memref<!tpu.dma_semaphore, #tpu.memory_space<semaphore_mem>>) src(%dma_wait3A_18 : memref<5000xi32, #tpu.memory_space<hbm>>) dst(%dma_wait3A_17 : memref<5000xi32, #tpu.memory_space<vmem>>)
    %dma_wait3A_19 = arith.constant 0 : i32
    %dma_wait3A_20 = tpu.memref_slice %arg11[%dma_wait3A_19] : memref<5008xi32, #tpu.memory_space<vmem>> -> memref<5000xi32, #tpu.memory_space<vmem>>
    %dma_wait3A_21 = tpu.memref_slice %arg4[%add3A] : memref<160000xi32, #tpu.memory_space<hbm>> -> memref<5000xi32, #tpu.memory_space<hbm>>
    %dma_wait3A_22 = arith.constant 0 : i32
    %dma_wait3A_23 = tpu.memref_slice %arg11[%dma_wait3A_22] : memref<5008xi32, #tpu.memory_space<vmem>> -> memref<5000xi32, #tpu.memory_space<vmem>>
    %dma_wait3A_24 = tpu.memref_slice %arg4[%add3A] : memref<160000xi32, #tpu.memory_space<hbm>> -> memref<5000xi32, #tpu.memory_space<hbm>>
    tpu.wait_dma2 semaphore(%arg34 : memref<!tpu.dma_semaphore, #tpu.memory_space<semaphore_mem>>) src(%dma_wait3A_24 : memref<5000xi32, #tpu.memory_space<hbm>>) dst(%dma_wait3A_23 : memref<5000xi32, #tpu.memory_space<vmem>>)
    tpu.wait_dma2 semaphore(%arg34 : memref<!tpu.dma_semaphore, #tpu.memory_space<semaphore_mem>>) src(%arg6 : memref<40x384xf32, #tpu.memory_space<hbm>>) dst(%arg25 : memref<40x384xf32, #tpu.memory_space<vmem>>)
    %get3A = arith.constant 4992 : index
    %get3A_25 = tpu.vector_load %arg11[%get3A] {strides = array<i32>} : memref<5008xi32, #tpu.memory_space<vmem>>, vector<16xi32>,
    %lt3A = arith.constant 8 : i32
    %lt3A_26 = vector.broadcast %lt3A : i32 to vector<16xi32>
    %lt3A_27 = arith.cmpi slt, %iota3A, %lt3A_26 : vector<16xi32>
    %jit3A = arith.constant 10000 : i32
    %broadcast_in_dim3A = vector.broadcast %jit3A : i32 to vector<16xi32>
    %select_n3A = arith.select %lt3A_27, %get3A_25, %broadcast_in_dim3A : vector<16xi1>, vector<16xi32>
    %swap3A = arith.constant 4992 : index
    %swap3A_28 = tpu.vector_load %arg11[%swap3A] {strides = array<i32>} : memref<5008xi32, #tpu.memory_space<vmem>>, vector<16xi32>,
    tpu.vector_store %arg11[%swap3A], %select_n3A {strides = array<i32>} : memref<5008xi32, #tpu.memory_space<vmem>>, vector<16xi32>,
    %eq3A = arith.constant 0 : i32
    %eq3A_29 = vector.broadcast %eq3A : i32 to vector<16xi32>
    %eq3A_30 = arith.cmpi eq, %iota3A, %eq3A_29 : vector<16xi32>
    %parallel_loop3A = arith.constant 0 : i32
    %parallel_loop3A_31 = arith.constant 313 : i32
    %parallel_loop3A_32 = arith.constant 1 : i32
    scf.for %parallel_loop3A_289 = %parallel_loop3A to %parallel_loop3A_31 step %parallel_loop3A_32  : i32 {
      %parallel_loop3A_290 = arith.constant 16 : i32
      %parallel_loop3A_291 = arith.muli %parallel_loop3A_289, %parallel_loop3A_290 : i32
      %parallel_loop3A_292 = arith.index_cast %parallel_loop3A_291 : i32 to index
      %parallel_loop3A_293 = tpu.vector_load %arg11[%parallel_loop3A_292] {strides = array<i32>} : memref<5008xi32, #tpu.memory_space<vmem>>, vector<16xi32>,
      %parallel_loop3A_294 = tpu.vector_load_idx %arg10[%parallel_loop3A_293] : memref<10016xi32, #tpu.memory_space<vmem>>[vector<16xi32>], vector<16xi32>,
      %parallel_loop3A_295 = arith.constant 16 : i32
      %parallel_loop3A_296 = arith.muli %parallel_loop3A_289, %parallel_loop3A_295 : i32
      %parallel_loop3A_297 = arith.index_cast %parallel_loop3A_296 : i32 to index
      %parallel_loop3A_298 = tpu.vector_load %arg15[%parallel_loop3A_297] {strides = array<i32>} : memref<5120xi32, #tpu.memory_space<vmem>>, vector<16xi32>,
      tpu.vector_store %arg15[%parallel_loop3A_297], %parallel_loop3A_294 {strides = array<i32>} : memref<5120xi32, #tpu.memory_space<vmem>>, vector<16xi32>,
      %parallel_loop3A_299 = arith.constant 0 : i32
      %parallel_loop3A_300 = vector.broadcast %parallel_loop3A_299 : i32 to vector<16xi32>
      %parallel_loop3A_301 = arith.cmpi sge, %parallel_loop3A_294, %parallel_loop3A_300 : vector<16xi32>
      %parallel_loop3A_302 = tpu.all_reduce %parallel_loop3A_301 {dim = 0 : i64, kind = #tpu.reduction_kind<sum>} : vector<16xi1> -> vector<16xi32>
      %parallel_loop3A_303 = arith.constant 0 : i32
      %parallel_loop3A_304 = vector.broadcast %parallel_loop3A_303 : i32 to vector<16xi32>
      %parallel_loop3A_305 = vector.broadcast %parallel_loop3A_289 : i32 to vector<16xi32>
      %parallel_loop3A_306 = arith.addi %parallel_loop3A_304, %parallel_loop3A_305 : vector<16xi32>
      tpu.vector_store_idx %arg16[%parallel_loop3A_306], %parallel_loop3A_302 masked %eq3A_30 : memref<320xi32, #tpu.memory_space<vmem>>[vector<16xi32>], vector<16xi32>, vector<16xi1>
    } {sc.loop_unroll_factor = 4 : i64, sc.parallel_access}
    %get3A_33 = arith.constant 304 : index
    %get3A_34 = tpu.vector_load %arg16[%get3A_33] {strides = array<i32>} : memref<320xi32, #tpu.memory_space<vmem>>, vector<16xi32>,
    %lt3A_35 = arith.constant 9 : i32
    %lt3A_36 = vector.broadcast %lt3A_35 : i32 to vector<16xi32>
    %lt3A_37 = arith.cmpi slt, %iota3A, %lt3A_36 : vector<16xi32>
    %jit3A_38 = arith.constant 0 : i32
    %broadcast_in_dim3A_39 = vector.broadcast %jit3A_38 : i32 to vector<16xi32>
    %select_n3A_40 = arith.select %lt3A_37, %get3A_34, %broadcast_in_dim3A_39 : vector<16xi1>, vector<16xi32>
    %swap3A_41 = arith.constant 304 : index
    %swap3A_42 = tpu.vector_load %arg16[%swap3A_41] {strides = array<i32>} : memref<320xi32, #tpu.memory_space<vmem>>, vector<16xi32>,
    tpu.vector_store %arg16[%swap3A_41], %select_n3A_40 {strides = array<i32>} : memref<320xi32, #tpu.memory_space<vmem>>, vector<16xi32>,
    %scan3A = arith.constant 0 : i32
    %scan3A_43 = arith.constant 0 : i32
    %scan3A_44 = arith.constant 20 : i32
    %scan3A_45 = arith.addi %scan3A_43, %scan3A_44 : i32
    %scan3A_46 = arith.constant 1 : i32
    %scan3A_47 = scf.for %scan3A_289 = %scan3A_43 to %scan3A_45 step %scan3A_46 iter_args(%scan3A_290 = %scan3A) -> (i32)  : i32 {
      %mul3A_291 = arith.constant 16 : i32
      %mul3A_292 = arith.muli %scan3A_289, %mul3A_291 : i32
      %get3A_293 = arith.index_cast %mul3A_292 : i32 to index
      %get3A_294 = tpu.vector_load %arg16[%get3A_293] {strides = array<i32>} : memref<320xi32, #tpu.memory_space<vmem>>, vector<16xi32>,
      %broadcast_in_dim3A_295 = arith.constant true
      %broadcast_in_dim3A_296 = vector.broadcast %broadcast_in_dim3A_295 : i1 to vector<16xi1>
      %masked_cumsum3A = tpu.scan <sum>, %get3A_294 masked %broadcast_in_dim3A_296 : vector<16xi32>, vector<16xi1> -> vector<16xi32>
      %sub3A_297 = arith.subi %masked_cumsum3A, %get3A_294 : vector<16xi32>
      %add3A_298 = vector.broadcast %scan3A_290 : i32 to vector<16xi32>
      %add3A_299 = arith.addi %add3A_298, %sub3A_297 : vector<16xi32>
      %mul3A_300 = arith.constant 16 : i32
      %mul3A_301 = arith.muli %scan3A_289, %mul3A_300 : i32
      %swap3A_302 = arith.index_cast %mul3A_301 : i32 to index
      %swap3A_303 = tpu.vector_load %arg16[%swap3A_302] {strides = array<i32>} : memref<320xi32, #tpu.memory_space<vmem>>, vector<16xi32>,
      tpu.vector_store %arg16[%swap3A_302], %add3A_299 {strides = array<i32>} : memref<320xi32, #tpu.memory_space<vmem>>, vector<16xi32>,
      %slice3A = vector.extract_strided_slice %masked_cumsum3A {offsets = [15], sizes = [1], strides = [1]} : vector<16xi32> to vector<1xi32>
      %squeeze3A = vector.extract %slice3A[0] : i32 from vector<1xi32>
      %add3A_304 = arith.addi %scan3A_290, %squeeze3A : i32
      scf.yield %add3A_304 : i32
    }
    %scan3A_48 = arith.constant 20 : i32
    %parallel_loop3A_49 = arith.constant 0 : i32
    %parallel_loop3A_50 = arith.constant 313 : i32
    %parallel_loop3A_51 = arith.constant 1 : i32
    scf.for %parallel_loop3A_289 = %parallel_loop3A_49 to %parallel_loop3A_50 step %parallel_loop3A_51  : i32 {
      %parallel_loop3A_290 = arith.constant 0 : i32
      %parallel_loop3A_291 = vector.broadcast %parallel_loop3A_290 : i32 to vector<16xi32>
      %parallel_loop3A_292 = vector.broadcast %parallel_loop3A_289 : i32 to vector<16xi32>
      %parallel_loop3A_293 = arith.addi %parallel_loop3A_291, %parallel_loop3A_292 : vector<16xi32>
      %parallel_loop3A_294 = tpu.vector_load_idx %arg16[%parallel_loop3A_293] : memref<320xi32, #tpu.memory_space<vmem>>[vector<16xi32>], vector<16xi32>,
      %parallel_loop3A_295 = vector.extract_strided_slice %parallel_loop3A_294 {offsets = [0], sizes = [1], strides = [1]} : vector<16xi32> to vector<1xi32>
      %parallel_loop3A_296 = vector.extract %parallel_loop3A_295[0] : i32 from vector<1xi32>
      %parallel_loop3A_297 = arith.constant 16 : i32
      %parallel_loop3A_298 = arith.muli %parallel_loop3A_289, %parallel_loop3A_297 : i32
      %parallel_loop3A_299 = arith.index_cast %parallel_loop3A_298 : i32 to index
      %parallel_loop3A_300 = tpu.vector_load %arg15[%parallel_loop3A_299] {strides = array<i32>} : memref<5120xi32, #tpu.memory_space<vmem>>, vector<16xi32>,
      %parallel_loop3A_301 = arith.constant 16 : i32
      %parallel_loop3A_302 = arith.muli %parallel_loop3A_289, %parallel_loop3A_301 : i32
      %parallel_loop3A_303 = arith.index_cast %parallel_loop3A_302 : i32 to index
      %parallel_loop3A_304 = tpu.vector_load %arg12[%parallel_loop3A_303] {strides = array<i32>} : memref<5008xi32, #tpu.memory_space<vmem>>, vector<16xi32>,
      %parallel_loop3A_305 = arith.constant 0 : i32
      %parallel_loop3A_306 = vector.broadcast %parallel_loop3A_305 : i32 to vector<16xi32>
      %parallel_loop3A_307 = arith.cmpi sge, %parallel_loop3A_300, %parallel_loop3A_306 : vector<16xi32>
      %parallel_loop3A_308 = arith.index_cast %parallel_loop3A_296 : i32 to index
      %parallel_loop3A_309 = tpu.vector_load %arg14[%parallel_loop3A_308] masked %parallel_loop3A_307 {strides = array<i32>} : memref<5120xi32, #tpu.memory_space<vmem>>, vector<16xi32>, vector<16xi1>
      tpu.vector_store %arg14[%parallel_loop3A_308], %parallel_loop3A_300 masked %parallel_loop3A_307 {strides = array<i32>} : memref<5120xi32, #tpu.memory_space<vmem>>, vector<16xi32>, vector<16xi1>
      %parallel_loop3A_310 = arith.index_cast %parallel_loop3A_296 : i32 to index
      %parallel_loop3A_311 = tpu.vector_load %arg13[%parallel_loop3A_310] masked %parallel_loop3A_307 {strides = array<i32>} : memref<5120xi32, #tpu.memory_space<vmem>>, vector<16xi32>, vector<16xi1>
      tpu.vector_store %arg13[%parallel_loop3A_310], %parallel_loop3A_304 masked %parallel_loop3A_307 {strides = array<i32>} : memref<5120xi32, #tpu.memory_space<vmem>>, vector<16xi32>, vector<16xi1>
    } {sc.loop_unroll_factor = 4 : i64, sc.parallel_access}
    %add3A_52 = vector.broadcast %scan3A_47 : i32 to vector<16xi32>
    %add3A_53 = arith.addi %add3A_52, %iota3A : vector<16xi32>
    %broadcast_in_dim3A_54 = arith.constant 512 : i32
    %broadcast_in_dim3A_55 = vector.broadcast %broadcast_in_dim3A_54 : i32 to vector<16xi32>
    %add3A_56 = arith.constant 16 : i32
    %add3A_57 = arith.addi %scan3A_47, %add3A_56 : i32
    %sub3A = arith.constant 1 : i32
    %sub3A_58 = arith.subi %add3A_57, %sub3A : i32
    %jit3A_59 = arith.constant 16 : i32
    %div3A = arith.divsi %sub3A_58, %jit3A_59 : i32
    %sign3A = arith.constant 0 : i32
    %sign3A_60 = arith.cmpi sgt, %sub3A_58, %sign3A : i32
    %sign3A_61 = arith.extui %sign3A_60 : i1 to i32
    %sign3A_62 = arith.constant 0 : i32
    %sign3A_63 = arith.cmpi slt, %sub3A_58, %sign3A_62 : i32
    %sign3A_64 = arith.extui %sign3A_63 : i1 to i32
    %sign3A_65 = arith.subi %sign3A_61, %sign3A_64 : i32
    %sign3A_66 = arith.constant 0 : i32
    %sign3A_67 = arith.cmpi sgt, %jit3A_59, %sign3A_66 : i32
    %sign3A_68 = arith.extui %sign3A_67 : i1 to i32
    %sign3A_69 = arith.constant 0 : i32
    %sign3A_70 = arith.cmpi slt, %jit3A_59, %sign3A_69 : i32
    %sign3A_71 = arith.extui %sign3A_70 : i1 to i32
    %sign3A_72 = arith.subi %sign3A_68, %sign3A_71 : i32
    %ne3A = arith.cmpi ne, %sign3A_65, %sign3A_72 : i32
    %rem3A = arith.remsi %sub3A_58, %jit3A_59 : i32
    %ne3A_73 = arith.constant 0 : i32
    %ne3A_74 = arith.cmpi ne, %rem3A, %ne3A_73 : i32
    %and3A = arith.andi %ne3A, %ne3A_74 : i1
    %sub3A_75 = arith.constant 1 : i32
    %sub3A_76 = arith.subi %div3A, %sub3A_75 : i32
    %select_n3A_77 = arith.select %and3A, %sub3A_76, %div3A : i32
    %mul3A_78 = arith.constant 16 : i32
    %mul3A_79 = arith.muli %select_n3A_77, %mul3A_78 : i32
    %lt3A_80 = vector.broadcast %mul3A_79 : i32 to vector<16xi32>
    %lt3A_81 = arith.cmpi slt, %add3A_53, %lt3A_80 : vector<16xi32>
    tpu.vector_store_idx %arg14[%add3A_53], %broadcast_in_dim3A_55 masked %lt3A_81 : memref<5120xi32, #tpu.memory_space<vmem>>[vector<16xi32>], vector<16xi32>, vector<16xi1>
    %broadcast_in_dim3A_82 = arith.constant 0 : i32
    %broadcast_in_dim3A_83 = vector.broadcast %broadcast_in_dim3A_82 : i32 to vector<16xi32>
    %add3A_84 = vector.broadcast %scan3A_47 : i32 to vector<16xi32>
    %add3A_85 = arith.addi %broadcast_in_dim3A_83, %add3A_84 : vector<16xi32>
    %swap3A_86 = arith.constant 0 : index
    %swap3A_87 = tpu.vector_load %arg24[%swap3A_86] {strides = array<i32>} : memref<16xi32, #tpu.memory_space<vmem>>, vector<16xi32>,
    tpu.vector_store %arg24[%swap3A_86], %add3A_85 {strides = array<i32>} : memref<16xi32, #tpu.memory_space<vmem>>, vector<16xi32>,
    %mul3A_88 = arith.constant 16 : i32
    %mul3A_89 = arith.muli %arg1, %mul3A_88 : i32
    "tpu.region"() ({
      %run_scoped3A = tpu.sem_alloc : memref<!tpu.dma_semaphore, #tpu.memory_space<semaphore_mem>>
      %dma_start3A_289 = tpu.memref_slice %arg33[%mul3A_89] : memref<256xi32, #tpu.memory_space<vmem_shared>> -> memref<16xi32, #tpu.memory_space<vmem_shared>>
      %dma_start3A_290 = tpu.memref_slice %arg33[%mul3A_89] : memref<256xi32, #tpu.memory_space<vmem_shared>> -> memref<16xi32, #tpu.memory_space<vmem_shared>>
      tpu.enqueue_dma source(%arg24 : memref<16xi32, #tpu.memory_space<vmem>>) target(%dma_start3A_290 : memref<16xi32, #tpu.memory_space<vmem_shared>>) target_semaphore(%run_scoped3A : memref<!tpu.dma_semaphore, #tpu.memory_space<semaphore_mem>>)
      %dma_wait3A_291 = tpu.memref_slice %arg33[%mul3A_89] : memref<256xi32, #tpu.memory_space<vmem_shared>> -> memref<16xi32, #tpu.memory_space<vmem_shared>>
      %dma_wait3A_292 = tpu.memref_slice %arg33[%mul3A_89] : memref<256xi32, #tpu.memory_space<vmem_shared>> -> memref<16xi32, #tpu.memory_space<vmem_shared>>
      tpu.wait_dma2 semaphore(%run_scoped3A : memref<!tpu.dma_semaphore, #tpu.memory_space<semaphore_mem>>) src(%arg24 : memref<16xi32, #tpu.memory_space<vmem>>) dst(%dma_wait3A_292 : memref<16xi32, #tpu.memory_space<vmem_shared>>)
      tpu.yield
    }) : () -> ()
    %add3A_90 = arith.constant 512 : i32
    %add3A_91 = arith.addi %scan3A_47, %add3A_90 : i32
    %sub3A_92 = arith.constant 1 : i32
    %sub3A_93 = arith.subi %add3A_91, %sub3A_92 : i32
    %jit3A_94 = arith.constant 512 : i32
    %div3A_95 = arith.divsi %sub3A_93, %jit3A_94 : i32
    %sign3A_96 = arith.constant 0 : i32
    %sign3A_97 = arith.cmpi sgt, %sub3A_93, %sign3A_96 : i32
    %sign3A_98 = arith.extui %sign3A_97 : i1 to i32
    %sign3A_99 = arith.constant 0 : i32
    %sign3A_100 = arith.cmpi slt, %sub3A_93, %sign3A_99 : i32
    %sign3A_101 = arith.extui %sign3A_100 : i1 to i32
    %sign3A_102 = arith.subi %sign3A_98, %sign3A_101 : i32
    %sign3A_103 = arith.constant 0 : i32
    %sign3A_104 = arith.cmpi sgt, %jit3A_94, %sign3A_103 : i32
    %sign3A_105 = arith.extui %sign3A_104 : i1 to i32
    %sign3A_106 = arith.constant 0 : i32
    %sign3A_107 = arith.cmpi slt, %jit3A_94, %sign3A_106 : i32
    %sign3A_108 = arith.extui %sign3A_107 : i1 to i32
    %sign3A_109 = arith.subi %sign3A_105, %sign3A_108 : i32
    %ne3A_110 = arith.cmpi ne, %sign3A_102, %sign3A_109 : i32
    %rem3A_111 = arith.remsi %sub3A_93, %jit3A_94 : i32
    %ne3A_112 = arith.constant 0 : i32
    %ne3A_113 = arith.cmpi ne, %rem3A_111, %ne3A_112 : i32
    %and3A_114 = arith.andi %ne3A_110, %ne3A_113 : i1
    %sub3A_115 = arith.constant 1 : i32
    %sub3A_116 = arith.subi %div3A_95, %sub3A_115 : i32
    %select_n3A_117 = arith.select %and3A_114, %sub3A_116, %div3A_95 : i32
    %while3A = arith.constant 0 : i32
    %while3A_118 = arith.constant 0 : i32
    %while3A_119 = arith.subi %select_n3A_117, %while3A : i32
    %while3A_120 = arith.addi %while3A, %while3A_119 : i32
    %while3A_121 = arith.constant 1 : i32
    %while3A_122 = arith.divsi %while3A_119, %while3A_121 : i32
    %while3A_123 = arith.muli %while3A_122, %while3A_121 : i32
    %while3A_124 = arith.addi %while3A, %while3A_123 : i32
    %while3A_125 = arith.constant 1 : i32
    %while3A_126 = scf.for %while3A_289 = %while3A to %while3A_124 step %while3A_125 iter_args(%while3A_290 = %while3A_118) -> (i32)  : i32 {
      %mul3A_291 = arith.constant 512 : i32
      %mul3A_292 = arith.muli %while3A_289, %mul3A_291 : i32
      %multiple_of3A_293 = tpu.assume_multiple %mul3A_292, 512 : i32
      %mul3A_294 = arith.constant 5120 : i32
      %mul3A_295 = arith.muli %arg1, %mul3A_294 : i32
      %add3A_296 = arith.addi %mul3A_295, %multiple_of3A_293 : i32
      "tpu.region"() ({
        %run_scoped3A = tpu.sem_alloc : memref<!tpu.dma_semaphore, #tpu.memory_space<semaphore_mem>>
        %dma_start3A_301 = tpu.memref_slice %arg13[%multiple_of3A_293] : memref<5120xi32, #tpu.memory_space<vmem>> -> memref<512xi32, #tpu.memory_space<vmem>>
        %dma_start3A_302 = tpu.memref_slice %arg31[%add3A_296] : memref<81920xi32, #tpu.memory_space<vmem_shared>> -> memref<512xi32, #tpu.memory_space<vmem_shared>>
        %dma_start3A_303 = tpu.memref_slice %arg31[%add3A_296] : memref<81920xi32, #tpu.memory_space<vmem_shared>> -> memref<512xi32, #tpu.memory_space<vmem_shared>>
        %dma_start3A_304 = tpu.memref_slice %arg13[%multiple_of3A_293] : memref<5120xi32, #tpu.memory_space<vmem>> -> memref<512xi32, #tpu.memory_space<vmem>>
        tpu.enqueue_dma source(%dma_start3A_304 : memref<512xi32, #tpu.memory_space<vmem>>) target(%dma_start3A_303 : memref<512xi32, #tpu.memory_space<vmem_shared>>) target_semaphore(%run_scoped3A : memref<!tpu.dma_semaphore, #tpu.memory_space<semaphore_mem>>)
        %dma_wait3A_305 = tpu.memref_slice %arg13[%multiple_of3A_293] : memref<5120xi32, #tpu.memory_space<vmem>> -> memref<512xi32, #tpu.memory_space<vmem>>
        %dma_wait3A_306 = tpu.memref_slice %arg31[%add3A_296] : memref<81920xi32, #tpu.memory_space<vmem_shared>> -> memref<512xi32, #tpu.memory_space<vmem_shared>>
        %dma_wait3A_307 = tpu.memref_slice %arg31[%add3A_296] : memref<81920xi32, #tpu.memory_space<vmem_shared>> -> memref<512xi32, #tpu.memory_space<vmem_shared>>
        %dma_wait3A_308 = tpu.memref_slice %arg13[%multiple_of3A_293] : memref<5120xi32, #tpu.memory_space<vmem>> -> memref<512xi32, #tpu.memory_space<vmem>>
        tpu.wait_dma2 semaphore(%run_scoped3A : memref<!tpu.dma_semaphore, #tpu.memory_space<semaphore_mem>>) src(%dma_wait3A_308 : memref<512xi32, #tpu.memory_space<vmem>>) dst(%dma_wait3A_307 : memref<512xi32, #tpu.memory_space<vmem_shared>>)
        tpu.yield
      }) : () -> ()
      %mul3A_297 = arith.constant 5120 : i32
      %mul3A_298 = arith.muli %arg1, %mul3A_297 : i32
      %add3A_299 = arith.addi %mul3A_298, %multiple_of3A_293 : i32
      "tpu.region"() ({
        %run_scoped3A = tpu.sem_alloc : memref<!tpu.dma_semaphore, #tpu.memory_space<semaphore_mem>>
        %dma_start3A_301 = tpu.memref_slice %arg14[%multiple_of3A_293] : memref<5120xi32, #tpu.memory_space<vmem>> -> memref<512xi32, #tpu.memory_space<vmem>>
        %dma_start3A_302 = tpu.memref_slice %arg32[%add3A_299] : memref<81920xi32, #tpu.memory_space<vmem_shared>> -> memref<512xi32, #tpu.memory_space<vmem_shared>>
        %dma_start3A_303 = tpu.memref_slice %arg32[%add3A_299] : memref<81920xi32, #tpu.memory_space<vmem_shared>> -> memref<512xi32, #tpu.memory_space<vmem_shared>>
        %dma_start3A_304 = tpu.memref_slice %arg14[%multiple_of3A_293] : memref<5120xi32, #tpu.memory_space<vmem>> -> memref<512xi32, #tpu.memory_space<vmem>>
        tpu.enqueue_dma source(%dma_start3A_304 : memref<512xi32, #tpu.memory_space<vmem>>) target(%dma_start3A_303 : memref<512xi32, #tpu.memory_space<vmem_shared>>) target_semaphore(%run_scoped3A : memref<!tpu.dma_semaphore, #tpu.memory_space<semaphore_mem>>)
        %dma_wait3A_305 = tpu.memref_slice %arg14[%multiple_of3A_293] : memref<5120xi32, #tpu.memory_space<vmem>> -> memref<512xi32, #tpu.memory_space<vmem>>
        %dma_wait3A_306 = tpu.memref_slice %arg32[%add3A_299] : memref<81920xi32, #tpu.memory_space<vmem_shared>> -> memref<512xi32, #tpu.memory_space<vmem_shared>>
        %dma_wait3A_307 = tpu.memref_slice %arg32[%add3A_299] : memref<81920xi32, #tpu.memory_space<vmem_shared>> -> memref<512xi32, #tpu.memory_space<vmem_shared>>
        %dma_wait3A_308 = tpu.memref_slice %arg14[%multiple_of3A_293] : memref<5120xi32, #tpu.memory_space<vmem>> -> memref<512xi32, #tpu.memory_space<vmem>>
        tpu.wait_dma2 semaphore(%run_scoped3A : memref<!tpu.dma_semaphore, #tpu.memory_space<semaphore_mem>>) src(%dma_wait3A_308 : memref<512xi32, #tpu.memory_space<vmem>>) dst(%dma_wait3A_307 : memref<512xi32, #tpu.memory_space<vmem_shared>>)
        tpu.yield
      }) : () -> ()
      %while3A_300 = arith.constant 0 : i32
      scf.yield %while3A_300 : i32
    }
    %while3A_127 = arith.constant 1 : i32
    %while3A_128 = scf.for %while3A_289 = %while3A_124 to %while3A_120 step %while3A_127 iter_args(%while3A_290 = %while3A_126) -> (i32)  : i32 {
      %mul3A_291 = arith.constant 512 : i32
      %mul3A_292 = arith.muli %while3A_289, %mul3A_291 : i32
      %multiple_of3A_293 = tpu.assume_multiple %mul3A_292, 512 : i32
      %mul3A_294 = arith.constant 5120 : i32
      %mul3A_295 = arith.muli %arg1, %mul3A_294 : i32
      %add3A_296 = arith.addi %mul3A_295, %multiple_of3A_293 : i32
      "tpu.region"() ({
        %run_scoped3A = tpu.sem_alloc : memref<!tpu.dma_semaphore, #tpu.memory_space<semaphore_mem>>
        %dma_start3A_301 = tpu.memref_slice %arg13[%multiple_of3A_293] : memref<5120xi32, #tpu.memory_space<vmem>> -> memref<512xi32, #tpu.memory_space<vmem>>
        %dma_start3A_302 = tpu.memref_slice %arg31[%add3A_296] : memref<81920xi32, #tpu.memory_space<vmem_shared>> -> memref<512xi32, #tpu.memory_space<vmem_shared>>
        %dma_start3A_303 = tpu.memref_slice %arg31[%add3A_296] : memref<81920xi32, #tpu.memory_space<vmem_shared>> -> memref<512xi32, #tpu.memory_space<vmem_shared>>
        %dma_start3A_304 = tpu.memref_slice %arg13[%multiple_of3A_293] : memref<5120xi32, #tpu.memory_space<vmem>> -> memref<512xi32, #tpu.memory_space<vmem>>
        tpu.enqueue_dma source(%dma_start3A_304 : memref<512xi32, #tpu.memory_space<vmem>>) target(%dma_start3A_303 : memref<512xi32, #tpu.memory_space<vmem_shared>>) target_semaphore(%run_scoped3A : memref<!tpu.dma_semaphore, #tpu.memory_space<semaphore_mem>>)
        %dma_wait3A_305 = tpu.memref_slice %arg13[%multiple_of3A_293] : memref<5120xi32, #tpu.memory_space<vmem>> -> memref<512xi32, #tpu.memory_space<vmem>>
        %dma_wait3A_306 = tpu.memref_slice %arg31[%add3A_296] : memref<81920xi32, #tpu.memory_space<vmem_shared>> -> memref<512xi32, #tpu.memory_space<vmem_shared>>
        %dma_wait3A_307 = tpu.memref_slice %arg31[%add3A_296] : memref<81920xi32, #tpu.memory_space<vmem_shared>> -> memref<512xi32, #tpu.memory_space<vmem_shared>>
        %dma_wait3A_308 = tpu.memref_slice %arg13[%multiple_of3A_293] : memref<5120xi32, #tpu.memory_space<vmem>> -> memref<512xi32, #tpu.memory_space<vmem>>
        tpu.wait_dma2 semaphore(%run_scoped3A : memref<!tpu.dma_semaphore, #tpu.memory_space<semaphore_mem>>) src(%dma_wait3A_308 : memref<512xi32, #tpu.memory_space<vmem>>) dst(%dma_wait3A_307 : memref<512xi32, #tpu.memory_space<vmem_shared>>)
        tpu.yield
      }) : () -> ()
      %mul3A_297 = arith.constant 5120 : i32
      %mul3A_298 = arith.muli %arg1, %mul3A_297 : i32
      %add3A_299 = arith.addi %mul3A_298, %multiple_of3A_293 : i32
      "tpu.region"() ({
        %run_scoped3A = tpu.sem_alloc : memref<!tpu.dma_semaphore, #tpu.memory_space<semaphore_mem>>
        %dma_start3A_301 = tpu.memref_slice %arg14[%multiple_of3A_293] : memref<5120xi32, #tpu.memory_space<vmem>> -> memref<512xi32, #tpu.memory_space<vmem>>
        %dma_start3A_302 = tpu.memref_slice %arg32[%add3A_299] : memref<81920xi32, #tpu.memory_space<vmem_shared>> -> memref<512xi32, #tpu.memory_space<vmem_shared>>
        %dma_start3A_303 = tpu.memref_slice %arg32[%add3A_299] : memref<81920xi32, #tpu.memory_space<vmem_shared>> -> memref<512xi32, #tpu.memory_space<vmem_shared>>
        %dma_start3A_304 = tpu.memref_slice %arg14[%multiple_of3A_293] : memref<5120xi32, #tpu.memory_space<vmem>> -> memref<512xi32, #tpu.memory_space<vmem>>
        tpu.enqueue_dma source(%dma_start3A_304 : memref<512xi32, #tpu.memory_space<vmem>>) target(%dma_start3A_303 : memref<512xi32, #tpu.memory_space<vmem_shared>>) target_semaphore(%run_scoped3A : memref<!tpu.dma_semaphore, #tpu.memory_space<semaphore_mem>>)
        %dma_wait3A_305 = tpu.memref_slice %arg14[%multiple_of3A_293] : memref<5120xi32, #tpu.memory_space<vmem>> -> memref<512xi32, #tpu.memory_space<vmem>>
        %dma_wait3A_306 = tpu.memref_slice %arg32[%add3A_299] : memref<81920xi32, #tpu.memory_space<vmem_shared>> -> memref<512xi32, #tpu.memory_space<vmem_shared>>
        %dma_wait3A_307 = tpu.memref_slice %arg32[%add3A_299] : memref<81920xi32, #tpu.memory_space<vmem_shared>> -> memref<512xi32, #tpu.memory_space<vmem_shared>>
        %dma_wait3A_308 = tpu.memref_slice %arg14[%multiple_of3A_293] : memref<5120xi32, #tpu.memory_space<vmem>> -> memref<512xi32, #tpu.memory_space<vmem>>
        tpu.wait_dma2 semaphore(%run_scoped3A : memref<!tpu.dma_semaphore, #tpu.memory_space<semaphore_mem>>) src(%dma_wait3A_308 : memref<512xi32, #tpu.memory_space<vmem>>) dst(%dma_wait3A_307 : memref<512xi32, #tpu.memory_space<vmem_shared>>)
        tpu.yield
      }) : () -> ()
      %while3A_300 = arith.constant 0 : i32
      scf.yield %while3A_300 : i32
    }
    %barrier3A = arith.constant 0 : index
    tpu.barrier barrier_id(%barrier3A)
    %mul3A_129 = arith.constant 32 : i32
    %mul3A_130 = arith.muli %arg1, %mul3A_129 : i32
    "tpu.region"() ({
      %run_scoped3A = tpu.sem_alloc : memref<!tpu.dma_semaphore, #tpu.memory_space<semaphore_mem>>
      tpu.enqueue_dma source(%arg33 : memref<256xi32, #tpu.memory_space<vmem_shared>>) target(%arg23 : memref<256xi32, #tpu.memory_space<vmem>>) target_semaphore(%run_scoped3A : memref<!tpu.dma_semaphore, #tpu.memory_space<semaphore_mem>>)
      tpu.wait_dma2 semaphore(%run_scoped3A : memref<!tpu.dma_semaphore, #tpu.memory_space<semaphore_mem>>) src(%arg33 : memref<256xi32, #tpu.memory_space<vmem_shared>>) dst(%arg23 : memref<256xi32, #tpu.memory_space<vmem>>)
      tpu.yield
    }) : () -> ()
    %broadcast_in_dim3A_131 = arith.constant 1.000000e+00 : f32
    %broadcast_in_dim3A_132 = vector.broadcast %broadcast_in_dim3A_131 : f32 to vector<16xf32>
    %mul3A_133 = arith.constant 0 : i32
    %mul3A_134 = arith.constant 5120 : i32
    %mul3A_135 = arith.muli %mul3A_133, %mul3A_134 : i32
    %multiple_of3A = tpu.assume_multiple %mul3A_135, 512 : i32
    %mul3A_136 = arith.constant 0 : i32
    %mul3A_137 = arith.constant 512 : i32
    %mul3A_138 = arith.muli %mul3A_136, %mul3A_137 : i32
    %multiple_of3A_139 = tpu.assume_multiple %mul3A_138, 512 : i32
    %dma_start3A_140 = tpu.memref_slice %arg17[%multiple_of3A_139] : memref<1024xi32, #tpu.memory_space<vmem>> -> memref<512xi32, #tpu.memory_space<vmem>>
    %dma_start3A_141 = tpu.memref_slice %arg31[%multiple_of3A] : memref<81920xi32, #tpu.memory_space<vmem_shared>> -> memref<512xi32, #tpu.memory_space<vmem_shared>>
    %dma_start3A_142 = tpu.memref_slice %arg17[%multiple_of3A_139] : memref<1024xi32, #tpu.memory_space<vmem>> -> memref<512xi32, #tpu.memory_space<vmem>>
    %dma_start3A_143 = tpu.memref_slice %arg31[%multiple_of3A] : memref<81920xi32, #tpu.memory_space<vmem_shared>> -> memref<512xi32, #tpu.memory_space<vmem_shared>>
    tpu.enqueue_dma source(%dma_start3A_143 : memref<512xi32, #tpu.memory_space<vmem_shared>>) target(%dma_start3A_142 : memref<512xi32, #tpu.memory_space<vmem>>) target_semaphore(%arg35 : memref<!tpu.dma_semaphore, #tpu.memory_space<semaphore_mem>>)
    %dma_start3A_144 = tpu.memref_slice %arg18[%multiple_of3A_139] : memref<1024xi32, #tpu.memory_space<vmem>> -> memref<512xi32, #tpu.memory_space<vmem>>
    %dma_start3A_145 = tpu.memref_slice %arg32[%multiple_of3A] : memref<81920xi32, #tpu.memory_space<vmem_shared>> -> memref<512xi32, #tpu.memory_space<vmem_shared>>
    %dma_start3A_146 = tpu.memref_slice %arg18[%multiple_of3A_139] : memref<1024xi32, #tpu.memory_space<vmem>> -> memref<512xi32, #tpu.memory_space<vmem>>
    %dma_start3A_147 = tpu.memref_slice %arg32[%multiple_of3A] : memref<81920xi32, #tpu.memory_space<vmem_shared>> -> memref<512xi32, #tpu.memory_space<vmem_shared>>
    tpu.enqueue_dma source(%dma_start3A_147 : memref<512xi32, #tpu.memory_space<vmem_shared>>) target(%dma_start3A_146 : memref<512xi32, #tpu.memory_space<vmem>>) target_semaphore(%arg35 : memref<!tpu.dma_semaphore, #tpu.memory_space<semaphore_mem>>)
    %scan3A_148 = arith.constant 0 : i32
    %scan3A_149 = arith.constant 0 : i32
    %scan3A_150 = arith.constant 16 : i32
    %scan3A_151 = arith.addi %scan3A_149, %scan3A_150 : i32
    %scan3A_152 = arith.constant 1 : i32
    %scan3A_153 = scf.for %scan3A_289 = %scan3A_149 to %scan3A_151 step %scan3A_152 iter_args(%scan3A_290 = %scan3A_148) -> (i32)  : i32 {
      %mul3A_291 = arith.constant 16 : i32
      %mul3A_292 = arith.muli %scan3A_289, %mul3A_291 : i32
      %get3A_293 = arith.index_cast %mul3A_292 : i32 to index
      %get3A_294 = tpu.vector_load %arg23[%get3A_293] {strides = array<i32>} : memref<256xi32, #tpu.memory_space<vmem>>, vector<16xi32>,
      %slice3A = vector.extract_strided_slice %get3A_294 {offsets = [0], sizes = [1], strides = [1]} : vector<16xi32> to vector<1xi32>
      %squeeze3A = vector.extract %slice3A[0] : i32 from vector<1xi32>
      %add3A_295 = arith.constant 512 : i32
      %add3A_296 = arith.addi %squeeze3A, %add3A_295 : i32
      %sub3A_297 = arith.constant 1 : i32
      %sub3A_298 = arith.subi %add3A_296, %sub3A_297 : i32
      %jit3A_299 = arith.constant 512 : i32
      %div3A_300 = arith.divsi %sub3A_298, %jit3A_299 : i32
      %sign3A_301 = arith.constant 0 : i32
      %sign3A_302 = arith.cmpi sgt, %sub3A_298, %sign3A_301 : i32
      %sign3A_303 = arith.extui %sign3A_302 : i1 to i32
      %sign3A_304 = arith.constant 0 : i32
      %sign3A_305 = arith.cmpi slt, %sub3A_298, %sign3A_304 : i32
      %sign3A_306 = arith.extui %sign3A_305 : i1 to i32
      %sign3A_307 = arith.subi %sign3A_303, %sign3A_306 : i32
      %sign3A_308 = arith.constant 0 : i32
      %sign3A_309 = arith.cmpi sgt, %jit3A_299, %sign3A_308 : i32
      %sign3A_310 = arith.extui %sign3A_309 : i1 to i32
      %sign3A_311 = arith.constant 0 : i32
      %sign3A_312 = arith.cmpi slt, %jit3A_299, %sign3A_311 : i32
      %sign3A_313 = arith.extui %sign3A_312 : i1 to i32
      %sign3A_314 = arith.subi %sign3A_310, %sign3A_313 : i32
      %ne3A_315 = arith.cmpi ne, %sign3A_307, %sign3A_314 : i32
      %rem3A_316 = arith.remsi %sub3A_298, %jit3A_299 : i32
      %ne3A_317 = arith.constant 0 : i32
      %ne3A_318 = arith.cmpi ne, %rem3A_316, %ne3A_317 : i32
      %and3A_319 = arith.andi %ne3A_315, %ne3A_318 : i1
      %sub3A_320 = arith.constant 1 : i32
      %sub3A_321 = arith.subi %div3A_300, %sub3A_320 : i32
      %select_n3A_322 = arith.select %and3A_319, %sub3A_321, %div3A_300 : i32
      %rem3A_323 = arith.constant 2 : i32
      %rem3A_324 = arith.remsi %scan3A_289, %rem3A_323 : i32
      %dma_wait3A_325 = arith.constant 0 : i32
      %dma_wait3A_326 = tpu.memref_slice %arg17[%dma_wait3A_325] : memref<1024xi32, #tpu.memory_space<vmem>> -> memref<512xi32, #tpu.memory_space<vmem>>
      %dma_wait3A_327 = arith.constant 0 : i32
      %dma_wait3A_328 = tpu.memref_slice %arg31[%dma_wait3A_327] : memref<81920xi32, #tpu.memory_space<vmem_shared>> -> memref<512xi32, #tpu.memory_space<vmem_shared>>
      %dma_wait3A_329 = arith.constant 0 : i32
      %dma_wait3A_330 = tpu.memref_slice %arg17[%dma_wait3A_329] : memref<1024xi32, #tpu.memory_space<vmem>> -> memref<512xi32, #tpu.memory_space<vmem>>
      %dma_wait3A_331 = arith.constant 0 : i32
      %dma_wait3A_332 = tpu.memref_slice %arg31[%dma_wait3A_331] : memref<81920xi32, #tpu.memory_space<vmem_shared>> -> memref<512xi32, #tpu.memory_space<vmem_shared>>
      tpu.wait_dma2 semaphore(%arg35 : memref<!tpu.dma_semaphore, #tpu.memory_space<semaphore_mem>>) src(%dma_wait3A_332 : memref<512xi32, #tpu.memory_space<vmem_shared>>) dst(%dma_wait3A_330 : memref<512xi32, #tpu.memory_space<vmem>>)
      %dma_wait3A_333 = arith.constant 0 : i32
      %dma_wait3A_334 = tpu.memref_slice %arg18[%dma_wait3A_333] : memref<1024xi32, #tpu.memory_space<vmem>> -> memref<512xi32, #tpu.memory_space<vmem>>
      %dma_wait3A_335 = arith.constant 0 : i32
      %dma_wait3A_336 = tpu.memref_slice %arg32[%dma_wait3A_335] : memref<81920xi32, #tpu.memory_space<vmem_shared>> -> memref<512xi32, #tpu.memory_space<vmem_shared>>
      %dma_wait3A_337 = arith.constant 0 : i32
      %dma_wait3A_338 = tpu.memref_slice %arg18[%dma_wait3A_337] : memref<1024xi32, #tpu.memory_space<vmem>> -> memref<512xi32, #tpu.memory_space<vmem>>
      %dma_wait3A_339 = arith.constant 0 : i32
      %dma_wait3A_340 = tpu.memref_slice %arg32[%dma_wait3A_339] : memref<81920xi32, #tpu.memory_space<vmem_shared>> -> memref<512xi32, #tpu.memory_space<vmem_shared>>
      tpu.wait_dma2 semaphore(%arg35 : memref<!tpu.dma_semaphore, #tpu.memory_space<semaphore_mem>>) src(%dma_wait3A_340 : memref<512xi32, #tpu.memory_space<vmem_shared>>) dst(%dma_wait3A_338 : memref<512xi32, #tpu.memory_space<vmem>>)
      %add3A_341 = arith.constant 1 : i32
      %add3A_342 = arith.addi %scan3A_289, %add3A_341 : i32
      %min3A = arith.constant 15 : i32
      %min3A_343 = arith.minsi %add3A_342, %min3A : i32
      %add3A_344 = arith.constant 1 : i32
      %add3A_345 = arith.addi %scan3A_289, %add3A_344 : i32
      %rem3A_346 = arith.constant 2 : i32
      %rem3A_347 = arith.remsi %add3A_345, %rem3A_346 : i32
      %mul3A_348 = arith.constant 5120 : i32
      %mul3A_349 = arith.muli %min3A_343, %mul3A_348 : i32
      %multiple_of3A_350 = tpu.assume_multiple %mul3A_349, 512 : i32
      %mul3A_351 = arith.constant 512 : i32
      %mul3A_352 = arith.muli %rem3A_347, %mul3A_351 : i32
      %multiple_of3A_353 = tpu.assume_multiple %mul3A_352, 512 : i32
      %dma_start3A_354 = tpu.memref_slice %arg17[%multiple_of3A_353] : memref<1024xi32, #tpu.memory_space<vmem>> -> memref<512xi32, #tpu.memory_space<vmem>>
      %dma_start3A_355 = tpu.memref_slice %arg31[%multiple_of3A_350] : memref<81920xi32, #tpu.memory_space<vmem_shared>> -> memref<512xi32, #tpu.memory_space<vmem_shared>>
      %dma_start3A_356 = tpu.memref_slice %arg17[%multiple_of3A_353] : memref<1024xi32, #tpu.memory_space<vmem>> -> memref<512xi32, #tpu.memory_space<vmem>>
      %dma_start3A_357 = tpu.memref_slice %arg31[%multiple_of3A_350] : memref<81920xi32, #tpu.memory_space<vmem_shared>> -> memref<512xi32, #tpu.memory_space<vmem_shared>>
      tpu.enqueue_dma source(%dma_start3A_357 : memref<512xi32, #tpu.memory_space<vmem_shared>>) target(%dma_start3A_356 : memref<512xi32, #tpu.memory_space<vmem>>) target_semaphore(%arg35 : memref<!tpu.dma_semaphore, #tpu.memory_space<semaphore_mem>>)
      %dma_start3A_358 = tpu.memref_slice %arg18[%multiple_of3A_353] : memref<1024xi32, #tpu.memory_space<vmem>> -> memref<512xi32, #tpu.memory_space<vmem>>
      %dma_start3A_359 = tpu.memref_slice %arg32[%multiple_of3A_350] : memref<81920xi32, #tpu.memory_space<vmem_shared>> -> memref<512xi32, #tpu.memory_space<vmem_shared>>
      %dma_start3A_360 = tpu.memref_slice %arg18[%multiple_of3A_353] : memref<1024xi32, #tpu.memory_space<vmem>> -> memref<512xi32, #tpu.memory_space<vmem>>
      %dma_start3A_361 = tpu.memref_slice %arg32[%multiple_of3A_350] : memref<81920xi32, #tpu.memory_space<vmem_shared>> -> memref<512xi32, #tpu.memory_space<vmem_shared>>
      tpu.enqueue_dma source(%dma_start3A_361 : memref<512xi32, #tpu.memory_space<vmem_shared>>) target(%dma_start3A_360 : memref<512xi32, #tpu.memory_space<vmem>>) target_semaphore(%arg35 : memref<!tpu.dma_semaphore, #tpu.memory_space<semaphore_mem>>)
      %mul3A_362 = arith.constant 512 : i32
      %mul3A_363 = arith.muli %rem3A_324, %mul3A_362 : i32
      %multiple_of3A_364 = tpu.assume_multiple %mul3A_363, 512 : i32
      %while3A_365 = arith.constant 0 : i32
      %while3A_366 = arith.subi %select_n3A_322, %while3A_365 : i32
      %while3A_367 = arith.addi %while3A_365, %while3A_366 : i32
      %while3A_368 = arith.constant 1 : i32
      %while3A_369 = arith.divsi %while3A_366, %while3A_368 : i32
      %while3A_370 = arith.muli %while3A_369, %while3A_368 : i32
      %while3A_371 = arith.addi %while3A_365, %while3A_370 : i32
      %while3A_372 = arith.constant 1 : i32
      %while3A_373 = scf.for %while3A_376 = %while3A_365 to %while3A_371 step %while3A_372 iter_args(%while3A_377 = %scan3A_290) -> (i32)  : i32 {
        %gt3A = arith.constant 0 : i32
        %gt3A_378 = arith.cmpi sgt, %while3A_376, %gt3A : i32
        %convert_element_type3A = arith.extui %gt3A_378 : i1 to i32
        %cond3A = arith.constant 0 : i32
        %cond3A_379 = arith.cmpi ne, %convert_element_type3A, %cond3A : i32
        scf.if %cond3A_379 {
          %mul3A_562 = arith.constant 5120 : i32
          %mul3A_563 = arith.muli %scan3A_289, %mul3A_562 : i32
          %mul3A_564 = arith.constant 512 : i32
          %mul3A_565 = arith.muli %while3A_376, %mul3A_564 : i32
          %add3A_566 = arith.addi %mul3A_563, %mul3A_565 : i32
          %multiple_of3A_567 = tpu.assume_multiple %add3A_566, 512 : i32
          "tpu.region"() ({
            %run_scoped3A = tpu.sem_alloc : memref<!tpu.dma_semaphore, #tpu.memory_space<semaphore_mem>>
            %dma_start3A_568 = tpu.memref_slice %arg17[%multiple_of3A_364] : memref<1024xi32, #tpu.memory_space<vmem>> -> memref<512xi32, #tpu.memory_space<vmem>>
            %dma_start3A_569 = tpu.memref_slice %arg31[%multiple_of3A_567] : memref<81920xi32, #tpu.memory_space<vmem_shared>> -> memref<512xi32, #tpu.memory_space<vmem_shared>>
            %dma_start3A_570 = tpu.memref_slice %arg17[%multiple_of3A_364] : memref<1024xi32, #tpu.memory_space<vmem>> -> memref<512xi32, #tpu.memory_space<vmem>>
            %dma_start3A_571 = tpu.memref_slice %arg31[%multiple_of3A_567] : memref<81920xi32, #tpu.memory_space<vmem_shared>> -> memref<512xi32, #tpu.memory_space<vmem_shared>>
            tpu.enqueue_dma source(%dma_start3A_571 : memref<512xi32, #tpu.memory_space<vmem_shared>>) target(%dma_start3A_570 : memref<512xi32, #tpu.memory_space<vmem>>) target_semaphore(%run_scoped3A : memref<!tpu.dma_semaphore, #tpu.memory_space<semaphore_mem>>)
            %dma_wait3A_572 = tpu.memref_slice %arg17[%multiple_of3A_364] : memref<1024xi32, #tpu.memory_space<vmem>> -> memref<512xi32, #tpu.memory_space<vmem>>
            %dma_wait3A_573 = tpu.memref_slice %arg31[%multiple_of3A_567] : memref<81920xi32, #tpu.memory_space<vmem_shared>> -> memref<512xi32, #tpu.memory_space<vmem_shared>>
            %dma_wait3A_574 = tpu.memref_slice %arg17[%multiple_of3A_364] : memref<1024xi32, #tpu.memory_space<vmem>> -> memref<512xi32, #tpu.memory_space<vmem>>
            %dma_wait3A_575 = tpu.memref_slice %arg31[%multiple_of3A_567] : memref<81920xi32, #tpu.memory_space<vmem_shared>> -> memref<512xi32, #tpu.memory_space<vmem_shared>>
            tpu.wait_dma2 semaphore(%run_scoped3A : memref<!tpu.dma_semaphore, #tpu.memory_space<semaphore_mem>>) src(%dma_wait3A_575 : memref<512xi32, #tpu.memory_space<vmem_shared>>) dst(%dma_wait3A_574 : memref<512xi32, #tpu.memory_space<vmem>>)
            tpu.yield
          }) : () -> ()
          "tpu.region"() ({
            %run_scoped3A = tpu.sem_alloc : memref<!tpu.dma_semaphore, #tpu.memory_space<semaphore_mem>>
            %dma_start3A_568 = tpu.memref_slice %arg18[%multiple_of3A_364] : memref<1024xi32, #tpu.memory_space<vmem>> -> memref<512xi32, #tpu.memory_space<vmem>>
            %dma_start3A_569 = tpu.memref_slice %arg32[%multiple_of3A_567] : memref<81920xi32, #tpu.memory_space<vmem_shared>> -> memref<512xi32, #tpu.memory_space<vmem_shared>>
            %dma_start3A_570 = tpu.memref_slice %arg18[%multiple_of3A_364] : memref<1024xi32, #tpu.memory_space<vmem>> -> memref<512xi32, #tpu.memory_space<vmem>>
            %dma_start3A_571 = tpu.memref_slice %arg32[%multiple_of3A_567] : memref<81920xi32, #tpu.memory_space<vmem_shared>> -> memref<512xi32, #tpu.memory_space<vmem_shared>>
            tpu.enqueue_dma source(%dma_start3A_571 : memref<512xi32, #tpu.memory_space<vmem_shared>>) target(%dma_start3A_570 : memref<512xi32, #tpu.memory_space<vmem>>) target_semaphore(%run_scoped3A : memref<!tpu.dma_semaphore, #tpu.memory_space<semaphore_mem>>)
            %dma_wait3A_572 = tpu.memref_slice %arg18[%multiple_of3A_364] : memref<1024xi32, #tpu.memory_space<vmem>> -> memref<512xi32, #tpu.memory_space<vmem>>
            %dma_wait3A_573 = tpu.memref_slice %arg32[%multiple_of3A_567] : memref<81920xi32, #tpu.memory_space<vmem_shared>> -> memref<512xi32, #tpu.memory_space<vmem_shared>>
            %dma_wait3A_574 = tpu.memref_slice %arg18[%multiple_of3A_364] : memref<1024xi32, #tpu.memory_space<vmem>> -> memref<512xi32, #tpu.memory_space<vmem>>
            %dma_wait3A_575 = tpu.memref_slice %arg32[%multiple_of3A_567] : memref<81920xi32, #tpu.memory_space<vmem_shared>> -> memref<512xi32, #tpu.memory_space<vmem_shared>>
            tpu.wait_dma2 semaphore(%run_scoped3A : memref<!tpu.dma_semaphore, #tpu.memory_space<semaphore_mem>>) src(%dma_wait3A_575 : memref<512xi32, #tpu.memory_space<vmem_shared>>) dst(%dma_wait3A_574 : memref<512xi32, #tpu.memory_space<vmem>>)
            tpu.yield
          }) : () -> ()
        } else {
        }
        %mul3A_380 = arith.constant 512 : i32
        %mul3A_381 = arith.muli %while3A_376, %mul3A_380 : i32
        %sub3A_382 = arith.subi %squeeze3A, %mul3A_381 : i32
        %min3A_383 = arith.constant 512 : i32
        %min3A_384 = arith.minsi %sub3A_382, %min3A_383 : i32
        %add3A_385 = arith.constant 16 : i32
        %add3A_386 = arith.addi %min3A_384, %add3A_385 : i32
        %sub3A_387 = arith.constant 1 : i32
        %sub3A_388 = arith.subi %add3A_386, %sub3A_387 : i32
        %jit3A_389 = arith.constant 16 : i32
        %div3A_390 = arith.divsi %sub3A_388, %jit3A_389 : i32
        %sign3A_391 = arith.constant 0 : i32
        %sign3A_392 = arith.cmpi sgt, %sub3A_388, %sign3A_391 : i32
        %sign3A_393 = arith.extui %sign3A_392 : i1 to i32
        %sign3A_394 = arith.constant 0 : i32
        %sign3A_395 = arith.cmpi slt, %sub3A_388, %sign3A_394 : i32
        %sign3A_396 = arith.extui %sign3A_395 : i1 to i32
        %sign3A_397 = arith.subi %sign3A_393, %sign3A_396 : i32
        %sign3A_398 = arith.constant 0 : i32
        %sign3A_399 = arith.cmpi sgt, %jit3A_389, %sign3A_398 : i32
        %sign3A_400 = arith.extui %sign3A_399 : i1 to i32
        %sign3A_401 = arith.constant 0 : i32
        %sign3A_402 = arith.cmpi slt, %jit3A_389, %sign3A_401 : i32
        %sign3A_403 = arith.extui %sign3A_402 : i1 to i32
        %sign3A_404 = arith.subi %sign3A_400, %sign3A_403 : i32
        %ne3A_405 = arith.cmpi ne, %sign3A_397, %sign3A_404 : i32
        %rem3A_406 = arith.remsi %sub3A_388, %jit3A_389 : i32
        %ne3A_407 = arith.constant 0 : i32
        %ne3A_408 = arith.cmpi ne, %rem3A_406, %ne3A_407 : i32
        %and3A_409 = arith.andi %ne3A_405, %ne3A_408 : i1
        %sub3A_410 = arith.constant 1 : i32
        %sub3A_411 = arith.subi %div3A_390, %sub3A_410 : i32
        %select_n3A_412 = arith.select %and3A_409, %sub3A_411, %div3A_390 : i32
        %while3A_413 = arith.constant 0 : i32
        %while3A_414 = arith.subi %select_n3A_412, %while3A_413 : i32
        %while3A_415 = arith.addi %while3A_413, %while3A_414 : i32
        %while3A_416 = arith.constant 1 : i32
        %while3A_417 = arith.divsi %while3A_414, %while3A_416 : i32
        %while3A_418 = arith.muli %while3A_417, %while3A_416 : i32
        %while3A_419 = arith.addi %while3A_413, %while3A_418 : i32
        %while3A_420 = arith.constant 1 : i32
        %while3A_421 = scf.for %while3A_562 = %while3A_413 to %while3A_419 step %while3A_420 iter_args(%while3A_563 = %while3A_377) -> (i32)  : i32 {
          %mul3A_564 = arith.constant 16 : i32
          %mul3A_565 = arith.muli %while3A_562, %mul3A_564 : i32
          %add3A_566 = arith.addi %multiple_of3A_364, %mul3A_565 : i32
          %get3A_567 = arith.index_cast %add3A_566 : i32 to index
          %get3A_568 = tpu.vector_load %arg18[%get3A_567] {strides = array<i32>} : memref<1024xi32, #tpu.memory_space<vmem>>, vector<16xi32>,
          %mul3A_569 = arith.constant 16 : i32
          %mul3A_570 = arith.muli %while3A_562, %mul3A_569 : i32
          %add3A_571 = arith.addi %multiple_of3A_364, %mul3A_570 : i32
          %get3A_572 = arith.index_cast %add3A_571 : i32 to index
          %get3A_573 = tpu.vector_load %arg17[%get3A_572] {strides = array<i32>} : memref<1024xi32, #tpu.memory_space<vmem>>, vector<16xi32>,
          %ge3A = vector.broadcast %mul3A_130 : i32 to vector<16xi32>
          %ge3A_574 = arith.cmpi sge, %get3A_568, %ge3A : vector<16xi32>
          %add3A_575 = arith.constant 32 : i32
          %add3A_576 = arith.addi %mul3A_130, %add3A_575 : i32
          %lt3A_577 = vector.broadcast %add3A_576 : i32 to vector<16xi32>
          %lt3A_578 = arith.cmpi slt, %get3A_568, %lt3A_577 : vector<16xi32>
          %and3A_579 = arith.andi %ge3A_574, %lt3A_578 : vector<16xi1>
          %sub3A_580 = vector.broadcast %mul3A_130 : i32 to vector<16xi32>
          %sub3A_581 = arith.subi %get3A_568, %sub3A_580 : vector<16xi32>
          %swap3A_582 = arith.index_cast %while3A_563 : i32 to index
          %swap3A_583 = tpu.vector_load %arg20[%swap3A_582] masked %and3A_579 {strides = array<i32>} : memref<768xi32, #tpu.memory_space<vmem>>, vector<16xi32>, vector<16xi1>
          tpu.vector_store %arg20[%swap3A_582], %sub3A_581 masked %and3A_579 {strides = array<i32>} : memref<768xi32, #tpu.memory_space<vmem>>, vector<16xi32>, vector<16xi1>
          %swap3A_584 = arith.index_cast %while3A_563 : i32 to index
          %swap3A_585 = tpu.vector_load %arg19[%swap3A_584] masked %and3A_579 {strides = array<i32>} : memref<768xi32, #tpu.memory_space<vmem>>, vector<16xi32>, vector<16xi1>
          tpu.vector_store %arg19[%swap3A_584], %get3A_573 masked %and3A_579 {strides = array<i32>} : memref<768xi32, #tpu.memory_space<vmem>>, vector<16xi32>, vector<16xi1>
          %all_reduce_population_count3A = tpu.all_reduce %and3A_579 {dim = 0 : i64, kind = #tpu.reduction_kind<sum>} : vector<16xi1> -> vector<16xi32>
          %slice3A_586 = vector.extract_strided_slice %all_reduce_population_count3A {offsets = [0], sizes = [1], strides = [1]} : vector<16xi32> to vector<1xi32>
          %squeeze3A_587 = vector.extract %slice3A_586[0] : i32 from vector<1xi32>
          %add3A_588 = arith.addi %while3A_563, %squeeze3A_587 : i32
          scf.yield %add3A_588 : i32
        }
        %while3A_422 = arith.constant 1 : i32
        %while3A_423 = scf.for %while3A_562 = %while3A_419 to %while3A_415 step %while3A_422 iter_args(%while3A_563 = %while3A_421) -> (i32)  : i32 {
          %mul3A_564 = arith.constant 16 : i32
          %mul3A_565 = arith.muli %while3A_562, %mul3A_564 : i32
          %add3A_566 = arith.addi %multiple_of3A_364, %mul3A_565 : i32
          %get3A_567 = arith.index_cast %add3A_566 : i32 to index
          %get3A_568 = tpu.vector_load %arg18[%get3A_567] {strides = array<i32>} : memref<1024xi32, #tpu.memory_space<vmem>>, vector<16xi32>,
          %mul3A_569 = arith.constant 16 : i32
          %mul3A_570 = arith.muli %while3A_562, %mul3A_569 : i32
          %add3A_571 = arith.addi %multiple_of3A_364, %mul3A_570 : i32
          %get3A_572 = arith.index_cast %add3A_571 : i32 to index
          %get3A_573 = tpu.vector_load %arg17[%get3A_572] {strides = array<i32>} : memref<1024xi32, #tpu.memory_space<vmem>>, vector<16xi32>,
          %ge3A = vector.broadcast %mul3A_130 : i32 to vector<16xi32>
          %ge3A_574 = arith.cmpi sge, %get3A_568, %ge3A : vector<16xi32>
          %add3A_575 = arith.constant 32 : i32
          %add3A_576 = arith.addi %mul3A_130, %add3A_575 : i32
          %lt3A_577 = vector.broadcast %add3A_576 : i32 to vector<16xi32>
          %lt3A_578 = arith.cmpi slt, %get3A_568, %lt3A_577 : vector<16xi32>
          %and3A_579 = arith.andi %ge3A_574, %lt3A_578 : vector<16xi1>
          %sub3A_580 = vector.broadcast %mul3A_130 : i32 to vector<16xi32>
          %sub3A_581 = arith.subi %get3A_568, %sub3A_580 : vector<16xi32>
          %swap3A_582 = arith.index_cast %while3A_563 : i32 to index
          %swap3A_583 = tpu.vector_load %arg20[%swap3A_582] masked %and3A_579 {strides = array<i32>} : memref<768xi32, #tpu.memory_space<vmem>>, vector<16xi32>, vector<16xi1>
          tpu.vector_store %arg20[%swap3A_582], %sub3A_581 masked %and3A_579 {strides = array<i32>} : memref<768xi32, #tpu.memory_space<vmem>>, vector<16xi32>, vector<16xi1>
          %swap3A_584 = arith.index_cast %while3A_563 : i32 to index
          %swap3A_585 = tpu.vector_load %arg19[%swap3A_584] masked %and3A_579 {strides = array<i32>} : memref<768xi32, #tpu.memory_space<vmem>>, vector<16xi32>, vector<16xi1>
          tpu.vector_store %arg19[%swap3A_584], %get3A_573 masked %and3A_579 {strides = array<i32>} : memref<768xi32, #tpu.memory_space<vmem>>, vector<16xi32>, vector<16xi1>
          %all_reduce_population_count3A = tpu.all_reduce %and3A_579 {dim = 0 : i64, kind = #tpu.reduction_kind<sum>} : vector<16xi1> -> vector<16xi32>
          %slice3A_586 = vector.extract_strided_slice %all_reduce_population_count3A {offsets = [0], sizes = [1], strides = [1]} : vector<16xi32> to vector<1xi32>
          %squeeze3A_587 = vector.extract %slice3A_586[0] : i32 from vector<1xi32>
          %add3A_588 = arith.addi %while3A_563, %squeeze3A_587 : i32
          scf.yield %add3A_588 : i32
        }
        %jit3A_424 = arith.constant 128 : i32
        %div3A_425 = arith.divsi %while3A_423, %jit3A_424 : i32
        %sign3A_426 = arith.constant 0 : i32
        %sign3A_427 = arith.cmpi sgt, %while3A_423, %sign3A_426 : i32
        %sign3A_428 = arith.extui %sign3A_427 : i1 to i32
        %sign3A_429 = arith.constant 0 : i32
        %sign3A_430 = arith.cmpi slt, %while3A_423, %sign3A_429 : i32
        %sign3A_431 = arith.extui %sign3A_430 : i1 to i32
        %sign3A_432 = arith.subi %sign3A_428, %sign3A_431 : i32
        %sign3A_433 = arith.constant 0 : i32
        %sign3A_434 = arith.cmpi sgt, %jit3A_424, %sign3A_433 : i32
        %sign3A_435 = arith.extui %sign3A_434 : i1 to i32
        %sign3A_436 = arith.constant 0 : i32
        %sign3A_437 = arith.cmpi slt, %jit3A_424, %sign3A_436 : i32
        %sign3A_438 = arith.extui %sign3A_437 : i1 to i32
        %sign3A_439 = arith.subi %sign3A_435, %sign3A_438 : i32
        %ne3A_440 = arith.cmpi ne, %sign3A_432, %sign3A_439 : i32
        %rem3A_441 = arith.remsi %while3A_423, %jit3A_424 : i32
        %ne3A_442 = arith.constant 0 : i32
        %ne3A_443 = arith.cmpi ne, %rem3A_441, %ne3A_442 : i32
        %and3A_444 = arith.andi %ne3A_440, %ne3A_443 : i1
        %sub3A_445 = arith.constant 1 : i32
        %sub3A_446 = arith.subi %div3A_425, %sub3A_445 : i32
        %select_n3A_447 = arith.select %and3A_444, %sub3A_446, %div3A_425 : i32
        %while3A_448 = arith.constant 0 : i32
        %while3A_449 = arith.constant 0 : i32
        %while3A_450 = arith.subi %select_n3A_447, %while3A_448 : i32
        %while3A_451 = arith.addi %while3A_448, %while3A_450 : i32
        %while3A_452 = arith.constant 1 : i32
        %while3A_453 = arith.divsi %while3A_450, %while3A_452 : i32
        %while3A_454 = arith.muli %while3A_453, %while3A_452 : i32
        %while3A_455 = arith.addi %while3A_448, %while3A_454 : i32
        %while3A_456 = arith.constant 1 : i32
        %while3A_457 = scf.for %while3A_562 = %while3A_448 to %while3A_455 step %while3A_456 iter_args(%while3A_563 = %while3A_449) -> (i32)  : i32 {
          %mul3A_564 = arith.constant 128 : i32
          %mul3A_565 = arith.muli %while3A_562, %mul3A_564 : i32
          %multiple_of3A_566 = tpu.assume_multiple %mul3A_565, 128 : i32
          %add3A_567 = arith.constant 0 : i32
          %add3A_568 = arith.addi %multiple_of3A_566, %add3A_567 : i32
          %get3A_569 = arith.index_cast %add3A_568 : i32 to index
          %get3A_570 = tpu.vector_load %arg19[%get3A_569] {strides = array<i32>} : memref<768xi32, #tpu.memory_space<vmem>>, vector<16xi32>,
          %swap3A_571 = arith.constant 0 : index
          %swap3A_572 = tpu.vector_load %arg21[%swap3A_571] {strides = array<i32>} : memref<128xi32, #tpu.memory_space<vmem>>, vector<16xi32>,
          tpu.vector_store %arg21[%swap3A_571], %get3A_570 {strides = array<i32>} : memref<128xi32, #tpu.memory_space<vmem>>, vector<16xi32>,
          %add3A_573 = arith.constant 16 : i32
          %add3A_574 = arith.addi %multiple_of3A_566, %add3A_573 : i32
          %get3A_575 = arith.index_cast %add3A_574 : i32 to index
          %get3A_576 = tpu.vector_load %arg19[%get3A_575] {strides = array<i32>} : memref<768xi32, #tpu.memory_space<vmem>>, vector<16xi32>,
          %swap3A_577 = arith.constant 16 : index
          %swap3A_578 = tpu.vector_load %arg21[%swap3A_577] {strides = array<i32>} : memref<128xi32, #tpu.memory_space<vmem>>, vector<16xi32>,
          tpu.vector_store %arg21[%swap3A_577], %get3A_576 {strides = array<i32>} : memref<128xi32, #tpu.memory_space<vmem>>, vector<16xi32>,
          %add3A_579 = arith.constant 32 : i32
          %add3A_580 = arith.addi %multiple_of3A_566, %add3A_579 : i32
          %get3A_581 = arith.index_cast %add3A_580 : i32 to index
          %get3A_582 = tpu.vector_load %arg19[%get3A_581] {strides = array<i32>} : memref<768xi32, #tpu.memory_space<vmem>>, vector<16xi32>,
          %swap3A_583 = arith.constant 32 : index
          %swap3A_584 = tpu.vector_load %arg21[%swap3A_583] {strides = array<i32>} : memref<128xi32, #tpu.memory_space<vmem>>, vector<16xi32>,
          tpu.vector_store %arg21[%swap3A_583], %get3A_582 {strides = array<i32>} : memref<128xi32, #tpu.memory_space<vmem>>, vector<16xi32>,
          %add3A_585 = arith.constant 48 : i32
          %add3A_586 = arith.addi %multiple_of3A_566, %add3A_585 : i32
          %get3A_587 = arith.index_cast %add3A_586 : i32 to index
          %get3A_588 = tpu.vector_load %arg19[%get3A_587] {strides = array<i32>} : memref<768xi32, #tpu.memory_space<vmem>>, vector<16xi32>,
          %swap3A_589 = arith.constant 48 : index
          %swap3A_590 = tpu.vector_load %arg21[%swap3A_589] {strides = array<i32>} : memref<128xi32, #tpu.memory_space<vmem>>, vector<16xi32>,
          tpu.vector_store %arg21[%swap3A_589], %get3A_588 {strides = array<i32>} : memref<128xi32, #tpu.memory_space<vmem>>, vector<16xi32>,
          %add3A_591 = arith.constant 64 : i32
          %add3A_592 = arith.addi %multiple_of3A_566, %add3A_591 : i32
          %get3A_593 = arith.index_cast %add3A_592 : i32 to index
          %get3A_594 = tpu.vector_load %arg19[%get3A_593] {strides = array<i32>} : memref<768xi32, #tpu.memory_space<vmem>>, vector<16xi32>,
          %swap3A_595 = arith.constant 64 : index
          %swap3A_596 = tpu.vector_load %arg21[%swap3A_595] {strides = array<i32>} : memref<128xi32, #tpu.memory_space<vmem>>, vector<16xi32>,
          tpu.vector_store %arg21[%swap3A_595], %get3A_594 {strides = array<i32>} : memref<128xi32, #tpu.memory_space<vmem>>, vector<16xi32>,
          %add3A_597 = arith.constant 80 : i32
          %add3A_598 = arith.addi %multiple_of3A_566, %add3A_597 : i32
          %get3A_599 = arith.index_cast %add3A_598 : i32 to index
          %get3A_600 = tpu.vector_load %arg19[%get3A_599] {strides = array<i32>} : memref<768xi32, #tpu.memory_space<vmem>>, vector<16xi32>,
          %swap3A_601 = arith.constant 80 : index
          %swap3A_602 = tpu.vector_load %arg21[%swap3A_601] {strides = array<i32>} : memref<128xi32, #tpu.memory_space<vmem>>, vector<16xi32>,
          tpu.vector_store %arg21[%swap3A_601], %get3A_600 {strides = array<i32>} : memref<128xi32, #tpu.memory_space<vmem>>, vector<16xi32>,
          %add3A_603 = arith.constant 96 : i32
          %add3A_604 = arith.addi %multiple_of3A_566, %add3A_603 : i32
          %get3A_605 = arith.index_cast %add3A_604 : i32 to index
          %get3A_606 = tpu.vector_load %arg19[%get3A_605] {strides = array<i32>} : memref<768xi32, #tpu.memory_space<vmem>>, vector<16xi32>,
          %swap3A_607 = arith.constant 96 : index
          %swap3A_608 = tpu.vector_load %arg21[%swap3A_607] {strides = array<i32>} : memref<128xi32, #tpu.memory_space<vmem>>, vector<16xi32>,
          tpu.vector_store %arg21[%swap3A_607], %get3A_606 {strides = array<i32>} : memref<128xi32, #tpu.memory_space<vmem>>, vector<16xi32>,
          %add3A_609 = arith.constant 112 : i32
          %add3A_610 = arith.addi %multiple_of3A_566, %add3A_609 : i32
          %get3A_611 = arith.index_cast %add3A_610 : i32 to index
          %get3A_612 = tpu.vector_load %arg19[%get3A_611] {strides = array<i32>} : memref<768xi32, #tpu.memory_space<vmem>>, vector<16xi32>,
          %swap3A_613 = arith.constant 112 : index
          %swap3A_614 = tpu.vector_load %arg21[%swap3A_613] {strides = array<i32>} : memref<128xi32, #tpu.memory_space<vmem>>, vector<16xi32>,
          tpu.vector_store %arg21[%swap3A_613], %get3A_612 {strides = array<i32>} : memref<128xi32, #tpu.memory_space<vmem>>, vector<16xi32>,
          %dma_start3A_615 = arith.constant 0 : i32
          %dma_start3A_616 = arith.constant 0 : i32
          %dma_start3A_617 = tpu.memref_slice %arg2[%dma_start3A_615, %dma_start3A_616] : memref<10000x256xf32, #tpu.memory_space<hbm>> -> memref<10000x256xf32, #tpu.memory_space<hbm>>
          tpu.enqueue_indirect_dma source(%dma_start3A_617 : memref<10000x256xf32, #tpu.memory_space<hbm>>) target(%arg22 : memref<128x256xf32, #tpu.memory_space<vmem>>) offsets(%arg21 : memref<128xi32, #tpu.memory_space<vmem>>) semaphore(%arg34 : memref<!tpu.dma_semaphore, #tpu.memory_space<semaphore_mem>>)
          %dma_wait3A_618 = arith.constant 0 : i32
          %dma_wait3A_619 = arith.constant 0 : i32
          %dma_wait3A_620 = tpu.memref_slice %arg2[%dma_wait3A_618, %dma_wait3A_619] : memref<10000x256xf32, #tpu.memory_space<hbm>> -> memref<10000x256xf32, #tpu.memory_space<hbm>>
          tpu.wait_indirect_dma semaphore(%arg34 : memref<!tpu.dma_semaphore, #tpu.memory_space<semaphore_mem>>) src(%dma_wait3A_620 : memref<10000x256xf32, #tpu.memory_space<hbm>>) dst(%arg22 : memref<128x256xf32, #tpu.memory_space<vmem>>)
          %scan3A_621 = arith.constant 0 : i32
          %scan3A_622 = arith.constant 0 : i32
          %scan3A_623 = arith.constant 128 : i32
          %scan3A_624 = arith.addi %scan3A_622, %scan3A_623 : i32
          %scan3A_625 = arith.constant 4 : i32
          %scan3A_626 = scf.for %scan3A_629 = %scan3A_622 to %scan3A_624 step %scan3A_625 iter_args(%scan3A_630 = %scan3A_621) -> (i32)  : i32 {
            %broadcast_in_dim3A_631 = arith.constant 0 : i32
            %broadcast_in_dim3A_632 = vector.broadcast %broadcast_in_dim3A_631 : i32 to vector<16xi32>
            %add3A_633 = arith.addi %multiple_of3A_566, %scan3A_629 : i32
            %add3A_634 = vector.broadcast %add3A_633 : i32 to vector<16xi32>
            %add3A_635 = arith.addi %broadcast_in_dim3A_632, %add3A_634 : vector<16xi32>
            %gather3A = tpu.vector_load_idx %arg20[%add3A_635] : memref<768xi32, #tpu.memory_space<vmem>>[vector<16xi32>], vector<16xi32>,
            %parallel_loop3A_636 = arith.constant 0 : i32
            %parallel_loop3A_637 = arith.constant 16 : i32
            %parallel_loop3A_638 = arith.constant 1 : i32
            scf.for %parallel_loop3A_688 = %parallel_loop3A_636 to %parallel_loop3A_637 step %parallel_loop3A_638  : i32 {
              %parallel_loop3A_689 = arith.constant 16 : i32
              %parallel_loop3A_690 = arith.muli %parallel_loop3A_688, %parallel_loop3A_689 : i32
              %parallel_loop3A_691 = vector.broadcast %parallel_loop3A_690 : i32 to vector<16xi32>
              %parallel_loop3A_692 = arith.addi %iota3A, %parallel_loop3A_691 : vector<16xi32>
              %parallel_loop3A_693 = arith.constant 16 : i32
              %parallel_loop3A_694 = arith.muli %parallel_loop3A_688, %parallel_loop3A_693 : i32
              %parallel_loop3A_695 = arith.index_cast %scan3A_629 : i32 to index
              %parallel_loop3A_696 = arith.index_cast %parallel_loop3A_694 : i32 to index
              %parallel_loop3A_697 = tpu.vector_load %arg22[%parallel_loop3A_695, %parallel_loop3A_696] {strides = array<i32>} : memref<128x256xf32, #tpu.memory_space<vmem>>, vector<16xf32>,
              tpu.vector_store_idx %arg25[%gather3A, %parallel_loop3A_692], %parallel_loop3A_697 {add = true} : memref<40x384xf32, #tpu.memory_space<vmem>>[vector<16xi32>, vector<16xi32>], vector<16xf32>,
            } {sc.loop_unroll_factor = 16 : i64, sc.parallel_access}
            %add3A_639 = arith.constant 256 : i32
            %add3A_640 = vector.broadcast %add3A_639 : i32 to vector<16xi32>
            %add3A_641 = arith.addi %iota3A, %add3A_640 : vector<16xi32>
            tpu.vector_store_idx %arg25[%gather3A, %add3A_641], %broadcast_in_dim3A_132 {add = true} : memref<40x384xf32, #tpu.memory_space<vmem>>[vector<16xi32>, vector<16xi32>], vector<16xf32>,
            %scan3A_642 = arith.constant 0 : i32
            %scan3A_643 = arith.constant 1 : i32
            %scan3A_644 = arith.addi %scan3A_629, %scan3A_643 : i32
            %broadcast_in_dim3A_645 = arith.constant 0 : i32
            %broadcast_in_dim3A_646 = vector.broadcast %broadcast_in_dim3A_645 : i32 to vector<16xi32>
            %add3A_647 = arith.addi %multiple_of3A_566, %scan3A_644 : i32
            %add3A_648 = vector.broadcast %add3A_647 : i32 to vector<16xi32>
            %add3A_649 = arith.addi %broadcast_in_dim3A_646, %add3A_648 : vector<16xi32>
            %gather3A_650 = tpu.vector_load_idx %arg20[%add3A_649] : memref<768xi32, #tpu.memory_space<vmem>>[vector<16xi32>], vector<16xi32>,
            %parallel_loop3A_651 = arith.constant 0 : i32
            %parallel_loop3A_652 = arith.constant 16 : i32
            %parallel_loop3A_653 = arith.constant 1 : i32
            scf.for %parallel_loop3A_688 = %parallel_loop3A_651 to %parallel_loop3A_652 step %parallel_loop3A_653  : i32 {
              %parallel_loop3A_689 = arith.constant 16 : i32
              %parallel_loop3A_690 = arith.muli %parallel_loop3A_688, %parallel_loop3A_689 : i32
              %parallel_loop3A_691 = vector.broadcast %parallel_loop3A_690 : i32 to vector<16xi32>
              %parallel_loop3A_692 = arith.addi %iota3A, %parallel_loop3A_691 : vector<16xi32>
              %parallel_loop3A_693 = arith.constant 16 : i32
              %parallel_loop3A_694 = arith.muli %parallel_loop3A_688, %parallel_loop3A_693 : i32
              %parallel_loop3A_695 = arith.index_cast %scan3A_644 : i32 to index
              %parallel_loop3A_696 = arith.index_cast %parallel_loop3A_694 : i32 to index
              %parallel_loop3A_697 = tpu.vector_load %arg22[%parallel_loop3A_695, %parallel_loop3A_696] {strides = array<i32>} : memref<128x256xf32, #tpu.memory_space<vmem>>, vector<16xf32>,
              tpu.vector_store_idx %arg25[%gather3A_650, %parallel_loop3A_692], %parallel_loop3A_697 {add = true} : memref<40x384xf32, #tpu.memory_space<vmem>>[vector<16xi32>, vector<16xi32>], vector<16xf32>,
            } {sc.loop_unroll_factor = 16 : i64, sc.parallel_access}
            %add3A_654 = arith.constant 256 : i32
            %add3A_655 = vector.broadcast %add3A_654 : i32 to vector<16xi32>
            %add3A_656 = arith.addi %iota3A, %add3A_655 : vector<16xi32>
            tpu.vector_store_idx %arg25[%gather3A_650, %add3A_656], %broadcast_in_dim3A_132 {add = true} : memref<40x384xf32, #tpu.memory_space<vmem>>[vector<16xi32>, vector<16xi32>], vector<16xf32>,
            %scan3A_657 = arith.constant 0 : i32
            %scan3A_658 = arith.constant 2 : i32
            %scan3A_659 = arith.addi %scan3A_629, %scan3A_658 : i32
            %broadcast_in_dim3A_660 = arith.constant 0 : i32
            %broadcast_in_dim3A_661 = vector.broadcast %broadcast_in_dim3A_660 : i32 to vector<16xi32>
            %add3A_662 = arith.addi %multiple_of3A_566, %scan3A_659 : i32
            %add3A_663 = vector.broadcast %add3A_662 : i32 to vector<16xi32>
            %add3A_664 = arith.addi %broadcast_in_dim3A_661, %add3A_663 : vector<16xi32>
            %gather3A_665 = tpu.vector_load_idx %arg20[%add3A_664] : memref<768xi32, #tpu.memory_space<vmem>>[vector<16xi32>], vector<16xi32>,
            %parallel_loop3A_666 = arith.constant 0 : i32
            %parallel_loop3A_667 = arith.constant 16 : i32
            %parallel_loop3A_668 = arith.constant 1 : i32
            scf.for %parallel_loop3A_688 = %parallel_loop3A_666 to %parallel_loop3A_667 step %parallel_loop3A_668  : i32 {
              %parallel_loop3A_689 = arith.constant 16 : i32
              %parallel_loop3A_690 = arith.muli %parallel_loop3A_688, %parallel_loop3A_689 : i32
              %parallel_loop3A_691 = vector.broadcast %parallel_loop3A_690 : i32 to vector<16xi32>
              %parallel_loop3A_692 = arith.addi %iota3A, %parallel_loop3A_691 : vector<16xi32>
              %parallel_loop3A_693 = arith.constant 16 : i32
              %parallel_loop3A_694 = arith.muli %parallel_loop3A_688, %parallel_loop3A_693 : i32
              %parallel_loop3A_695 = arith.index_cast %scan3A_659 : i32 to index
              %parallel_loop3A_696 = arith.index_cast %parallel_loop3A_694 : i32 to index
              %parallel_loop3A_697 = tpu.vector_load %arg22[%parallel_loop3A_695, %parallel_loop3A_696] {strides = array<i32>} : memref<128x256xf32, #tpu.memory_space<vmem>>, vector<16xf32>,
              tpu.vector_store_idx %arg25[%gather3A_665, %parallel_loop3A_692], %parallel_loop3A_697 {add = true} : memref<40x384xf32, #tpu.memory_space<vmem>>[vector<16xi32>, vector<16xi32>], vector<16xf32>,
            } {sc.loop_unroll_factor = 16 : i64, sc.parallel_access}
            %add3A_669 = arith.constant 256 : i32
            %add3A_670 = vector.broadcast %add3A_669 : i32 to vector<16xi32>
            %add3A_671 = arith.addi %iota3A, %add3A_670 : vector<16xi32>
            tpu.vector_store_idx %arg25[%gather3A_665, %add3A_671], %broadcast_in_dim3A_132 {add = true} : memref<40x384xf32, #tpu.memory_space<vmem>>[vector<16xi32>, vector<16xi32>], vector<16xf32>,
            %scan3A_672 = arith.constant 0 : i32
            %scan3A_673 = arith.constant 3 : i32
            %scan3A_674 = arith.addi %scan3A_629, %scan3A_673 : i32
            %broadcast_in_dim3A_675 = arith.constant 0 : i32
            %broadcast_in_dim3A_676 = vector.broadcast %broadcast_in_dim3A_675 : i32 to vector<16xi32>
            %add3A_677 = arith.addi %multiple_of3A_566, %scan3A_674 : i32
            %add3A_678 = vector.broadcast %add3A_677 : i32 to vector<16xi32>
            %add3A_679 = arith.addi %broadcast_in_dim3A_676, %add3A_678 : vector<16xi32>
            %gather3A_680 = tpu.vector_load_idx %arg20[%add3A_679] : memref<768xi32, #tpu.memory_space<vmem>>[vector<16xi32>], vector<16xi32>,
            %parallel_loop3A_681 = arith.constant 0 : i32
            %parallel_loop3A_682 = arith.constant 16 : i32
            %parallel_loop3A_683 = arith.constant 1 : i32
            scf.for %parallel_loop3A_688 = %parallel_loop3A_681 to %parallel_loop3A_682 step %parallel_loop3A_683  : i32 {
              %parallel_loop3A_689 = arith.constant 16 : i32
              %parallel_loop3A_690 = arith.muli %parallel_loop3A_688, %parallel_loop3A_689 : i32
              %parallel_loop3A_691 = vector.broadcast %parallel_loop3A_690 : i32 to vector<16xi32>
              %parallel_loop3A_692 = arith.addi %iota3A, %parallel_loop3A_691 : vector<16xi32>
              %parallel_loop3A_693 = arith.constant 16 : i32
              %parallel_loop3A_694 = arith.muli %parallel_loop3A_688, %parallel_loop3A_693 : i32
              %parallel_loop3A_695 = arith.index_cast %scan3A_674 : i32 to index
              %parallel_loop3A_696 = arith.index_cast %parallel_loop3A_694 : i32 to index
              %parallel_loop3A_697 = tpu.vector_load %arg22[%parallel_loop3A_695, %parallel_loop3A_696] {strides = array<i32>} : memref<128x256xf32, #tpu.memory_space<vmem>>, vector<16xf32>,
              tpu.vector_store_idx %arg25[%gather3A_680, %parallel_loop3A_692], %parallel_loop3A_697 {add = true} : memref<40x384xf32, #tpu.memory_space<vmem>>[vector<16xi32>, vector<16xi32>], vector<16xf32>,
            } {sc.loop_unroll_factor = 16 : i64, sc.parallel_access}
            %add3A_684 = arith.constant 256 : i32
            %add3A_685 = vector.broadcast %add3A_684 : i32 to vector<16xi32>
            %add3A_686 = arith.addi %iota3A, %add3A_685 : vector<16xi32>
            tpu.vector_store_idx %arg25[%gather3A_680, %add3A_686], %broadcast_in_dim3A_132 {add = true} : memref<40x384xf32, #tpu.memory_space<vmem>>[vector<16xi32>, vector<16xi32>], vector<16xf32>,
            %scan3A_687 = arith.constant 0 : i32
            scf.yield %scan3A_687 : i32
          }
          %scan3A_627 = arith.constant 128 : i32
          %while3A_628 = arith.constant 0 : i32
          scf.yield %while3A_628 : i32
        }
        %while3A_458 = arith.constant 1 : i32
        %while3A_459 = scf.for %while3A_562 = %while3A_455 to %while3A_451 step %while3A_458 iter_args(%while3A_563 = %while3A_457) -> (i32)  : i32 {
          %mul3A_564 = arith.constant 128 : i32
          %mul3A_565 = arith.muli %while3A_562, %mul3A_564 : i32
          %multiple_of3A_566 = tpu.assume_multiple %mul3A_565, 128 : i32
          %add3A_567 = arith.constant 0 : i32
          %add3A_568 = arith.addi %multiple_of3A_566, %add3A_567 : i32
          %get3A_569 = arith.index_cast %add3A_568 : i32 to index
          %get3A_570 = tpu.vector_load %arg19[%get3A_569] {strides = array<i32>} : memref<768xi32, #tpu.memory_space<vmem>>, vector<16xi32>,
          %swap3A_571 = arith.constant 0 : index
          %swap3A_572 = tpu.vector_load %arg21[%swap3A_571] {strides = array<i32>} : memref<128xi32, #tpu.memory_space<vmem>>, vector<16xi32>,
          tpu.vector_store %arg21[%swap3A_571], %get3A_570 {strides = array<i32>} : memref<128xi32, #tpu.memory_space<vmem>>, vector<16xi32>,
          %add3A_573 = arith.constant 16 : i32
          %add3A_574 = arith.addi %multiple_of3A_566, %add3A_573 : i32
          %get3A_575 = arith.index_cast %add3A_574 : i32 to index
          %get3A_576 = tpu.vector_load %arg19[%get3A_575] {strides = array<i32>} : memref<768xi32, #tpu.memory_space<vmem>>, vector<16xi32>,
          %swap3A_577 = arith.constant 16 : index
          %swap3A_578 = tpu.vector_load %arg21[%swap3A_577] {strides = array<i32>} : memref<128xi32, #tpu.memory_space<vmem>>, vector<16xi32>,
          tpu.vector_store %arg21[%swap3A_577], %get3A_576 {strides = array<i32>} : memref<128xi32, #tpu.memory_space<vmem>>, vector<16xi32>,
          %add3A_579 = arith.constant 32 : i32
          %add3A_580 = arith.addi %multiple_of3A_566, %add3A_579 : i32
          %get3A_581 = arith.index_cast %add3A_580 : i32 to index
          %get3A_582 = tpu.vector_load %arg19[%get3A_581] {strides = array<i32>} : memref<768xi32, #tpu.memory_space<vmem>>, vector<16xi32>,
          %swap3A_583 = arith.constant 32 : index
          %swap3A_584 = tpu.vector_load %arg21[%swap3A_583] {strides = array<i32>} : memref<128xi32, #tpu.memory_space<vmem>>, vector<16xi32>,
          tpu.vector_store %arg21[%swap3A_583], %get3A_582 {strides = array<i32>} : memref<128xi32, #tpu.memory_space<vmem>>, vector<16xi32>,
          %add3A_585 = arith.constant 48 : i32
          %add3A_586 = arith.addi %multiple_of3A_566, %add3A_585 : i32
          %get3A_587 = arith.index_cast %add3A_586 : i32 to index
          %get3A_588 = tpu.vector_load %arg19[%get3A_587] {strides = array<i32>} : memref<768xi32, #tpu.memory_space<vmem>>, vector<16xi32>,
          %swap3A_589 = arith.constant 48 : index
          %swap3A_590 = tpu.vector_load %arg21[%swap3A_589] {strides = array<i32>} : memref<128xi32, #tpu.memory_space<vmem>>, vector<16xi32>,
          tpu.vector_store %arg21[%swap3A_589], %get3A_588 {strides = array<i32>} : memref<128xi32, #tpu.memory_space<vmem>>, vector<16xi32>,
          %add3A_591 = arith.constant 64 : i32
          %add3A_592 = arith.addi %multiple_of3A_566, %add3A_591 : i32
          %get3A_593 = arith.index_cast %add3A_592 : i32 to index
          %get3A_594 = tpu.vector_load %arg19[%get3A_593] {strides = array<i32>} : memref<768xi32, #tpu.memory_space<vmem>>, vector<16xi32>,
          %swap3A_595 = arith.constant 64 : index
          %swap3A_596 = tpu.vector_load %arg21[%swap3A_595] {strides = array<i32>} : memref<128xi32, #tpu.memory_space<vmem>>, vector<16xi32>,
          tpu.vector_store %arg21[%swap3A_595], %get3A_594 {strides = array<i32>} : memref<128xi32, #tpu.memory_space<vmem>>, vector<16xi32>,
          %add3A_597 = arith.constant 80 : i32
          %add3A_598 = arith.addi %multiple_of3A_566, %add3A_597 : i32
          %get3A_599 = arith.index_cast %add3A_598 : i32 to index
          %get3A_600 = tpu.vector_load %arg19[%get3A_599] {strides = array<i32>} : memref<768xi32, #tpu.memory_space<vmem>>, vector<16xi32>,
          %swap3A_601 = arith.constant 80 : index
          %swap3A_602 = tpu.vector_load %arg21[%swap3A_601] {strides = array<i32>} : memref<128xi32, #tpu.memory_space<vmem>>, vector<16xi32>,
          tpu.vector_store %arg21[%swap3A_601], %get3A_600 {strides = array<i32>} : memref<128xi32, #tpu.memory_space<vmem>>, vector<16xi32>,
          %add3A_603 = arith.constant 96 : i32
          %add3A_604 = arith.addi %multiple_of3A_566, %add3A_603 : i32
          %get3A_605 = arith.index_cast %add3A_604 : i32 to index
          %get3A_606 = tpu.vector_load %arg19[%get3A_605] {strides = array<i32>} : memref<768xi32, #tpu.memory_space<vmem>>, vector<16xi32>,
          %swap3A_607 = arith.constant 96 : index
          %swap3A_608 = tpu.vector_load %arg21[%swap3A_607] {strides = array<i32>} : memref<128xi32, #tpu.memory_space<vmem>>, vector<16xi32>,
          tpu.vector_store %arg21[%swap3A_607], %get3A_606 {strides = array<i32>} : memref<128xi32, #tpu.memory_space<vmem>>, vector<16xi32>,
          %add3A_609 = arith.constant 112 : i32
          %add3A_610 = arith.addi %multiple_of3A_566, %add3A_609 : i32
          %get3A_611 = arith.index_cast %add3A_610 : i32 to index
          %get3A_612 = tpu.vector_load %arg19[%get3A_611] {strides = array<i32>} : memref<768xi32, #tpu.memory_space<vmem>>, vector<16xi32>,
          %swap3A_613 = arith.constant 112 : index
          %swap3A_614 = tpu.vector_load %arg21[%swap3A_613] {strides = array<i32>} : memref<128xi32, #tpu.memory_space<vmem>>, vector<16xi32>,
          tpu.vector_store %arg21[%swap3A_613], %get3A_612 {strides = array<i32>} : memref<128xi32, #tpu.memory_space<vmem>>, vector<16xi32>,
          %dma_start3A_615 = arith.constant 0 : i32
          %dma_start3A_616 = arith.constant 0 : i32
          %dma_start3A_617 = tpu.memref_slice %arg2[%dma_start3A_615, %dma_start3A_616] : memref<10000x256xf32, #tpu.memory_space<hbm>> -> memref<10000x256xf32, #tpu.memory_space<hbm>>
          tpu.enqueue_indirect_dma source(%dma_start3A_617 : memref<10000x256xf32, #tpu.memory_space<hbm>>) target(%arg22 : memref<128x256xf32, #tpu.memory_space<vmem>>) offsets(%arg21 : memref<128xi32, #tpu.memory_space<vmem>>) semaphore(%arg34 : memref<!tpu.dma_semaphore, #tpu.memory_space<semaphore_mem>>)
          %dma_wait3A_618 = arith.constant 0 : i32
          %dma_wait3A_619 = arith.constant 0 : i32
          %dma_wait3A_620 = tpu.memref_slice %arg2[%dma_wait3A_618, %dma_wait3A_619] : memref<10000x256xf32, #tpu.memory_space<hbm>> -> memref<10000x256xf32, #tpu.memory_space<hbm>>
          tpu.wait_indirect_dma semaphore(%arg34 : memref<!tpu.dma_semaphore, #tpu.memory_space<semaphore_mem>>) src(%dma_wait3A_620 : memref<10000x256xf32, #tpu.memory_space<hbm>>) dst(%arg22 : memref<128x256xf32, #tpu.memory_space<vmem>>)
          %scan3A_621 = arith.constant 0 : i32
          %scan3A_622 = arith.constant 0 : i32
          %scan3A_623 = arith.constant 128 : i32
          %scan3A_624 = arith.addi %scan3A_622, %scan3A_623 : i32
          %scan3A_625 = arith.constant 4 : i32
          %scan3A_626 = scf.for %scan3A_629 = %scan3A_622 to %scan3A_624 step %scan3A_625 iter_args(%scan3A_630 = %scan3A_621) -> (i32)  : i32 {
            %broadcast_in_dim3A_631 = arith.constant 0 : i32
            %broadcast_in_dim3A_632 = vector.broadcast %broadcast_in_dim3A_631 : i32 to vector<16xi32>
            %add3A_633 = arith.addi %multiple_of3A_566, %scan3A_629 : i32
            %add3A_634 = vector.broadcast %add3A_633 : i32 to vector<16xi32>
            %add3A_635 = arith.addi %broadcast_in_dim3A_632, %add3A_634 : vector<16xi32>
            %gather3A = tpu.vector_load_idx %arg20[%add3A_635] : memref<768xi32, #tpu.memory_space<vmem>>[vector<16xi32>], vector<16xi32>,
            %parallel_loop3A_636 = arith.constant 0 : i32
            %parallel_loop3A_637 = arith.constant 16 : i32
            %parallel_loop3A_638 = arith.constant 1 : i32
            scf.for %parallel_loop3A_688 = %parallel_loop3A_636 to %parallel_loop3A_637 step %parallel_loop3A_638  : i32 {
              %parallel_loop3A_689 = arith.constant 16 : i32
              %parallel_loop3A_690 = arith.muli %parallel_loop3A_688, %parallel_loop3A_689 : i32
              %parallel_loop3A_691 = vector.broadcast %parallel_loop3A_690 : i32 to vector<16xi32>
              %parallel_loop3A_692 = arith.addi %iota3A, %parallel_loop3A_691 : vector<16xi32>
              %parallel_loop3A_693 = arith.constant 16 : i32
              %parallel_loop3A_694 = arith.muli %parallel_loop3A_688, %parallel_loop3A_693 : i32
              %parallel_loop3A_695 = arith.index_cast %scan3A_629 : i32 to index
              %parallel_loop3A_696 = arith.index_cast %parallel_loop3A_694 : i32 to index
              %parallel_loop3A_697 = tpu.vector_load %arg22[%parallel_loop3A_695, %parallel_loop3A_696] {strides = array<i32>} : memref<128x256xf32, #tpu.memory_space<vmem>>, vector<16xf32>,
              tpu.vector_store_idx %arg25[%gather3A, %parallel_loop3A_692], %parallel_loop3A_697 {add = true} : memref<40x384xf32, #tpu.memory_space<vmem>>[vector<16xi32>, vector<16xi32>], vector<16xf32>,
            } {sc.loop_unroll_factor = 16 : i64, sc.parallel_access}
            %add3A_639 = arith.constant 256 : i32
            %add3A_640 = vector.broadcast %add3A_639 : i32 to vector<16xi32>
            %add3A_641 = arith.addi %iota3A, %add3A_640 : vector<16xi32>
            tpu.vector_store_idx %arg25[%gather3A, %add3A_641], %broadcast_in_dim3A_132 {add = true} : memref<40x384xf32, #tpu.memory_space<vmem>>[vector<16xi32>, vector<16xi32>], vector<16xf32>,
            %scan3A_642 = arith.constant 0 : i32
            %scan3A_643 = arith.constant 1 : i32
            %scan3A_644 = arith.addi %scan3A_629, %scan3A_643 : i32
            %broadcast_in_dim3A_645 = arith.constant 0 : i32
            %broadcast_in_dim3A_646 = vector.broadcast %broadcast_in_dim3A_645 : i32 to vector<16xi32>
            %add3A_647 = arith.addi %multiple_of3A_566, %scan3A_644 : i32
            %add3A_648 = vector.broadcast %add3A_647 : i32 to vector<16xi32>
            %add3A_649 = arith.addi %broadcast_in_dim3A_646, %add3A_648 : vector<16xi32>
            %gather3A_650 = tpu.vector_load_idx %arg20[%add3A_649] : memref<768xi32, #tpu.memory_space<vmem>>[vector<16xi32>], vector<16xi32>,
            %parallel_loop3A_651 = arith.constant 0 : i32
            %parallel_loop3A_652 = arith.constant 16 : i32
            %parallel_loop3A_653 = arith.constant 1 : i32
            scf.for %parallel_loop3A_688 = %parallel_loop3A_651 to %parallel_loop3A_652 step %parallel_loop3A_653  : i32 {
              %parallel_loop3A_689 = arith.constant 16 : i32
              %parallel_loop3A_690 = arith.muli %parallel_loop3A_688, %parallel_loop3A_689 : i32
              %parallel_loop3A_691 = vector.broadcast %parallel_loop3A_690 : i32 to vector<16xi32>
              %parallel_loop3A_692 = arith.addi %iota3A, %parallel_loop3A_691 : vector<16xi32>
              %parallel_loop3A_693 = arith.constant 16 : i32
              %parallel_loop3A_694 = arith.muli %parallel_loop3A_688, %parallel_loop3A_693 : i32
              %parallel_loop3A_695 = arith.index_cast %scan3A_644 : i32 to index
              %parallel_loop3A_696 = arith.index_cast %parallel_loop3A_694 : i32 to index
              %parallel_loop3A_697 = tpu.vector_load %arg22[%parallel_loop3A_695, %parallel_loop3A_696] {strides = array<i32>} : memref<128x256xf32, #tpu.memory_space<vmem>>, vector<16xf32>,
              tpu.vector_store_idx %arg25[%gather3A_650, %parallel_loop3A_692], %parallel_loop3A_697 {add = true} : memref<40x384xf32, #tpu.memory_space<vmem>>[vector<16xi32>, vector<16xi32>], vector<16xf32>,
            } {sc.loop_unroll_factor = 16 : i64, sc.parallel_access}
            %add3A_654 = arith.constant 256 : i32
            %add3A_655 = vector.broadcast %add3A_654 : i32 to vector<16xi32>
            %add3A_656 = arith.addi %iota3A, %add3A_655 : vector<16xi32>
            tpu.vector_store_idx %arg25[%gather3A_650, %add3A_656], %broadcast_in_dim3A_132 {add = true} : memref<40x384xf32, #tpu.memory_space<vmem>>[vector<16xi32>, vector<16xi32>], vector<16xf32>,
            %scan3A_657 = arith.constant 0 : i32
            %scan3A_658 = arith.constant 2 : i32
            %scan3A_659 = arith.addi %scan3A_629, %scan3A_658 : i32
            %broadcast_in_dim3A_660 = arith.constant 0 : i32
            %broadcast_in_dim3A_661 = vector.broadcast %broadcast_in_dim3A_660 : i32 to vector<16xi32>
            %add3A_662 = arith.addi %multiple_of3A_566, %scan3A_659 : i32
            %add3A_663 = vector.broadcast %add3A_662 : i32 to vector<16xi32>
            %add3A_664 = arith.addi %broadcast_in_dim3A_661, %add3A_663 : vector<16xi32>
            %gather3A_665 = tpu.vector_load_idx %arg20[%add3A_664] : memref<768xi32, #tpu.memory_space<vmem>>[vector<16xi32>], vector<16xi32>,
            %parallel_loop3A_666 = arith.constant 0 : i32
            %parallel_loop3A_667 = arith.constant 16 : i32
            %parallel_loop3A_668 = arith.constant 1 : i32
            scf.for %parallel_loop3A_688 = %parallel_loop3A_666 to %parallel_loop3A_667 step %parallel_loop3A_668  : i32 {
              %parallel_loop3A_689 = arith.constant 16 : i32
              %parallel_loop3A_690 = arith.muli %parallel_loop3A_688, %parallel_loop3A_689 : i32
              %parallel_loop3A_691 = vector.broadcast %parallel_loop3A_690 : i32 to vector<16xi32>
              %parallel_loop3A_692 = arith.addi %iota3A, %parallel_loop3A_691 : vector<16xi32>
              %parallel_loop3A_693 = arith.constant 16 : i32
              %parallel_loop3A_694 = arith.muli %parallel_loop3A_688, %parallel_loop3A_693 : i32
              %parallel_loop3A_695 = arith.index_cast %scan3A_659 : i32 to index
              %parallel_loop3A_696 = arith.index_cast %parallel_loop3A_694 : i32 to index
              %parallel_loop3A_697 = tpu.vector_load %arg22[%parallel_loop3A_695, %parallel_loop3A_696] {strides = array<i32>} : memref<128x256xf32, #tpu.memory_space<vmem>>, vector<16xf32>,
              tpu.vector_store_idx %arg25[%gather3A_665, %parallel_loop3A_692], %parallel_loop3A_697 {add = true} : memref<40x384xf32, #tpu.memory_space<vmem>>[vector<16xi32>, vector<16xi32>], vector<16xf32>,
            } {sc.loop_unroll_factor = 16 : i64, sc.parallel_access}
            %add3A_669 = arith.constant 256 : i32
            %add3A_670 = vector.broadcast %add3A_669 : i32 to vector<16xi32>
            %add3A_671 = arith.addi %iota3A, %add3A_670 : vector<16xi32>
            tpu.vector_store_idx %arg25[%gather3A_665, %add3A_671], %broadcast_in_dim3A_132 {add = true} : memref<40x384xf32, #tpu.memory_space<vmem>>[vector<16xi32>, vector<16xi32>], vector<16xf32>,
            %scan3A_672 = arith.constant 0 : i32
            %scan3A_673 = arith.constant 3 : i32
            %scan3A_674 = arith.addi %scan3A_629, %scan3A_673 : i32
            %broadcast_in_dim3A_675 = arith.constant 0 : i32
            %broadcast_in_dim3A_676 = vector.broadcast %broadcast_in_dim3A_675 : i32 to vector<16xi32>
            %add3A_677 = arith.addi %multiple_of3A_566, %scan3A_674 : i32
            %add3A_678 = vector.broadcast %add3A_677 : i32 to vector<16xi32>
            %add3A_679 = arith.addi %broadcast_in_dim3A_676, %add3A_678 : vector<16xi32>
            %gather3A_680 = tpu.vector_load_idx %arg20[%add3A_679] : memref<768xi32, #tpu.memory_space<vmem>>[vector<16xi32>], vector<16xi32>,
            %parallel_loop3A_681 = arith.constant 0 : i32
            %parallel_loop3A_682 = arith.constant 16 : i32
            %parallel_loop3A_683 = arith.constant 1 : i32
            scf.for %parallel_loop3A_688 = %parallel_loop3A_681 to %parallel_loop3A_682 step %parallel_loop3A_683  : i32 {
              %parallel_loop3A_689 = arith.constant 16 : i32
              %parallel_loop3A_690 = arith.muli %parallel_loop3A_688, %parallel_loop3A_689 : i32
              %parallel_loop3A_691 = vector.broadcast %parallel_loop3A_690 : i32 to vector<16xi32>
              %parallel_loop3A_692 = arith.addi %iota3A, %parallel_loop3A_691 : vector<16xi32>
              %parallel_loop3A_693 = arith.constant 16 : i32
              %parallel_loop3A_694 = arith.muli %parallel_loop3A_688, %parallel_loop3A_693 : i32
              %parallel_loop3A_695 = arith.index_cast %scan3A_674 : i32 to index
              %parallel_loop3A_696 = arith.index_cast %parallel_loop3A_694 : i32 to index
              %parallel_loop3A_697 = tpu.vector_load %arg22[%parallel_loop3A_695, %parallel_loop3A_696] {strides = array<i32>} : memref<128x256xf32, #tpu.memory_space<vmem>>, vector<16xf32>,
              tpu.vector_store_idx %arg25[%gather3A_680, %parallel_loop3A_692], %parallel_loop3A_697 {add = true} : memref<40x384xf32, #tpu.memory_space<vmem>>[vector<16xi32>, vector<16xi32>], vector<16xf32>,
            } {sc.loop_unroll_factor = 16 : i64, sc.parallel_access}
            %add3A_684 = arith.constant 256 : i32
            %add3A_685 = vector.broadcast %add3A_684 : i32 to vector<16xi32>
            %add3A_686 = arith.addi %iota3A, %add3A_685 : vector<16xi32>
            tpu.vector_store_idx %arg25[%gather3A_680, %add3A_686], %broadcast_in_dim3A_132 {add = true} : memref<40x384xf32, #tpu.memory_space<vmem>>[vector<16xi32>, vector<16xi32>], vector<16xf32>,
            %scan3A_687 = arith.constant 0 : i32
            scf.yield %scan3A_687 : i32
          }
          %scan3A_627 = arith.constant 128 : i32
          %while3A_628 = arith.constant 0 : i32
          scf.yield %while3A_628 : i32
        }
        %mul3A_460 = arith.constant 128 : i32
        %mul3A_461 = arith.muli %select_n3A_447, %mul3A_460 : i32
        %sub3A_462 = arith.subi %while3A_423, %mul3A_461 : i32
        %mul3A_463 = arith.constant 128 : i32
        %mul3A_464 = arith.muli %select_n3A_447, %mul3A_463 : i32
        %multiple_of3A_465 = tpu.assume_multiple %mul3A_464, 128 : i32
        %add3A_466 = arith.constant 0 : i32
        %add3A_467 = arith.addi %multiple_of3A_465, %add3A_466 : i32
        %get3A_468 = arith.index_cast %add3A_467 : i32 to index
        %get3A_469 = tpu.vector_load %arg19[%get3A_468] {strides = array<i32>} : memref<768xi32, #tpu.memory_space<vmem>>, vector<16xi32>,
        %swap3A_470 = arith.constant 0 : index
        %swap3A_471 = tpu.vector_load %arg19[%swap3A_470] {strides = array<i32>} : memref<768xi32, #tpu.memory_space<vmem>>, vector<16xi32>,
        tpu.vector_store %arg19[%swap3A_470], %get3A_469 {strides = array<i32>} : memref<768xi32, #tpu.memory_space<vmem>>, vector<16xi32>,
        %add3A_472 = arith.constant 0 : i32
        %add3A_473 = arith.addi %multiple_of3A_465, %add3A_472 : i32
        %get3A_474 = arith.index_cast %add3A_473 : i32 to index
        %get3A_475 = tpu.vector_load %arg20[%get3A_474] {strides = array<i32>} : memref<768xi32, #tpu.memory_space<vmem>>, vector<16xi32>,
        %swap3A_476 = arith.constant 0 : index
        %swap3A_477 = tpu.vector_load %arg20[%swap3A_476] {strides = array<i32>} : memref<768xi32, #tpu.memory_space<vmem>>, vector<16xi32>,
        tpu.vector_store %arg20[%swap3A_476], %get3A_475 {strides = array<i32>} : memref<768xi32, #tpu.memory_space<vmem>>, vector<16xi32>,
        %add3A_478 = arith.constant 16 : i32
        %add3A_479 = arith.addi %multiple_of3A_465, %add3A_478 : i32
        %get3A_480 = arith.index_cast %add3A_479 : i32 to index
        %get3A_481 = tpu.vector_load %arg19[%get3A_480] {strides = array<i32>} : memref<768xi32, #tpu.memory_space<vmem>>, vector<16xi32>,
        %swap3A_482 = arith.constant 16 : index
        %swap3A_483 = tpu.vector_load %arg19[%swap3A_482] {strides = array<i32>} : memref<768xi32, #tpu.memory_space<vmem>>, vector<16xi32>,
        tpu.vector_store %arg19[%swap3A_482], %get3A_481 {strides = array<i32>} : memref<768xi32, #tpu.memory_space<vmem>>, vector<16xi32>,
        %add3A_484 = arith.constant 16 : i32
        %add3A_485 = arith.addi %multiple_of3A_465, %add3A_484 : i32
        %get3A_486 = arith.index_cast %add3A_485 : i32 to index
        %get3A_487 = tpu.vector_load %arg20[%get3A_486] {strides = array<i32>} : memref<768xi32, #tpu.memory_space<vmem>>, vector<16xi32>,
        %swap3A_488 = arith.constant 16 : index
        %swap3A_489 = tpu.vector_load %arg20[%swap3A_488] {strides = array<i32>} : memref<768xi32, #tpu.memory_space<vmem>>, vector<16xi32>,
        tpu.vector_store %arg20[%swap3A_488], %get3A_487 {strides = array<i32>} : memref<768xi32, #tpu.memory_space<vmem>>, vector<16xi32>,
        %add3A_490 = arith.constant 32 : i32
        %add3A_491 = arith.addi %multiple_of3A_465, %add3A_490 : i32
        %get3A_492 = arith.index_cast %add3A_491 : i32 to index
        %get3A_493 = tpu.vector_load %arg19[%get3A_492] {strides = array<i32>} : memref<768xi32, #tpu.memory_space<vmem>>, vector<16xi32>,
        %swap3A_494 = arith.constant 32 : index
        %swap3A_495 = tpu.vector_load %arg19[%swap3A_494] {strides = array<i32>} : memref<768xi32, #tpu.memory_space<vmem>>, vector<16xi32>,
        tpu.vector_store %arg19[%swap3A_494], %get3A_493 {strides = array<i32>} : memref<768xi32, #tpu.memory_space<vmem>>, vector<16xi32>,
        %add3A_496 = arith.constant 32 : i32
        %add3A_497 = arith.addi %multiple_of3A_465, %add3A_496 : i32
        %get3A_498 = arith.index_cast %add3A_497 : i32 to index
        %get3A_499 = tpu.vector_load %arg20[%get3A_498] {strides = array<i32>} : memref<768xi32, #tpu.memory_space<vmem>>, vector<16xi32>,
        %swap3A_500 = arith.constant 32 : index
        %swap3A_501 = tpu.vector_load %arg20[%swap3A_500] {strides = array<i32>} : memref<768xi32, #tpu.memory_space<vmem>>, vector<16xi32>,
        tpu.vector_store %arg20[%swap3A_500], %get3A_499 {strides = array<i32>} : memref<768xi32, #tpu.memory_space<vmem>>, vector<16xi32>,
        %add3A_502 = arith.constant 48 : i32
        %add3A_503 = arith.addi %multiple_of3A_465, %add3A_502 : i32
        %get3A_504 = arith.index_cast %add3A_503 : i32 to index
        %get3A_505 = tpu.vector_load %arg19[%get3A_504] {strides = array<i32>} : memref<768xi32, #tpu.memory_space<vmem>>, vector<16xi32>,
        %swap3A_506 = arith.constant 48 : index
        %swap3A_507 = tpu.vector_load %arg19[%swap3A_506] {strides = array<i32>} : memref<768xi32, #tpu.memory_space<vmem>>, vector<16xi32>,
        tpu.vector_store %arg19[%swap3A_506], %get3A_505 {strides = array<i32>} : memref<768xi32, #tpu.memory_space<vmem>>, vector<16xi32>,
        %add3A_508 = arith.constant 48 : i32
        %add3A_509 = arith.addi %multiple_of3A_465, %add3A_508 : i32
        %get3A_510 = arith.index_cast %add3A_509 : i32 to index
        %get3A_511 = tpu.vector_load %arg20[%get3A_510] {strides = array<i32>} : memref<768xi32, #tpu.memory_space<vmem>>, vector<16xi32>,
        %swap3A_512 = arith.constant 48 : index
        %swap3A_513 = tpu.vector_load %arg20[%swap3A_512] {strides = array<i32>} : memref<768xi32, #tpu.memory_space<vmem>>, vector<16xi32>,
        tpu.vector_store %arg20[%swap3A_512], %get3A_511 {strides = array<i32>} : memref<768xi32, #tpu.memory_space<vmem>>, vector<16xi32>,
        %add3A_514 = arith.constant 64 : i32
        %add3A_515 = arith.addi %multiple_of3A_465, %add3A_514 : i32
        %get3A_516 = arith.index_cast %add3A_515 : i32 to index
        %get3A_517 = tpu.vector_load %arg19[%get3A_516] {strides = array<i32>} : memref<768xi32, #tpu.memory_space<vmem>>, vector<16xi32>,
        %swap3A_518 = arith.constant 64 : index
        %swap3A_519 = tpu.vector_load %arg19[%swap3A_518] {strides = array<i32>} : memref<768xi32, #tpu.memory_space<vmem>>, vector<16xi32>,
        tpu.vector_store %arg19[%swap3A_518], %get3A_517 {strides = array<i32>} : memref<768xi32, #tpu.memory_space<vmem>>, vector<16xi32>,
        %add3A_520 = arith.constant 64 : i32
        %add3A_521 = arith.addi %multiple_of3A_465, %add3A_520 : i32
        %get3A_522 = arith.index_cast %add3A_521 : i32 to index
        %get3A_523 = tpu.vector_load %arg20[%get3A_522] {strides = array<i32>} : memref<768xi32, #tpu.memory_space<vmem>>, vector<16xi32>,
        %swap3A_524 = arith.constant 64 : index
        %swap3A_525 = tpu.vector_load %arg20[%swap3A_524] {strides = array<i32>} : memref<768xi32, #tpu.memory_space<vmem>>, vector<16xi32>,
        tpu.vector_store %arg20[%swap3A_524], %get3A_523 {strides = array<i32>} : memref<768xi32, #tpu.memory_space<vmem>>, vector<16xi32>,
        %add3A_526 = arith.constant 80 : i32
        %add3A_527 = arith.addi %multiple_of3A_465, %add3A_526 : i32
        %get3A_528 = arith.index_cast %add3A_527 : i32 to index
        %get3A_529 = tpu.vector_load %arg19[%get3A_528] {strides = array<i32>} : memref<768xi32, #tpu.memory_space<vmem>>, vector<16xi32>,
        %swap3A_530 = arith.constant 80 : index
        %swap3A_531 = tpu.vector_load %arg19[%swap3A_530] {strides = array<i32>} : memref<768xi32, #tpu.memory_space<vmem>>, vector<16xi32>,
        tpu.vector_store %arg19[%swap3A_530], %get3A_529 {strides = array<i32>} : memref<768xi32, #tpu.memory_space<vmem>>, vector<16xi32>,
        %add3A_532 = arith.constant 80 : i32
        %add3A_533 = arith.addi %multiple_of3A_465, %add3A_532 : i32
        %get3A_534 = arith.index_cast %add3A_533 : i32 to index
        %get3A_535 = tpu.vector_load %arg20[%get3A_534] {strides = array<i32>} : memref<768xi32, #tpu.memory_space<vmem>>, vector<16xi32>,
        %swap3A_536 = arith.constant 80 : index
        %swap3A_537 = tpu.vector_load %arg20[%swap3A_536] {strides = array<i32>} : memref<768xi32, #tpu.memory_space<vmem>>, vector<16xi32>,
        tpu.vector_store %arg20[%swap3A_536], %get3A_535 {strides = array<i32>} : memref<768xi32, #tpu.memory_space<vmem>>, vector<16xi32>,
        %add3A_538 = arith.constant 96 : i32
        %add3A_539 = arith.addi %multiple_of3A_465, %add3A_538 : i32
        %get3A_540 = arith.index_cast %add3A_539 : i32 to index
        %get3A_541 = tpu.vector_load %arg19[%get3A_540] {strides = array<i32>} : memref<768xi32, #tpu.memory_space<vmem>>, vector<16xi32>,
        %swap3A_542 = arith.constant 96 : index
        %swap3A_543 = tpu.vector_load %arg19[%swap3A_542] {strides = array<i32>} : memref<768xi32, #tpu.memory_space<vmem>>, vector<16xi32>,
        tpu.vector_store %arg19[%swap3A_542], %get3A_541 {strides = array<i32>} : memref<768xi32, #tpu.memory_space<vmem>>, vector<16xi32>,
        %add3A_544 = arith.constant 96 : i32
        %add3A_545 = arith.addi %multiple_of3A_465, %add3A_544 : i32
        %get3A_546 = arith.index_cast %add3A_545 : i32 to index
        %get3A_547 = tpu.vector_load %arg20[%get3A_546] {strides = array<i32>} : memref<768xi32, #tpu.memory_space<vmem>>, vector<16xi32>,
        %swap3A_548 = arith.constant 96 : index
        %swap3A_549 = tpu.vector_load %arg20[%swap3A_548] {strides = array<i32>} : memref<768xi32, #tpu.memory_space<vmem>>, vector<16xi32>,
        tpu.vector_store %arg20[%swap3A_548], %get3A_547 {strides = array<i32>} : memref<768xi32, #tpu.memory_space<vmem>>, vector<16xi32>,
        %add3A_550 = arith.constant 112 : i32
        %add3A_551 = arith.addi %multiple_of3A_465, %add3A_550 : i32
        %get3A_552 = arith.index_cast %add3A_551 : i32 to index
        %get3A_553 = tpu.vector_load %arg19[%get3A_552] {strides = array<i32>} : memref<768xi32, #tpu.memory_space<vmem>>, vector<16xi32>,
        %swap3A_554 = arith.constant 112 : index
        %swap3A_555 = tpu.vector_load %arg19[%swap3A_554] {strides = array<i32>} : memref<768xi32, #tpu.memory_space<vmem>>, vector<16xi32>,
        tpu.vector_store %arg19[%swap3A_554], %get3A_553 {strides = array<i32>} : memref<768xi32, #tpu.memory_space<vmem>>, vector<16xi32>,
        %add3A_556 = arith.constant 112 : i32
        %add3A_557 = arith.addi %multiple_of3A_465, %add3A_556 : i32
        %get3A_558 = arith.index_cast %add3A_557 : i32 to index
        %get3A_559 = tpu.vector_load %arg20[%get3A_558] {strides = array<i32>} : memref<768xi32, #tpu.memory_space<vmem>>, vector<16xi32>,
        %swap3A_560 = arith.constant 112 : index
        %swap3A_561 = tpu.vector_load %arg20[%swap3A_560] {strides = array<i32>} : memref<768xi32, #tpu.memory_space<vmem>>, vector<16xi32>,
        tpu.vector_store %arg20[%swap3A_560], %get3A_559 {strides = array<i32>} : memref<768xi32, #tpu.memory_space<vmem>>, vector<16xi32>,
        scf.yield %sub3A_462 : i32
      }
      %while3A_374 = arith.constant 1 : i32
      %while3A_375 = scf.for %while3A_376 = %while3A_371 to %while3A_367 step %while3A_374 iter_args(%while3A_377 = %while3A_373) -> (i32)  : i32 {
        %gt3A = arith.constant 0 : i32
        %gt3A_378 = arith.cmpi sgt, %while3A_376, %gt3A : i32
        %convert_element_type3A = arith.extui %gt3A_378 : i1 to i32
        %cond3A = arith.constant 0 : i32
        %cond3A_379 = arith.cmpi ne, %convert_element_type3A, %cond3A : i32
        scf.if %cond3A_379 {
          %mul3A_562 = arith.constant 5120 : i32
          %mul3A_563 = arith.muli %scan3A_289, %mul3A_562 : i32
          %mul3A_564 = arith.constant 512 : i32
          %mul3A_565 = arith.muli %while3A_376, %mul3A_564 : i32
          %add3A_566 = arith.addi %mul3A_563, %mul3A_565 : i32
          %multiple_of3A_567 = tpu.assume_multiple %add3A_566, 512 : i32
          "tpu.region"() ({
            %run_scoped3A = tpu.sem_alloc : memref<!tpu.dma_semaphore, #tpu.memory_space<semaphore_mem>>
            %dma_start3A_568 = tpu.memref_slice %arg17[%multiple_of3A_364] : memref<1024xi32, #tpu.memory_space<vmem>> -> memref<512xi32, #tpu.memory_space<vmem>>
            %dma_start3A_569 = tpu.memref_slice %arg31[%multiple_of3A_567] : memref<81920xi32, #tpu.memory_space<vmem_shared>> -> memref<512xi32, #tpu.memory_space<vmem_shared>>
            %dma_start3A_570 = tpu.memref_slice %arg17[%multiple_of3A_364] : memref<1024xi32, #tpu.memory_space<vmem>> -> memref<512xi32, #tpu.memory_space<vmem>>
            %dma_start3A_571 = tpu.memref_slice %arg31[%multiple_of3A_567] : memref<81920xi32, #tpu.memory_space<vmem_shared>> -> memref<512xi32, #tpu.memory_space<vmem_shared>>
            tpu.enqueue_dma source(%dma_start3A_571 : memref<512xi32, #tpu.memory_space<vmem_shared>>) target(%dma_start3A_570 : memref<512xi32, #tpu.memory_space<vmem>>) target_semaphore(%run_scoped3A : memref<!tpu.dma_semaphore, #tpu.memory_space<semaphore_mem>>)
            %dma_wait3A_572 = tpu.memref_slice %arg17[%multiple_of3A_364] : memref<1024xi32, #tpu.memory_space<vmem>> -> memref<512xi32, #tpu.memory_space<vmem>>
            %dma_wait3A_573 = tpu.memref_slice %arg31[%multiple_of3A_567] : memref<81920xi32, #tpu.memory_space<vmem_shared>> -> memref<512xi32, #tpu.memory_space<vmem_shared>>
            %dma_wait3A_574 = tpu.memref_slice %arg17[%multiple_of3A_364] : memref<1024xi32, #tpu.memory_space<vmem>> -> memref<512xi32, #tpu.memory_space<vmem>>
            %dma_wait3A_575 = tpu.memref_slice %arg31[%multiple_of3A_567] : memref<81920xi32, #tpu.memory_space<vmem_shared>> -> memref<512xi32, #tpu.memory_space<vmem_shared>>
            tpu.wait_dma2 semaphore(%run_scoped3A : memref<!tpu.dma_semaphore, #tpu.memory_space<semaphore_mem>>) src(%dma_wait3A_575 : memref<512xi32, #tpu.memory_space<vmem_shared>>) dst(%dma_wait3A_574 : memref<512xi32, #tpu.memory_space<vmem>>)
            tpu.yield
          }) : () -> ()
          "tpu.region"() ({
            %run_scoped3A = tpu.sem_alloc : memref<!tpu.dma_semaphore, #tpu.memory_space<semaphore_mem>>
            %dma_start3A_568 = tpu.memref_slice %arg18[%multiple_of3A_364] : memref<1024xi32, #tpu.memory_space<vmem>> -> memref<512xi32, #tpu.memory_space<vmem>>
            %dma_start3A_569 = tpu.memref_slice %arg32[%multiple_of3A_567] : memref<81920xi32, #tpu.memory_space<vmem_shared>> -> memref<512xi32, #tpu.memory_space<vmem_shared>>
            %dma_start3A_570 = tpu.memref_slice %arg18[%multiple_of3A_364] : memref<1024xi32, #tpu.memory_space<vmem>> -> memref<512xi32, #tpu.memory_space<vmem>>
            %dma_start3A_571 = tpu.memref_slice %arg32[%multiple_of3A_567] : memref<81920xi32, #tpu.memory_space<vmem_shared>> -> memref<512xi32, #tpu.memory_space<vmem_shared>>
            tpu.enqueue_dma source(%dma_start3A_571 : memref<512xi32, #tpu.memory_space<vmem_shared>>) target(%dma_start3A_570 : memref<512xi32, #tpu.memory_space<vmem>>) target_semaphore(%run_scoped3A : memref<!tpu.dma_semaphore, #tpu.memory_space<semaphore_mem>>)
            %dma_wait3A_572 = tpu.memref_slice %arg18[%multiple_of3A_364] : memref<1024xi32, #tpu.memory_space<vmem>> -> memref<512xi32, #tpu.memory_space<vmem>>
            %dma_wait3A_573 = tpu.memref_slice %arg32[%multiple_of3A_567] : memref<81920xi32, #tpu.memory_space<vmem_shared>> -> memref<512xi32, #tpu.memory_space<vmem_shared>>
            %dma_wait3A_574 = tpu.memref_slice %arg18[%multiple_of3A_364] : memref<1024xi32, #tpu.memory_space<vmem>> -> memref<512xi32, #tpu.memory_space<vmem>>
            %dma_wait3A_575 = tpu.memref_slice %arg32[%multiple_of3A_567] : memref<81920xi32, #tpu.memory_space<vmem_shared>> -> memref<512xi32, #tpu.memory_space<vmem_shared>>
            tpu.wait_dma2 semaphore(%run_scoped3A : memref<!tpu.dma_semaphore, #tpu.memory_space<semaphore_mem>>) src(%dma_wait3A_575 : memref<512xi32, #tpu.memory_space<vmem_shared>>) dst(%dma_wait3A_574 : memref<512xi32, #tpu.memory_space<vmem>>)
            tpu.yield
          }) : () -> ()
        } else {
        }
        %mul3A_380 = arith.constant 512 : i32
        %mul3A_381 = arith.muli %while3A_376, %mul3A_380 : i32
        %sub3A_382 = arith.subi %squeeze3A, %mul3A_381 : i32
        %min3A_383 = arith.constant 512 : i32
        %min3A_384 = arith.minsi %sub3A_382, %min3A_383 : i32
        %add3A_385 = arith.constant 16 : i32
        %add3A_386 = arith.addi %min3A_384, %add3A_385 : i32
        %sub3A_387 = arith.constant 1 : i32
        %sub3A_388 = arith.subi %add3A_386, %sub3A_387 : i32
        %jit3A_389 = arith.constant 16 : i32
        %div3A_390 = arith.divsi %sub3A_388, %jit3A_389 : i32
        %sign3A_391 = arith.constant 0 : i32
        %sign3A_392 = arith.cmpi sgt, %sub3A_388, %sign3A_391 : i32
        %sign3A_393 = arith.extui %sign3A_392 : i1 to i32
        %sign3A_394 = arith.constant 0 : i32
        %sign3A_395 = arith.cmpi slt, %sub3A_388, %sign3A_394 : i32
        %sign3A_396 = arith.extui %sign3A_395 : i1 to i32
        %sign3A_397 = arith.subi %sign3A_393, %sign3A_396 : i32
        %sign3A_398 = arith.constant 0 : i32
        %sign3A_399 = arith.cmpi sgt, %jit3A_389, %sign3A_398 : i32
        %sign3A_400 = arith.extui %sign3A_399 : i1 to i32
        %sign3A_401 = arith.constant 0 : i32
        %sign3A_402 = arith.cmpi slt, %jit3A_389, %sign3A_401 : i32
        %sign3A_403 = arith.extui %sign3A_402 : i1 to i32
        %sign3A_404 = arith.subi %sign3A_400, %sign3A_403 : i32
        %ne3A_405 = arith.cmpi ne, %sign3A_397, %sign3A_404 : i32
        %rem3A_406 = arith.remsi %sub3A_388, %jit3A_389 : i32
        %ne3A_407 = arith.constant 0 : i32
        %ne3A_408 = arith.cmpi ne, %rem3A_406, %ne3A_407 : i32
        %and3A_409 = arith.andi %ne3A_405, %ne3A_408 : i1
        %sub3A_410 = arith.constant 1 : i32
        %sub3A_411 = arith.subi %div3A_390, %sub3A_410 : i32
        %select_n3A_412 = arith.select %and3A_409, %sub3A_411, %div3A_390 : i32
        %while3A_413 = arith.constant 0 : i32
        %while3A_414 = arith.subi %select_n3A_412, %while3A_413 : i32
        %while3A_415 = arith.addi %while3A_413, %while3A_414 : i32
        %while3A_416 = arith.constant 1 : i32
        %while3A_417 = arith.divsi %while3A_414, %while3A_416 : i32
        %while3A_418 = arith.muli %while3A_417, %while3A_416 : i32
        %while3A_419 = arith.addi %while3A_413, %while3A_418 : i32
        %while3A_420 = arith.constant 1 : i32
        %while3A_421 = scf.for %while3A_562 = %while3A_413 to %while3A_419 step %while3A_420 iter_args(%while3A_563 = %while3A_377) -> (i32)  : i32 {
          %mul3A_564 = arith.constant 16 : i32
          %mul3A_565 = arith.muli %while3A_562, %mul3A_564 : i32
          %add3A_566 = arith.addi %multiple_of3A_364, %mul3A_565 : i32
          %get3A_567 = arith.index_cast %add3A_566 : i32 to index
          %get3A_568 = tpu.vector_load %arg18[%get3A_567] {strides = array<i32>} : memref<1024xi32, #tpu.memory_space<vmem>>, vector<16xi32>,
          %mul3A_569 = arith.constant 16 : i32
          %mul3A_570 = arith.muli %while3A_562, %mul3A_569 : i32
          %add3A_571 = arith.addi %multiple_of3A_364, %mul3A_570 : i32
          %get3A_572 = arith.index_cast %add3A_571 : i32 to index
          %get3A_573 = tpu.vector_load %arg17[%get3A_572] {strides = array<i32>} : memref<1024xi32, #tpu.memory_space<vmem>>, vector<16xi32>,
          %ge3A = vector.broadcast %mul3A_130 : i32 to vector<16xi32>
          %ge3A_574 = arith.cmpi sge, %get3A_568, %ge3A : vector<16xi32>
          %add3A_575 = arith.constant 32 : i32
          %add3A_576 = arith.addi %mul3A_130, %add3A_575 : i32
          %lt3A_577 = vector.broadcast %add3A_576 : i32 to vector<16xi32>
          %lt3A_578 = arith.cmpi slt, %get3A_568, %lt3A_577 : vector<16xi32>
          %and3A_579 = arith.andi %ge3A_574, %lt3A_578 : vector<16xi1>
          %sub3A_580 = vector.broadcast %mul3A_130 : i32 to vector<16xi32>
          %sub3A_581 = arith.subi %get3A_568, %sub3A_580 : vector<16xi32>
          %swap3A_582 = arith.index_cast %while3A_563 : i32 to index
          %swap3A_583 = tpu.vector_load %arg20[%swap3A_582] masked %and3A_579 {strides = array<i32>} : memref<768xi32, #tpu.memory_space<vmem>>, vector<16xi32>, vector<16xi1>
          tpu.vector_store %arg20[%swap3A_582], %sub3A_581 masked %and3A_579 {strides = array<i32>} : memref<768xi32, #tpu.memory_space<vmem>>, vector<16xi32>, vector<16xi1>
          %swap3A_584 = arith.index_cast %while3A_563 : i32 to index
          %swap3A_585 = tpu.vector_load %arg19[%swap3A_584] masked %and3A_579 {strides = array<i32>} : memref<768xi32, #tpu.memory_space<vmem>>, vector<16xi32>, vector<16xi1>
          tpu.vector_store %arg19[%swap3A_584], %get3A_573 masked %and3A_579 {strides = array<i32>} : memref<768xi32, #tpu.memory_space<vmem>>, vector<16xi32>, vector<16xi1>
          %all_reduce_population_count3A = tpu.all_reduce %and3A_579 {dim = 0 : i64, kind = #tpu.reduction_kind<sum>} : vector<16xi1> -> vector<16xi32>
          %slice3A_586 = vector.extract_strided_slice %all_reduce_population_count3A {offsets = [0], sizes = [1], strides = [1]} : vector<16xi32> to vector<1xi32>
          %squeeze3A_587 = vector.extract %slice3A_586[0] : i32 from vector<1xi32>
          %add3A_588 = arith.addi %while3A_563, %squeeze3A_587 : i32
          scf.yield %add3A_588 : i32
        }
        %while3A_422 = arith.constant 1 : i32
        %while3A_423 = scf.for %while3A_562 = %while3A_419 to %while3A_415 step %while3A_422 iter_args(%while3A_563 = %while3A_421) -> (i32)  : i32 {
          %mul3A_564 = arith.constant 16 : i32
          %mul3A_565 = arith.muli %while3A_562, %mul3A_564 : i32
          %add3A_566 = arith.addi %multiple_of3A_364, %mul3A_565 : i32
          %get3A_567 = arith.index_cast %add3A_566 : i32 to index
          %get3A_568 = tpu.vector_load %arg18[%get3A_567] {strides = array<i32>} : memref<1024xi32, #tpu.memory_space<vmem>>, vector<16xi32>,
          %mul3A_569 = arith.constant 16 : i32
          %mul3A_570 = arith.muli %while3A_562, %mul3A_569 : i32
          %add3A_571 = arith.addi %multiple_of3A_364, %mul3A_570 : i32
          %get3A_572 = arith.index_cast %add3A_571 : i32 to index
          %get3A_573 = tpu.vector_load %arg17[%get3A_572] {strides = array<i32>} : memref<1024xi32, #tpu.memory_space<vmem>>, vector<16xi32>,
          %ge3A = vector.broadcast %mul3A_130 : i32 to vector<16xi32>
          %ge3A_574 = arith.cmpi sge, %get3A_568, %ge3A : vector<16xi32>
          %add3A_575 = arith.constant 32 : i32
          %add3A_576 = arith.addi %mul3A_130, %add3A_575 : i32
          %lt3A_577 = vector.broadcast %add3A_576 : i32 to vector<16xi32>
          %lt3A_578 = arith.cmpi slt, %get3A_568, %lt3A_577 : vector<16xi32>
          %and3A_579 = arith.andi %ge3A_574, %lt3A_578 : vector<16xi1>
          %sub3A_580 = vector.broadcast %mul3A_130 : i32 to vector<16xi32>
          %sub3A_581 = arith.subi %get3A_568, %sub3A_580 : vector<16xi32>
          %swap3A_582 = arith.index_cast %while3A_563 : i32 to index
          %swap3A_583 = tpu.vector_load %arg20[%swap3A_582] masked %and3A_579 {strides = array<i32>} : memref<768xi32, #tpu.memory_space<vmem>>, vector<16xi32>, vector<16xi1>
          tpu.vector_store %arg20[%swap3A_582], %sub3A_581 masked %and3A_579 {strides = array<i32>} : memref<768xi32, #tpu.memory_space<vmem>>, vector<16xi32>, vector<16xi1>
          %swap3A_584 = arith.index_cast %while3A_563 : i32 to index
          %swap3A_585 = tpu.vector_load %arg19[%swap3A_584] masked %and3A_579 {strides = array<i32>} : memref<768xi32, #tpu.memory_space<vmem>>, vector<16xi32>, vector<16xi1>
          tpu.vector_store %arg19[%swap3A_584], %get3A_573 masked %and3A_579 {strides = array<i32>} : memref<768xi32, #tpu.memory_space<vmem>>, vector<16xi32>, vector<16xi1>
          %all_reduce_population_count3A = tpu.all_reduce %and3A_579 {dim = 0 : i64, kind = #tpu.reduction_kind<sum>} : vector<16xi1> -> vector<16xi32>
          %slice3A_586 = vector.extract_strided_slice %all_reduce_population_count3A {offsets = [0], sizes = [1], strides = [1]} : vector<16xi32> to vector<1xi32>
          %squeeze3A_587 = vector.extract %slice3A_586[0] : i32 from vector<1xi32>
          %add3A_588 = arith.addi %while3A_563, %squeeze3A_587 : i32
          scf.yield %add3A_588 : i32
        }
        %jit3A_424 = arith.constant 128 : i32
        %div3A_425 = arith.divsi %while3A_423, %jit3A_424 : i32
        %sign3A_426 = arith.constant 0 : i32
        %sign3A_427 = arith.cmpi sgt, %while3A_423, %sign3A_426 : i32
        %sign3A_428 = arith.extui %sign3A_427 : i1 to i32
        %sign3A_429 = arith.constant 0 : i32
        %sign3A_430 = arith.cmpi slt, %while3A_423, %sign3A_429 : i32
        %sign3A_431 = arith.extui %sign3A_430 : i1 to i32
        %sign3A_432 = arith.subi %sign3A_428, %sign3A_431 : i32
        %sign3A_433 = arith.constant 0 : i32
        %sign3A_434 = arith.cmpi sgt, %jit3A_424, %sign3A_433 : i32
        %sign3A_435 = arith.extui %sign3A_434 : i1 to i32
        %sign3A_436 = arith.constant 0 : i32
        %sign3A_437 = arith.cmpi slt, %jit3A_424, %sign3A_436 : i32
        %sign3A_438 = arith.extui %sign3A_437 : i1 to i32
        %sign3A_439 = arith.subi %sign3A_435, %sign3A_438 : i32
        %ne3A_440 = arith.cmpi ne, %sign3A_432, %sign3A_439 : i32
        %rem3A_441 = arith.remsi %while3A_423, %jit3A_424 : i32
        %ne3A_442 = arith.constant 0 : i32
        %ne3A_443 = arith.cmpi ne, %rem3A_441, %ne3A_442 : i32
        %and3A_444 = arith.andi %ne3A_440, %ne3A_443 : i1
        %sub3A_445 = arith.constant 1 : i32
        %sub3A_446 = arith.subi %div3A_425, %sub3A_445 : i32
        %select_n3A_447 = arith.select %and3A_444, %sub3A_446, %div3A_425 : i32
        %while3A_448 = arith.constant 0 : i32
        %while3A_449 = arith.constant 0 : i32
        %while3A_450 = arith.subi %select_n3A_447, %while3A_448 : i32
        %while3A_451 = arith.addi %while3A_448, %while3A_450 : i32
        %while3A_452 = arith.constant 1 : i32
        %while3A_453 = arith.divsi %while3A_450, %while3A_452 : i32
        %while3A_454 = arith.muli %while3A_453, %while3A_452 : i32
        %while3A_455 = arith.addi %while3A_448, %while3A_454 : i32
        %while3A_456 = arith.constant 1 : i32
        %while3A_457 = scf.for %while3A_562 = %while3A_448 to %while3A_455 step %while3A_456 iter_args(%while3A_563 = %while3A_449) -> (i32)  : i32 {
          %mul3A_564 = arith.constant 128 : i32
          %mul3A_565 = arith.muli %while3A_562, %mul3A_564 : i32
          %multiple_of3A_566 = tpu.assume_multiple %mul3A_565, 128 : i32
          %add3A_567 = arith.constant 0 : i32
          %add3A_568 = arith.addi %multiple_of3A_566, %add3A_567 : i32
          %get3A_569 = arith.index_cast %add3A_568 : i32 to index
          %get3A_570 = tpu.vector_load %arg19[%get3A_569] {strides = array<i32>} : memref<768xi32, #tpu.memory_space<vmem>>, vector<16xi32>,
          %swap3A_571 = arith.constant 0 : index
          %swap3A_572 = tpu.vector_load %arg21[%swap3A_571] {strides = array<i32>} : memref<128xi32, #tpu.memory_space<vmem>>, vector<16xi32>,
          tpu.vector_store %arg21[%swap3A_571], %get3A_570 {strides = array<i32>} : memref<128xi32, #tpu.memory_space<vmem>>, vector<16xi32>,
          %add3A_573 = arith.constant 16 : i32
          %add3A_574 = arith.addi %multiple_of3A_566, %add3A_573 : i32
          %get3A_575 = arith.index_cast %add3A_574 : i32 to index
          %get3A_576 = tpu.vector_load %arg19[%get3A_575] {strides = array<i32>} : memref<768xi32, #tpu.memory_space<vmem>>, vector<16xi32>,
          %swap3A_577 = arith.constant 16 : index
          %swap3A_578 = tpu.vector_load %arg21[%swap3A_577] {strides = array<i32>} : memref<128xi32, #tpu.memory_space<vmem>>, vector<16xi32>,
          tpu.vector_store %arg21[%swap3A_577], %get3A_576 {strides = array<i32>} : memref<128xi32, #tpu.memory_space<vmem>>, vector<16xi32>,
          %add3A_579 = arith.constant 32 : i32
          %add3A_580 = arith.addi %multiple_of3A_566, %add3A_579 : i32
          %get3A_581 = arith.index_cast %add3A_580 : i32 to index
          %get3A_582 = tpu.vector_load %arg19[%get3A_581] {strides = array<i32>} : memref<768xi32, #tpu.memory_space<vmem>>, vector<16xi32>,
          %swap3A_583 = arith.constant 32 : index
          %swap3A_584 = tpu.vector_load %arg21[%swap3A_583] {strides = array<i32>} : memref<128xi32, #tpu.memory_space<vmem>>, vector<16xi32>,
          tpu.vector_store %arg21[%swap3A_583], %get3A_582 {strides = array<i32>} : memref<128xi32, #tpu.memory_space<vmem>>, vector<16xi32>,
          %add3A_585 = arith.constant 48 : i32
          %add3A_586 = arith.addi %multiple_of3A_566, %add3A_585 : i32
          %get3A_587 = arith.index_cast %add3A_586 : i32 to index
          %get3A_588 = tpu.vector_load %arg19[%get3A_587] {strides = array<i32>} : memref<768xi32, #tpu.memory_space<vmem>>, vector<16xi32>,
          %swap3A_589 = arith.constant 48 : index
          %swap3A_590 = tpu.vector_load %arg21[%swap3A_589] {strides = array<i32>} : memref<128xi32, #tpu.memory_space<vmem>>, vector<16xi32>,
          tpu.vector_store %arg21[%swap3A_589], %get3A_588 {strides = array<i32>} : memref<128xi32, #tpu.memory_space<vmem>>, vector<16xi32>,
          %add3A_591 = arith.constant 64 : i32
          %add3A_592 = arith.addi %multiple_of3A_566, %add3A_591 : i32
          %get3A_593 = arith.index_cast %add3A_592 : i32 to index
          %get3A_594 = tpu.vector_load %arg19[%get3A_593] {strides = array<i32>} : memref<768xi32, #tpu.memory_space<vmem>>, vector<16xi32>,
          %swap3A_595 = arith.constant 64 : index
          %swap3A_596 = tpu.vector_load %arg21[%swap3A_595] {strides = array<i32>} : memref<128xi32, #tpu.memory_space<vmem>>, vector<16xi32>,
          tpu.vector_store %arg21[%swap3A_595], %get3A_594 {strides = array<i32>} : memref<128xi32, #tpu.memory_space<vmem>>, vector<16xi32>,
          %add3A_597 = arith.constant 80 : i32
          %add3A_598 = arith.addi %multiple_of3A_566, %add3A_597 : i32
          %get3A_599 = arith.index_cast %add3A_598 : i32 to index
          %get3A_600 = tpu.vector_load %arg19[%get3A_599] {strides = array<i32>} : memref<768xi32, #tpu.memory_space<vmem>>, vector<16xi32>,
          %swap3A_601 = arith.constant 80 : index
          %swap3A_602 = tpu.vector_load %arg21[%swap3A_601] {strides = array<i32>} : memref<128xi32, #tpu.memory_space<vmem>>, vector<16xi32>,
          tpu.vector_store %arg21[%swap3A_601], %get3A_600 {strides = array<i32>} : memref<128xi32, #tpu.memory_space<vmem>>, vector<16xi32>,
          %add3A_603 = arith.constant 96 : i32
          %add3A_604 = arith.addi %multiple_of3A_566, %add3A_603 : i32
          %get3A_605 = arith.index_cast %add3A_604 : i32 to index
          %get3A_606 = tpu.vector_load %arg19[%get3A_605] {strides = array<i32>} : memref<768xi32, #tpu.memory_space<vmem>>, vector<16xi32>,
          %swap3A_607 = arith.constant 96 : index
          %swap3A_608 = tpu.vector_load %arg21[%swap3A_607] {strides = array<i32>} : memref<128xi32, #tpu.memory_space<vmem>>, vector<16xi32>,
          tpu.vector_store %arg21[%swap3A_607], %get3A_606 {strides = array<i32>} : memref<128xi32, #tpu.memory_space<vmem>>, vector<16xi32>,
          %add3A_609 = arith.constant 112 : i32
          %add3A_610 = arith.addi %multiple_of3A_566, %add3A_609 : i32
          %get3A_611 = arith.index_cast %add3A_610 : i32 to index
          %get3A_612 = tpu.vector_load %arg19[%get3A_611] {strides = array<i32>} : memref<768xi32, #tpu.memory_space<vmem>>, vector<16xi32>,
          %swap3A_613 = arith.constant 112 : index
          %swap3A_614 = tpu.vector_load %arg21[%swap3A_613] {strides = array<i32>} : memref<128xi32, #tpu.memory_space<vmem>>, vector<16xi32>,
          tpu.vector_store %arg21[%swap3A_613], %get3A_612 {strides = array<i32>} : memref<128xi32, #tpu.memory_space<vmem>>, vector<16xi32>,
          %dma_start3A_615 = arith.constant 0 : i32
          %dma_start3A_616 = arith.constant 0 : i32
          %dma_start3A_617 = tpu.memref_slice %arg2[%dma_start3A_615, %dma_start3A_616] : memref<10000x256xf32, #tpu.memory_space<hbm>> -> memref<10000x256xf32, #tpu.memory_space<hbm>>
          tpu.enqueue_indirect_dma source(%dma_start3A_617 : memref<10000x256xf32, #tpu.memory_space<hbm>>) target(%arg22 : memref<128x256xf32, #tpu.memory_space<vmem>>) offsets(%arg21 : memref<128xi32, #tpu.memory_space<vmem>>) semaphore(%arg34 : memref<!tpu.dma_semaphore, #tpu.memory_space<semaphore_mem>>)
          %dma_wait3A_618 = arith.constant 0 : i32
          %dma_wait3A_619 = arith.constant 0 : i32
          %dma_wait3A_620 = tpu.memref_slice %arg2[%dma_wait3A_618, %dma_wait3A_619] : memref<10000x256xf32, #tpu.memory_space<hbm>> -> memref<10000x256xf32, #tpu.memory_space<hbm>>
          tpu.wait_indirect_dma semaphore(%arg34 : memref<!tpu.dma_semaphore, #tpu.memory_space<semaphore_mem>>) src(%dma_wait3A_620 : memref<10000x256xf32, #tpu.memory_space<hbm>>) dst(%arg22 : memref<128x256xf32, #tpu.memory_space<vmem>>)
          %scan3A_621 = arith.constant 0 : i32
          %scan3A_622 = arith.constant 0 : i32
          %scan3A_623 = arith.constant 128 : i32
          %scan3A_624 = arith.addi %scan3A_622, %scan3A_623 : i32
          %scan3A_625 = arith.constant 4 : i32
          %scan3A_626 = scf.for %scan3A_629 = %scan3A_622 to %scan3A_624 step %scan3A_625 iter_args(%scan3A_630 = %scan3A_621) -> (i32)  : i32 {
            %broadcast_in_dim3A_631 = arith.constant 0 : i32
            %broadcast_in_dim3A_632 = vector.broadcast %broadcast_in_dim3A_631 : i32 to vector<16xi32>
            %add3A_633 = arith.addi %multiple_of3A_566, %scan3A_629 : i32
            %add3A_634 = vector.broadcast %add3A_633 : i32 to vector<16xi32>
            %add3A_635 = arith.addi %broadcast_in_dim3A_632, %add3A_634 : vector<16xi32>
            %gather3A = tpu.vector_load_idx %arg20[%add3A_635] : memref<768xi32, #tpu.memory_space<vmem>>[vector<16xi32>], vector<16xi32>,
            %parallel_loop3A_636 = arith.constant 0 : i32
            %parallel_loop3A_637 = arith.constant 16 : i32
            %parallel_loop3A_638 = arith.constant 1 : i32
            scf.for %parallel_loop3A_688 = %parallel_loop3A_636 to %parallel_loop3A_637 step %parallel_loop3A_638  : i32 {
              %parallel_loop3A_689 = arith.constant 16 : i32
              %parallel_loop3A_690 = arith.muli %parallel_loop3A_688, %parallel_loop3A_689 : i32
              %parallel_loop3A_691 = vector.broadcast %parallel_loop3A_690 : i32 to vector<16xi32>
              %parallel_loop3A_692 = arith.addi %iota3A, %parallel_loop3A_691 : vector<16xi32>
              %parallel_loop3A_693 = arith.constant 16 : i32
              %parallel_loop3A_694 = arith.muli %parallel_loop3A_688, %parallel_loop3A_693 : i32
              %parallel_loop3A_695 = arith.index_cast %scan3A_629 : i32 to index
              %parallel_loop3A_696 = arith.index_cast %parallel_loop3A_694 : i32 to index
              %parallel_loop3A_697 = tpu.vector_load %arg22[%parallel_loop3A_695, %parallel_loop3A_696] {strides = array<i32>} : memref<128x256xf32, #tpu.memory_space<vmem>>, vector<16xf32>,
              tpu.vector_store_idx %arg25[%gather3A, %parallel_loop3A_692], %parallel_loop3A_697 {add = true} : memref<40x384xf32, #tpu.memory_space<vmem>>[vector<16xi32>, vector<16xi32>], vector<16xf32>,
            } {sc.loop_unroll_factor = 16 : i64, sc.parallel_access}
            %add3A_639 = arith.constant 256 : i32
            %add3A_640 = vector.broadcast %add3A_639 : i32 to vector<16xi32>
            %add3A_641 = arith.addi %iota3A, %add3A_640 : vector<16xi32>
            tpu.vector_store_idx %arg25[%gather3A, %add3A_641], %broadcast_in_dim3A_132 {add = true} : memref<40x384xf32, #tpu.memory_space<vmem>>[vector<16xi32>, vector<16xi32>], vector<16xf32>,
            %scan3A_642 = arith.constant 0 : i32
            %scan3A_643 = arith.constant 1 : i32
            %scan3A_644 = arith.addi %scan3A_629, %scan3A_643 : i32
            %broadcast_in_dim3A_645 = arith.constant 0 : i32
            %broadcast_in_dim3A_646 = vector.broadcast %broadcast_in_dim3A_645 : i32 to vector<16xi32>
            %add3A_647 = arith.addi %multiple_of3A_566, %scan3A_644 : i32
            %add3A_648 = vector.broadcast %add3A_647 : i32 to vector<16xi32>
            %add3A_649 = arith.addi %broadcast_in_dim3A_646, %add3A_648 : vector<16xi32>
            %gather3A_650 = tpu.vector_load_idx %arg20[%add3A_649] : memref<768xi32, #tpu.memory_space<vmem>>[vector<16xi32>], vector<16xi32>,
            %parallel_loop3A_651 = arith.constant 0 : i32
            %parallel_loop3A_652 = arith.constant 16 : i32
            %parallel_loop3A_653 = arith.constant 1 : i32
            scf.for %parallel_loop3A_688 = %parallel_loop3A_651 to %parallel_loop3A_652 step %parallel_loop3A_653  : i32 {
              %parallel_loop3A_689 = arith.constant 16 : i32
              %parallel_loop3A_690 = arith.muli %parallel_loop3A_688, %parallel_loop3A_689 : i32
              %parallel_loop3A_691 = vector.broadcast %parallel_loop3A_690 : i32 to vector<16xi32>
              %parallel_loop3A_692 = arith.addi %iota3A, %parallel_loop3A_691 : vector<16xi32>
              %parallel_loop3A_693 = arith.constant 16 : i32
              %parallel_loop3A_694 = arith.muli %parallel_loop3A_688, %parallel_loop3A_693 : i32
              %parallel_loop3A_695 = arith.index_cast %scan3A_644 : i32 to index
              %parallel_loop3A_696 = arith.index_cast %parallel_loop3A_694 : i32 to index
              %parallel_loop3A_697 = tpu.vector_load %arg22[%parallel_loop3A_695, %parallel_loop3A_696] {strides = array<i32>} : memref<128x256xf32, #tpu.memory_space<vmem>>, vector<16xf32>,
              tpu.vector_store_idx %arg25[%gather3A_650, %parallel_loop3A_692], %parallel_loop3A_697 {add = true} : memref<40x384xf32, #tpu.memory_space<vmem>>[vector<16xi32>, vector<16xi32>], vector<16xf32>,
            } {sc.loop_unroll_factor = 16 : i64, sc.parallel_access}
            %add3A_654 = arith.constant 256 : i32
            %add3A_655 = vector.broadcast %add3A_654 : i32 to vector<16xi32>
            %add3A_656 = arith.addi %iota3A, %add3A_655 : vector<16xi32>
            tpu.vector_store_idx %arg25[%gather3A_650, %add3A_656], %broadcast_in_dim3A_132 {add = true} : memref<40x384xf32, #tpu.memory_space<vmem>>[vector<16xi32>, vector<16xi32>], vector<16xf32>,
            %scan3A_657 = arith.constant 0 : i32
            %scan3A_658 = arith.constant 2 : i32
            %scan3A_659 = arith.addi %scan3A_629, %scan3A_658 : i32
            %broadcast_in_dim3A_660 = arith.constant 0 : i32
            %broadcast_in_dim3A_661 = vector.broadcast %broadcast_in_dim3A_660 : i32 to vector<16xi32>
            %add3A_662 = arith.addi %multiple_of3A_566, %scan3A_659 : i32
            %add3A_663 = vector.broadcast %add3A_662 : i32 to vector<16xi32>
            %add3A_664 = arith.addi %broadcast_in_dim3A_661, %add3A_663 : vector<16xi32>
            %gather3A_665 = tpu.vector_load_idx %arg20[%add3A_664] : memref<768xi32, #tpu.memory_space<vmem>>[vector<16xi32>], vector<16xi32>,
            %parallel_loop3A_666 = arith.constant 0 : i32
            %parallel_loop3A_667 = arith.constant 16 : i32
            %parallel_loop3A_668 = arith.constant 1 : i32
            scf.for %parallel_loop3A_688 = %parallel_loop3A_666 to %parallel_loop3A_667 step %parallel_loop3A_668  : i32 {
              %parallel_loop3A_689 = arith.constant 16 : i32
              %parallel_loop3A_690 = arith.muli %parallel_loop3A_688, %parallel_loop3A_689 : i32
              %parallel_loop3A_691 = vector.broadcast %parallel_loop3A_690 : i32 to vector<16xi32>
              %parallel_loop3A_692 = arith.addi %iota3A, %parallel_loop3A_691 : vector<16xi32>
              %parallel_loop3A_693 = arith.constant 16 : i32
              %parallel_loop3A_694 = arith.muli %parallel_loop3A_688, %parallel_loop3A_693 : i32
              %parallel_loop3A_695 = arith.index_cast %scan3A_659 : i32 to index
              %parallel_loop3A_696 = arith.index_cast %parallel_loop3A_694 : i32 to index
              %parallel_loop3A_697 = tpu.vector_load %arg22[%parallel_loop3A_695, %parallel_loop3A_696] {strides = array<i32>} : memref<128x256xf32, #tpu.memory_space<vmem>>, vector<16xf32>,
              tpu.vector_store_idx %arg25[%gather3A_665, %parallel_loop3A_692], %parallel_loop3A_697 {add = true} : memref<40x384xf32, #tpu.memory_space<vmem>>[vector<16xi32>, vector<16xi32>], vector<16xf32>,
            } {sc.loop_unroll_factor = 16 : i64, sc.parallel_access}
            %add3A_669 = arith.constant 256 : i32
            %add3A_670 = vector.broadcast %add3A_669 : i32 to vector<16xi32>
            %add3A_671 = arith.addi %iota3A, %add3A_670 : vector<16xi32>
            tpu.vector_store_idx %arg25[%gather3A_665, %add3A_671], %broadcast_in_dim3A_132 {add = true} : memref<40x384xf32, #tpu.memory_space<vmem>>[vector<16xi32>, vector<16xi32>], vector<16xf32>,
            %scan3A_672 = arith.constant 0 : i32
            %scan3A_673 = arith.constant 3 : i32
            %scan3A_674 = arith.addi %scan3A_629, %scan3A_673 : i32
            %broadcast_in_dim3A_675 = arith.constant 0 : i32
            %broadcast_in_dim3A_676 = vector.broadcast %broadcast_in_dim3A_675 : i32 to vector<16xi32>
            %add3A_677 = arith.addi %multiple_of3A_566, %scan3A_674 : i32
            %add3A_678 = vector.broadcast %add3A_677 : i32 to vector<16xi32>
            %add3A_679 = arith.addi %broadcast_in_dim3A_676, %add3A_678 : vector<16xi32>
            %gather3A_680 = tpu.vector_load_idx %arg20[%add3A_679] : memref<768xi32, #tpu.memory_space<vmem>>[vector<16xi32>], vector<16xi32>,
            %parallel_loop3A_681 = arith.constant 0 : i32
            %parallel_loop3A_682 = arith.constant 16 : i32
            %parallel_loop3A_683 = arith.constant 1 : i32
            scf.for %parallel_loop3A_688 = %parallel_loop3A_681 to %parallel_loop3A_682 step %parallel_loop3A_683  : i32 {
              %parallel_loop3A_689 = arith.constant 16 : i32
              %parallel_loop3A_690 = arith.muli %parallel_loop3A_688, %parallel_loop3A_689 : i32
              %parallel_loop3A_691 = vector.broadcast %parallel_loop3A_690 : i32 to vector<16xi32>
              %parallel_loop3A_692 = arith.addi %iota3A, %parallel_loop3A_691 : vector<16xi32>
              %parallel_loop3A_693 = arith.constant 16 : i32
              %parallel_loop3A_694 = arith.muli %parallel_loop3A_688, %parallel_loop3A_693 : i32
              %parallel_loop3A_695 = arith.index_cast %scan3A_674 : i32 to index
              %parallel_loop3A_696 = arith.index_cast %parallel_loop3A_694 : i32 to index
              %parallel_loop3A_697 = tpu.vector_load %arg22[%parallel_loop3A_695, %parallel_loop3A_696] {strides = array<i32>} : memref<128x256xf32, #tpu.memory_space<vmem>>, vector<16xf32>,
              tpu.vector_store_idx %arg25[%gather3A_680, %parallel_loop3A_692], %parallel_loop3A_697 {add = true} : memref<40x384xf32, #tpu.memory_space<vmem>>[vector<16xi32>, vector<16xi32>], vector<16xf32>,
            } {sc.loop_unroll_factor = 16 : i64, sc.parallel_access}
            %add3A_684 = arith.constant 256 : i32
            %add3A_685 = vector.broadcast %add3A_684 : i32 to vector<16xi32>
            %add3A_686 = arith.addi %iota3A, %add3A_685 : vector<16xi32>
            tpu.vector_store_idx %arg25[%gather3A_680, %add3A_686], %broadcast_in_dim3A_132 {add = true} : memref<40x384xf32, #tpu.memory_space<vmem>>[vector<16xi32>, vector<16xi32>], vector<16xf32>,
            %scan3A_687 = arith.constant 0 : i32
            scf.yield %scan3A_687 : i32
          }
          %scan3A_627 = arith.constant 128 : i32
          %while3A_628 = arith.constant 0 : i32
          scf.yield %while3A_628 : i32
        }
        %while3A_458 = arith.constant 1 : i32
        %while3A_459 = scf.for %while3A_562 = %while3A_455 to %while3A_451 step %while3A_458 iter_args(%while3A_563 = %while3A_457) -> (i32)  : i32 {
          %mul3A_564 = arith.constant 128 : i32
          %mul3A_565 = arith.muli %while3A_562, %mul3A_564 : i32
          %multiple_of3A_566 = tpu.assume_multiple %mul3A_565, 128 : i32
          %add3A_567 = arith.constant 0 : i32
          %add3A_568 = arith.addi %multiple_of3A_566, %add3A_567 : i32
          %get3A_569 = arith.index_cast %add3A_568 : i32 to index
          %get3A_570 = tpu.vector_load %arg19[%get3A_569] {strides = array<i32>} : memref<768xi32, #tpu.memory_space<vmem>>, vector<16xi32>,
          %swap3A_571 = arith.constant 0 : index
          %swap3A_572 = tpu.vector_load %arg21[%swap3A_571] {strides = array<i32>} : memref<128xi32, #tpu.memory_space<vmem>>, vector<16xi32>,
          tpu.vector_store %arg21[%swap3A_571], %get3A_570 {strides = array<i32>} : memref<128xi32, #tpu.memory_space<vmem>>, vector<16xi32>,
          %add3A_573 = arith.constant 16 : i32
          %add3A_574 = arith.addi %multiple_of3A_566, %add3A_573 : i32
          %get3A_575 = arith.index_cast %add3A_574 : i32 to index
          %get3A_576 = tpu.vector_load %arg19[%get3A_575] {strides = array<i32>} : memref<768xi32, #tpu.memory_space<vmem>>, vector<16xi32>,
          %swap3A_577 = arith.constant 16 : index
          %swap3A_578 = tpu.vector_load %arg21[%swap3A_577] {strides = array<i32>} : memref<128xi32, #tpu.memory_space<vmem>>, vector<16xi32>,
          tpu.vector_store %arg21[%swap3A_577], %get3A_576 {strides = array<i32>} : memref<128xi32, #tpu.memory_space<vmem>>, vector<16xi32>,
          %add3A_579 = arith.constant 32 : i32
          %add3A_580 = arith.addi %multiple_of3A_566, %add3A_579 : i32
          %get3A_581 = arith.index_cast %add3A_580 : i32 to index
          %get3A_582 = tpu.vector_load %arg19[%get3A_581] {strides = array<i32>} : memref<768xi32, #tpu.memory_space<vmem>>, vector<16xi32>,
          %swap3A_583 = arith.constant 32 : index
          %swap3A_584 = tpu.vector_load %arg21[%swap3A_583] {strides = array<i32>} : memref<128xi32, #tpu.memory_space<vmem>>, vector<16xi32>,
          tpu.vector_store %arg21[%swap3A_583], %get3A_582 {strides = array<i32>} : memref<128xi32, #tpu.memory_space<vmem>>, vector<16xi32>,
          %add3A_585 = arith.constant 48 : i32
          %add3A_586 = arith.addi %multiple_of3A_566, %add3A_585 : i32
          %get3A_587 = arith.index_cast %add3A_586 : i32 to index
          %get3A_588 = tpu.vector_load %arg19[%get3A_587] {strides = array<i32>} : memref<768xi32, #tpu.memory_space<vmem>>, vector<16xi32>,
          %swap3A_589 = arith.constant 48 : index
          %swap3A_590 = tpu.vector_load %arg21[%swap3A_589] {strides = array<i32>} : memref<128xi32, #tpu.memory_space<vmem>>, vector<16xi32>,
          tpu.vector_store %arg21[%swap3A_589], %get3A_588 {strides = array<i32>} : memref<128xi32, #tpu.memory_space<vmem>>, vector<16xi32>,
          %add3A_591 = arith.constant 64 : i32
          %add3A_592 = arith.addi %multiple_of3A_566, %add3A_591 : i32
          %get3A_593 = arith.index_cast %add3A_592 : i32 to index
          %get3A_594 = tpu.vector_load %arg19[%get3A_593] {strides = array<i32>} : memref<768xi32, #tpu.memory_space<vmem>>, vector<16xi32>,
          %swap3A_595 = arith.constant 64 : index
          %swap3A_596 = tpu.vector_load %arg21[%swap3A_595] {strides = array<i32>} : memref<128xi32, #tpu.memory_space<vmem>>, vector<16xi32>,
          tpu.vector_store %arg21[%swap3A_595], %get3A_594 {strides = array<i32>} : memref<128xi32, #tpu.memory_space<vmem>>, vector<16xi32>,
          %add3A_597 = arith.constant 80 : i32
          %add3A_598 = arith.addi %multiple_of3A_566, %add3A_597 : i32
          %get3A_599 = arith.index_cast %add3A_598 : i32 to index
          %get3A_600 = tpu.vector_load %arg19[%get3A_599] {strides = array<i32>} : memref<768xi32, #tpu.memory_space<vmem>>, vector<16xi32>,
          %swap3A_601 = arith.constant 80 : index
          %swap3A_602 = tpu.vector_load %arg21[%swap3A_601] {strides = array<i32>} : memref<128xi32, #tpu.memory_space<vmem>>, vector<16xi32>,
          tpu.vector_store %arg21[%swap3A_601], %get3A_600 {strides = array<i32>} : memref<128xi32, #tpu.memory_space<vmem>>, vector<16xi32>,
          %add3A_603 = arith.constant 96 : i32
          %add3A_604 = arith.addi %multiple_of3A_566, %add3A_603 : i32
          %get3A_605 = arith.index_cast %add3A_604 : i32 to index
          %get3A_606 = tpu.vector_load %arg19[%get3A_605] {strides = array<i32>} : memref<768xi32, #tpu.memory_space<vmem>>, vector<16xi32>,
          %swap3A_607 = arith.constant 96 : index
          %swap3A_608 = tpu.vector_load %arg21[%swap3A_607] {strides = array<i32>} : memref<128xi32, #tpu.memory_space<vmem>>, vector<16xi32>,
          tpu.vector_store %arg21[%swap3A_607], %get3A_606 {strides = array<i32>} : memref<128xi32, #tpu.memory_space<vmem>>, vector<16xi32>,
          %add3A_609 = arith.constant 112 : i32
          %add3A_610 = arith.addi %multiple_of3A_566, %add3A_609 : i32
          %get3A_611 = arith.index_cast %add3A_610 : i32 to index
          %get3A_612 = tpu.vector_load %arg19[%get3A_611] {strides = array<i32>} : memref<768xi32, #tpu.memory_space<vmem>>, vector<16xi32>,
          %swap3A_613 = arith.constant 112 : index
          %swap3A_614 = tpu.vector_load %arg21[%swap3A_613] {strides = array<i32>} : memref<128xi32, #tpu.memory_space<vmem>>, vector<16xi32>,
          tpu.vector_store %arg21[%swap3A_613], %get3A_612 {strides = array<i32>} : memref<128xi32, #tpu.memory_space<vmem>>, vector<16xi32>,
          %dma_start3A_615 = arith.constant 0 : i32
          %dma_start3A_616 = arith.constant 0 : i32
          %dma_start3A_617 = tpu.memref_slice %arg2[%dma_start3A_615, %dma_start3A_616] : memref<10000x256xf32, #tpu.memory_space<hbm>> -> memref<10000x256xf32, #tpu.memory_space<hbm>>
          tpu.enqueue_indirect_dma source(%dma_start3A_617 : memref<10000x256xf32, #tpu.memory_space<hbm>>) target(%arg22 : memref<128x256xf32, #tpu.memory_space<vmem>>) offsets(%arg21 : memref<128xi32, #tpu.memory_space<vmem>>) semaphore(%arg34 : memref<!tpu.dma_semaphore, #tpu.memory_space<semaphore_mem>>)
          %dma_wait3A_618 = arith.constant 0 : i32
          %dma_wait3A_619 = arith.constant 0 : i32
          %dma_wait3A_620 = tpu.memref_slice %arg2[%dma_wait3A_618, %dma_wait3A_619] : memref<10000x256xf32, #tpu.memory_space<hbm>> -> memref<10000x256xf32, #tpu.memory_space<hbm>>
          tpu.wait_indirect_dma semaphore(%arg34 : memref<!tpu.dma_semaphore, #tpu.memory_space<semaphore_mem>>) src(%dma_wait3A_620 : memref<10000x256xf32, #tpu.memory_space<hbm>>) dst(%arg22 : memref<128x256xf32, #tpu.memory_space<vmem>>)
          %scan3A_621 = arith.constant 0 : i32
          %scan3A_622 = arith.constant 0 : i32
          %scan3A_623 = arith.constant 128 : i32
          %scan3A_624 = arith.addi %scan3A_622, %scan3A_623 : i32
          %scan3A_625 = arith.constant 4 : i32
          %scan3A_626 = scf.for %scan3A_629 = %scan3A_622 to %scan3A_624 step %scan3A_625 iter_args(%scan3A_630 = %scan3A_621) -> (i32)  : i32 {
            %broadcast_in_dim3A_631 = arith.constant 0 : i32
            %broadcast_in_dim3A_632 = vector.broadcast %broadcast_in_dim3A_631 : i32 to vector<16xi32>
            %add3A_633 = arith.addi %multiple_of3A_566, %scan3A_629 : i32
            %add3A_634 = vector.broadcast %add3A_633 : i32 to vector<16xi32>
            %add3A_635 = arith.addi %broadcast_in_dim3A_632, %add3A_634 : vector<16xi32>
            %gather3A = tpu.vector_load_idx %arg20[%add3A_635] : memref<768xi32, #tpu.memory_space<vmem>>[vector<16xi32>], vector<16xi32>,
            %parallel_loop3A_636 = arith.constant 0 : i32
            %parallel_loop3A_637 = arith.constant 16 : i32
            %parallel_loop3A_638 = arith.constant 1 : i32
            scf.for %parallel_loop3A_688 = %parallel_loop3A_636 to %parallel_loop3A_637 step %parallel_loop3A_638  : i32 {
              %parallel_loop3A_689 = arith.constant 16 : i32
              %parallel_loop3A_690 = arith.muli %parallel_loop3A_688, %parallel_loop3A_689 : i32
              %parallel_loop3A_691 = vector.broadcast %parallel_loop3A_690 : i32 to vector<16xi32>
              %parallel_loop3A_692 = arith.addi %iota3A, %parallel_loop3A_691 : vector<16xi32>
              %parallel_loop3A_693 = arith.constant 16 : i32
              %parallel_loop3A_694 = arith.muli %parallel_loop3A_688, %parallel_loop3A_693 : i32
              %parallel_loop3A_695 = arith.index_cast %scan3A_629 : i32 to index
              %parallel_loop3A_696 = arith.index_cast %parallel_loop3A_694 : i32 to index
              %parallel_loop3A_697 = tpu.vector_load %arg22[%parallel_loop3A_695, %parallel_loop3A_696] {strides = array<i32>} : memref<128x256xf32, #tpu.memory_space<vmem>>, vector<16xf32>,
              tpu.vector_store_idx %arg25[%gather3A, %parallel_loop3A_692], %parallel_loop3A_697 {add = true} : memref<40x384xf32, #tpu.memory_space<vmem>>[vector<16xi32>, vector<16xi32>], vector<16xf32>,
            } {sc.loop_unroll_factor = 16 : i64, sc.parallel_access}
            %add3A_639 = arith.constant 256 : i32
            %add3A_640 = vector.broadcast %add3A_639 : i32 to vector<16xi32>
            %add3A_641 = arith.addi %iota3A, %add3A_640 : vector<16xi32>
            tpu.vector_store_idx %arg25[%gather3A, %add3A_641], %broadcast_in_dim3A_132 {add = true} : memref<40x384xf32, #tpu.memory_space<vmem>>[vector<16xi32>, vector<16xi32>], vector<16xf32>,
            %scan3A_642 = arith.constant 0 : i32
            %scan3A_643 = arith.constant 1 : i32
            %scan3A_644 = arith.addi %scan3A_629, %scan3A_643 : i32
            %broadcast_in_dim3A_645 = arith.constant 0 : i32
            %broadcast_in_dim3A_646 = vector.broadcast %broadcast_in_dim3A_645 : i32 to vector<16xi32>
            %add3A_647 = arith.addi %multiple_of3A_566, %scan3A_644 : i32
            %add3A_648 = vector.broadcast %add3A_647 : i32 to vector<16xi32>
            %add3A_649 = arith.addi %broadcast_in_dim3A_646, %add3A_648 : vector<16xi32>
            %gather3A_650 = tpu.vector_load_idx %arg20[%add3A_649] : memref<768xi32, #tpu.memory_space<vmem>>[vector<16xi32>], vector<16xi32>,
            %parallel_loop3A_651 = arith.constant 0 : i32
            %parallel_loop3A_652 = arith.constant 16 : i32
            %parallel_loop3A_653 = arith.constant 1 : i32
            scf.for %parallel_loop3A_688 = %parallel_loop3A_651 to %parallel_loop3A_652 step %parallel_loop3A_653  : i32 {
              %parallel_loop3A_689 = arith.constant 16 : i32
              %parallel_loop3A_690 = arith.muli %parallel_loop3A_688, %parallel_loop3A_689 : i32
              %parallel_loop3A_691 = vector.broadcast %parallel_loop3A_690 : i32 to vector<16xi32>
              %parallel_loop3A_692 = arith.addi %iota3A, %parallel_loop3A_691 : vector<16xi32>
              %parallel_loop3A_693 = arith.constant 16 : i32
              %parallel_loop3A_694 = arith.muli %parallel_loop3A_688, %parallel_loop3A_693 : i32
              %parallel_loop3A_695 = arith.index_cast %scan3A_644 : i32 to index
              %parallel_loop3A_696 = arith.index_cast %parallel_loop3A_694 : i32 to index
              %parallel_loop3A_697 = tpu.vector_load %arg22[%parallel_loop3A_695, %parallel_loop3A_696] {strides = array<i32>} : memref<128x256xf32, #tpu.memory_space<vmem>>, vector<16xf32>,
              tpu.vector_store_idx %arg25[%gather3A_650, %parallel_loop3A_692], %parallel_loop3A_697 {add = true} : memref<40x384xf32, #tpu.memory_space<vmem>>[vector<16xi32>, vector<16xi32>], vector<16xf32>,
            } {sc.loop_unroll_factor = 16 : i64, sc.parallel_access}
            %add3A_654 = arith.constant 256 : i32
            %add3A_655 = vector.broadcast %add3A_654 : i32 to vector<16xi32>
            %add3A_656 = arith.addi %iota3A, %add3A_655 : vector<16xi32>
            tpu.vector_store_idx %arg25[%gather3A_650, %add3A_656], %broadcast_in_dim3A_132 {add = true} : memref<40x384xf32, #tpu.memory_space<vmem>>[vector<16xi32>, vector<16xi32>], vector<16xf32>,
            %scan3A_657 = arith.constant 0 : i32
            %scan3A_658 = arith.constant 2 : i32
            %scan3A_659 = arith.addi %scan3A_629, %scan3A_658 : i32
            %broadcast_in_dim3A_660 = arith.constant 0 : i32
            %broadcast_in_dim3A_661 = vector.broadcast %broadcast_in_dim3A_660 : i32 to vector<16xi32>
            %add3A_662 = arith.addi %multiple_of3A_566, %scan3A_659 : i32
            %add3A_663 = vector.broadcast %add3A_662 : i32 to vector<16xi32>
            %add3A_664 = arith.addi %broadcast_in_dim3A_661, %add3A_663 : vector<16xi32>
            %gather3A_665 = tpu.vector_load_idx %arg20[%add3A_664] : memref<768xi32, #tpu.memory_space<vmem>>[vector<16xi32>], vector<16xi32>,
            %parallel_loop3A_666 = arith.constant 0 : i32
            %parallel_loop3A_667 = arith.constant 16 : i32
            %parallel_loop3A_668 = arith.constant 1 : i32
            scf.for %parallel_loop3A_688 = %parallel_loop3A_666 to %parallel_loop3A_667 step %parallel_loop3A_668  : i32 {
              %parallel_loop3A_689 = arith.constant 16 : i32
              %parallel_loop3A_690 = arith.muli %parallel_loop3A_688, %parallel_loop3A_689 : i32
              %parallel_loop3A_691 = vector.broadcast %parallel_loop3A_690 : i32 to vector<16xi32>
              %parallel_loop3A_692 = arith.addi %iota3A, %parallel_loop3A_691 : vector<16xi32>
              %parallel_loop3A_693 = arith.constant 16 : i32
              %parallel_loop3A_694 = arith.muli %parallel_loop3A_688, %parallel_loop3A_693 : i32
              %parallel_loop3A_695 = arith.index_cast %scan3A_659 : i32 to index
              %parallel_loop3A_696 = arith.index_cast %parallel_loop3A_694 : i32 to index
              %parallel_loop3A_697 = tpu.vector_load %arg22[%parallel_loop3A_695, %parallel_loop3A_696] {strides = array<i32>} : memref<128x256xf32, #tpu.memory_space<vmem>>, vector<16xf32>,
              tpu.vector_store_idx %arg25[%gather3A_665, %parallel_loop3A_692], %parallel_loop3A_697 {add = true} : memref<40x384xf32, #tpu.memory_space<vmem>>[vector<16xi32>, vector<16xi32>], vector<16xf32>,
            } {sc.loop_unroll_factor = 16 : i64, sc.parallel_access}
            %add3A_669 = arith.constant 256 : i32
            %add3A_670 = vector.broadcast %add3A_669 : i32 to vector<16xi32>
            %add3A_671 = arith.addi %iota3A, %add3A_670 : vector<16xi32>
            tpu.vector_store_idx %arg25[%gather3A_665, %add3A_671], %broadcast_in_dim3A_132 {add = true} : memref<40x384xf32, #tpu.memory_space<vmem>>[vector<16xi32>, vector<16xi32>], vector<16xf32>,
            %scan3A_672 = arith.constant 0 : i32
            %scan3A_673 = arith.constant 3 : i32
            %scan3A_674 = arith.addi %scan3A_629, %scan3A_673 : i32
            %broadcast_in_dim3A_675 = arith.constant 0 : i32
            %broadcast_in_dim3A_676 = vector.broadcast %broadcast_in_dim3A_675 : i32 to vector<16xi32>
            %add3A_677 = arith.addi %multiple_of3A_566, %scan3A_674 : i32
            %add3A_678 = vector.broadcast %add3A_677 : i32 to vector<16xi32>
            %add3A_679 = arith.addi %broadcast_in_dim3A_676, %add3A_678 : vector<16xi32>
            %gather3A_680 = tpu.vector_load_idx %arg20[%add3A_679] : memref<768xi32, #tpu.memory_space<vmem>>[vector<16xi32>], vector<16xi32>,
            %parallel_loop3A_681 = arith.constant 0 : i32
            %parallel_loop3A_682 = arith.constant 16 : i32
            %parallel_loop3A_683 = arith.constant 1 : i32
            scf.for %parallel_loop3A_688 = %parallel_loop3A_681 to %parallel_loop3A_682 step %parallel_loop3A_683  : i32 {
              %parallel_loop3A_689 = arith.constant 16 : i32
              %parallel_loop3A_690 = arith.muli %parallel_loop3A_688, %parallel_loop3A_689 : i32
              %parallel_loop3A_691 = vector.broadcast %parallel_loop3A_690 : i32 to vector<16xi32>
              %parallel_loop3A_692 = arith.addi %iota3A, %parallel_loop3A_691 : vector<16xi32>
              %parallel_loop3A_693 = arith.constant 16 : i32
              %parallel_loop3A_694 = arith.muli %parallel_loop3A_688, %parallel_loop3A_693 : i32
              %parallel_loop3A_695 = arith.index_cast %scan3A_674 : i32 to index
              %parallel_loop3A_696 = arith.index_cast %parallel_loop3A_694 : i32 to index
              %parallel_loop3A_697 = tpu.vector_load %arg22[%parallel_loop3A_695, %parallel_loop3A_696] {strides = array<i32>} : memref<128x256xf32, #tpu.memory_space<vmem>>, vector<16xf32>,
              tpu.vector_store_idx %arg25[%gather3A_680, %parallel_loop3A_692], %parallel_loop3A_697 {add = true} : memref<40x384xf32, #tpu.memory_space<vmem>>[vector<16xi32>, vector<16xi32>], vector<16xf32>,
            } {sc.loop_unroll_factor = 16 : i64, sc.parallel_access}
            %add3A_684 = arith.constant 256 : i32
            %add3A_685 = vector.broadcast %add3A_684 : i32 to vector<16xi32>
            %add3A_686 = arith.addi %iota3A, %add3A_685 : vector<16xi32>
            tpu.vector_store_idx %arg25[%gather3A_680, %add3A_686], %broadcast_in_dim3A_132 {add = true} : memref<40x384xf32, #tpu.memory_space<vmem>>[vector<16xi32>, vector<16xi32>], vector<16xf32>,
            %scan3A_687 = arith.constant 0 : i32
            scf.yield %scan3A_687 : i32
          }
          %scan3A_627 = arith.constant 128 : i32
          %while3A_628 = arith.constant 0 : i32
          scf.yield %while3A_628 : i32
        }
        %mul3A_460 = arith.constant 128 : i32
        %mul3A_461 = arith.muli %select_n3A_447, %mul3A_460 : i32
        %sub3A_462 = arith.subi %while3A_423, %mul3A_461 : i32
        %mul3A_463 = arith.constant 128 : i32
        %mul3A_464 = arith.muli %select_n3A_447, %mul3A_463 : i32
        %multiple_of3A_465 = tpu.assume_multiple %mul3A_464, 128 : i32
        %add3A_466 = arith.constant 0 : i32
        %add3A_467 = arith.addi %multiple_of3A_465, %add3A_466 : i32
        %get3A_468 = arith.index_cast %add3A_467 : i32 to index
        %get3A_469 = tpu.vector_load %arg19[%get3A_468] {strides = array<i32>} : memref<768xi32, #tpu.memory_space<vmem>>, vector<16xi32>,
        %swap3A_470 = arith.constant 0 : index
        %swap3A_471 = tpu.vector_load %arg19[%swap3A_470] {strides = array<i32>} : memref<768xi32, #tpu.memory_space<vmem>>, vector<16xi32>,
        tpu.vector_store %arg19[%swap3A_470], %get3A_469 {strides = array<i32>} : memref<768xi32, #tpu.memory_space<vmem>>, vector<16xi32>,
        %add3A_472 = arith.constant 0 : i32
        %add3A_473 = arith.addi %multiple_of3A_465, %add3A_472 : i32
        %get3A_474 = arith.index_cast %add3A_473 : i32 to index
        %get3A_475 = tpu.vector_load %arg20[%get3A_474] {strides = array<i32>} : memref<768xi32, #tpu.memory_space<vmem>>, vector<16xi32>,
        %swap3A_476 = arith.constant 0 : index
        %swap3A_477 = tpu.vector_load %arg20[%swap3A_476] {strides = array<i32>} : memref<768xi32, #tpu.memory_space<vmem>>, vector<16xi32>,
        tpu.vector_store %arg20[%swap3A_476], %get3A_475 {strides = array<i32>} : memref<768xi32, #tpu.memory_space<vmem>>, vector<16xi32>,
        %add3A_478 = arith.constant 16 : i32
        %add3A_479 = arith.addi %multiple_of3A_465, %add3A_478 : i32
        %get3A_480 = arith.index_cast %add3A_479 : i32 to index
        %get3A_481 = tpu.vector_load %arg19[%get3A_480] {strides = array<i32>} : memref<768xi32, #tpu.memory_space<vmem>>, vector<16xi32>,
        %swap3A_482 = arith.constant 16 : index
        %swap3A_483 = tpu.vector_load %arg19[%swap3A_482] {strides = array<i32>} : memref<768xi32, #tpu.memory_space<vmem>>, vector<16xi32>,
        tpu.vector_store %arg19[%swap3A_482], %get3A_481 {strides = array<i32>} : memref<768xi32, #tpu.memory_space<vmem>>, vector<16xi32>,
        %add3A_484 = arith.constant 16 : i32
        %add3A_485 = arith.addi %multiple_of3A_465, %add3A_484 : i32
        %get3A_486 = arith.index_cast %add3A_485 : i32 to index
        %get3A_487 = tpu.vector_load %arg20[%get3A_486] {strides = array<i32>} : memref<768xi32, #tpu.memory_space<vmem>>, vector<16xi32>,
        %swap3A_488 = arith.constant 16 : index
        %swap3A_489 = tpu.vector_load %arg20[%swap3A_488] {strides = array<i32>} : memref<768xi32, #tpu.memory_space<vmem>>, vector<16xi32>,
        tpu.vector_store %arg20[%swap3A_488], %get3A_487 {strides = array<i32>} : memref<768xi32, #tpu.memory_space<vmem>>, vector<16xi32>,
        %add3A_490 = arith.constant 32 : i32
        %add3A_491 = arith.addi %multiple_of3A_465, %add3A_490 : i32
        %get3A_492 = arith.index_cast %add3A_491 : i32 to index
        %get3A_493 = tpu.vector_load %arg19[%get3A_492] {strides = array<i32>} : memref<768xi32, #tpu.memory_space<vmem>>, vector<16xi32>,
        %swap3A_494 = arith.constant 32 : index
        %swap3A_495 = tpu.vector_load %arg19[%swap3A_494] {strides = array<i32>} : memref<768xi32, #tpu.memory_space<vmem>>, vector<16xi32>,
        tpu.vector_store %arg19[%swap3A_494], %get3A_493 {strides = array<i32>} : memref<768xi32, #tpu.memory_space<vmem>>, vector<16xi32>,
        %add3A_496 = arith.constant 32 : i32
        %add3A_497 = arith.addi %multiple_of3A_465, %add3A_496 : i32
        %get3A_498 = arith.index_cast %add3A_497 : i32 to index
        %get3A_499 = tpu.vector_load %arg20[%get3A_498] {strides = array<i32>} : memref<768xi32, #tpu.memory_space<vmem>>, vector<16xi32>,
        %swap3A_500 = arith.constant 32 : index
        %swap3A_501 = tpu.vector_load %arg20[%swap3A_500] {strides = array<i32>} : memref<768xi32, #tpu.memory_space<vmem>>, vector<16xi32>,
        tpu.vector_store %arg20[%swap3A_500], %get3A_499 {strides = array<i32>} : memref<768xi32, #tpu.memory_space<vmem>>, vector<16xi32>,
        %add3A_502 = arith.constant 48 : i32
        %add3A_503 = arith.addi %multiple_of3A_465, %add3A_502 : i32
        %get3A_504 = arith.index_cast %add3A_503 : i32 to index
        %get3A_505 = tpu.vector_load %arg19[%get3A_504] {strides = array<i32>} : memref<768xi32, #tpu.memory_space<vmem>>, vector<16xi32>,
        %swap3A_506 = arith.constant 48 : index
        %swap3A_507 = tpu.vector_load %arg19[%swap3A_506] {strides = array<i32>} : memref<768xi32, #tpu.memory_space<vmem>>, vector<16xi32>,
        tpu.vector_store %arg19[%swap3A_506], %get3A_505 {strides = array<i32>} : memref<768xi32, #tpu.memory_space<vmem>>, vector<16xi32>,
        %add3A_508 = arith.constant 48 : i32
        %add3A_509 = arith.addi %multiple_of3A_465, %add3A_508 : i32
        %get3A_510 = arith.index_cast %add3A_509 : i32 to index
        %get3A_511 = tpu.vector_load %arg20[%get3A_510] {strides = array<i32>} : memref<768xi32, #tpu.memory_space<vmem>>, vector<16xi32>,
        %swap3A_512 = arith.constant 48 : index
        %swap3A_513 = tpu.vector_load %arg20[%swap3A_512] {strides = array<i32>} : memref<768xi32, #tpu.memory_space<vmem>>, vector<16xi32>,
        tpu.vector_store %arg20[%swap3A_512], %get3A_511 {strides = array<i32>} : memref<768xi32, #tpu.memory_space<vmem>>, vector<16xi32>,
        %add3A_514 = arith.constant 64 : i32
        %add3A_515 = arith.addi %multiple_of3A_465, %add3A_514 : i32
        %get3A_516 = arith.index_cast %add3A_515 : i32 to index
        %get3A_517 = tpu.vector_load %arg19[%get3A_516] {strides = array<i32>} : memref<768xi32, #tpu.memory_space<vmem>>, vector<16xi32>,
        %swap3A_518 = arith.constant 64 : index
        %swap3A_519 = tpu.vector_load %arg19[%swap3A_518] {strides = array<i32>} : memref<768xi32, #tpu.memory_space<vmem>>, vector<16xi32>,
        tpu.vector_store %arg19[%swap3A_518], %get3A_517 {strides = array<i32>} : memref<768xi32, #tpu.memory_space<vmem>>, vector<16xi32>,
        %add3A_520 = arith.constant 64 : i32
        %add3A_521 = arith.addi %multiple_of3A_465, %add3A_520 : i32
        %get3A_522 = arith.index_cast %add3A_521 : i32 to index
        %get3A_523 = tpu.vector_load %arg20[%get3A_522] {strides = array<i32>} : memref<768xi32, #tpu.memory_space<vmem>>, vector<16xi32>,
        %swap3A_524 = arith.constant 64 : index
        %swap3A_525 = tpu.vector_load %arg20[%swap3A_524] {strides = array<i32>} : memref<768xi32, #tpu.memory_space<vmem>>, vector<16xi32>,
        tpu.vector_store %arg20[%swap3A_524], %get3A_523 {strides = array<i32>} : memref<768xi32, #tpu.memory_space<vmem>>, vector<16xi32>,
        %add3A_526 = arith.constant 80 : i32
        %add3A_527 = arith.addi %multiple_of3A_465, %add3A_526 : i32
        %get3A_528 = arith.index_cast %add3A_527 : i32 to index
        %get3A_529 = tpu.vector_load %arg19[%get3A_528] {strides = array<i32>} : memref<768xi32, #tpu.memory_space<vmem>>, vector<16xi32>,
        %swap3A_530 = arith.constant 80 : index
        %swap3A_531 = tpu.vector_load %arg19[%swap3A_530] {strides = array<i32>} : memref<768xi32, #tpu.memory_space<vmem>>, vector<16xi32>,
        tpu.vector_store %arg19[%swap3A_530], %get3A_529 {strides = array<i32>} : memref<768xi32, #tpu.memory_space<vmem>>, vector<16xi32>,
        %add3A_532 = arith.constant 80 : i32
        %add3A_533 = arith.addi %multiple_of3A_465, %add3A_532 : i32
        %get3A_534 = arith.index_cast %add3A_533 : i32 to index
        %get3A_535 = tpu.vector_load %arg20[%get3A_534] {strides = array<i32>} : memref<768xi32, #tpu.memory_space<vmem>>, vector<16xi32>,
        %swap3A_536 = arith.constant 80 : index
        %swap3A_537 = tpu.vector_load %arg20[%swap3A_536] {strides = array<i32>} : memref<768xi32, #tpu.memory_space<vmem>>, vector<16xi32>,
        tpu.vector_store %arg20[%swap3A_536], %get3A_535 {strides = array<i32>} : memref<768xi32, #tpu.memory_space<vmem>>, vector<16xi32>,
        %add3A_538 = arith.constant 96 : i32
        %add3A_539 = arith.addi %multiple_of3A_465, %add3A_538 : i32
        %get3A_540 = arith.index_cast %add3A_539 : i32 to index
        %get3A_541 = tpu.vector_load %arg19[%get3A_540] {strides = array<i32>} : memref<768xi32, #tpu.memory_space<vmem>>, vector<16xi32>,
        %swap3A_542 = arith.constant 96 : index
        %swap3A_543 = tpu.vector_load %arg19[%swap3A_542] {strides = array<i32>} : memref<768xi32, #tpu.memory_space<vmem>>, vector<16xi32>,
        tpu.vector_store %arg19[%swap3A_542], %get3A_541 {strides = array<i32>} : memref<768xi32, #tpu.memory_space<vmem>>, vector<16xi32>,
        %add3A_544 = arith.constant 96 : i32
        %add3A_545 = arith.addi %multiple_of3A_465, %add3A_544 : i32
        %get3A_546 = arith.index_cast %add3A_545 : i32 to index
        %get3A_547 = tpu.vector_load %arg20[%get3A_546] {strides = array<i32>} : memref<768xi32, #tpu.memory_space<vmem>>, vector<16xi32>,
        %swap3A_548 = arith.constant 96 : index
        %swap3A_549 = tpu.vector_load %arg20[%swap3A_548] {strides = array<i32>} : memref<768xi32, #tpu.memory_space<vmem>>, vector<16xi32>,
        tpu.vector_store %arg20[%swap3A_548], %get3A_547 {strides = array<i32>} : memref<768xi32, #tpu.memory_space<vmem>>, vector<16xi32>,
        %add3A_550 = arith.constant 112 : i32
        %add3A_551 = arith.addi %multiple_of3A_465, %add3A_550 : i32
        %get3A_552 = arith.index_cast %add3A_551 : i32 to index
        %get3A_553 = tpu.vector_load %arg19[%get3A_552] {strides = array<i32>} : memref<768xi32, #tpu.memory_space<vmem>>, vector<16xi32>,
        %swap3A_554 = arith.constant 112 : index
        %swap3A_555 = tpu.vector_load %arg19[%swap3A_554] {strides = array<i32>} : memref<768xi32, #tpu.memory_space<vmem>>, vector<16xi32>,
        tpu.vector_store %arg19[%swap3A_554], %get3A_553 {strides = array<i32>} : memref<768xi32, #tpu.memory_space<vmem>>, vector<16xi32>,
        %add3A_556 = arith.constant 112 : i32
        %add3A_557 = arith.addi %multiple_of3A_465, %add3A_556 : i32
        %get3A_558 = arith.index_cast %add3A_557 : i32 to index
        %get3A_559 = tpu.vector_load %arg20[%get3A_558] {strides = array<i32>} : memref<768xi32, #tpu.memory_space<vmem>>, vector<16xi32>,
        %swap3A_560 = arith.constant 112 : index
        %swap3A_561 = tpu.vector_load %arg20[%swap3A_560] {strides = array<i32>} : memref<768xi32, #tpu.memory_space<vmem>>, vector<16xi32>,
        tpu.vector_store %arg20[%swap3A_560], %get3A_559 {strides = array<i32>} : memref<768xi32, #tpu.memory_space<vmem>>, vector<16xi32>,
        scf.yield %sub3A_462 : i32
      }
      scf.yield %while3A_375 : i32
    }
    %scan3A_154 = arith.constant 16 : i32
    %dma_wait3A_155 = arith.constant 0 : i32
    %dma_wait3A_156 = tpu.memref_slice %arg17[%dma_wait3A_155] : memref<1024xi32, #tpu.memory_space<vmem>> -> memref<512xi32, #tpu.memory_space<vmem>>
    %dma_wait3A_157 = arith.constant 0 : i32
    %dma_wait3A_158 = tpu.memref_slice %arg31[%dma_wait3A_157] : memref<81920xi32, #tpu.memory_space<vmem_shared>> -> memref<512xi32, #tpu.memory_space<vmem_shared>>
    %dma_wait3A_159 = arith.constant 0 : i32
    %dma_wait3A_160 = tpu.memref_slice %arg17[%dma_wait3A_159] : memref<1024xi32, #tpu.memory_space<vmem>> -> memref<512xi32, #tpu.memory_space<vmem>>
    %dma_wait3A_161 = arith.constant 0 : i32
    %dma_wait3A_162 = tpu.memref_slice %arg31[%dma_wait3A_161] : memref<81920xi32, #tpu.memory_space<vmem_shared>> -> memref<512xi32, #tpu.memory_space<vmem_shared>>
    tpu.wait_dma2 semaphore(%arg35 : memref<!tpu.dma_semaphore, #tpu.memory_space<semaphore_mem>>) src(%dma_wait3A_162 : memref<512xi32, #tpu.memory_space<vmem_shared>>) dst(%dma_wait3A_160 : memref<512xi32, #tpu.memory_space<vmem>>)
    %dma_wait3A_163 = arith.constant 0 : i32
    %dma_wait3A_164 = tpu.memref_slice %arg18[%dma_wait3A_163] : memref<1024xi32, #tpu.memory_space<vmem>> -> memref<512xi32, #tpu.memory_space<vmem>>
    %dma_wait3A_165 = arith.constant 0 : i32
    %dma_wait3A_166 = tpu.memref_slice %arg32[%dma_wait3A_165] : memref<81920xi32, #tpu.memory_space<vmem_shared>> -> memref<512xi32, #tpu.memory_space<vmem_shared>>
    %dma_wait3A_167 = arith.constant 0 : i32
    %dma_wait3A_168 = tpu.memref_slice %arg18[%dma_wait3A_167] : memref<1024xi32, #tpu.memory_space<vmem>> -> memref<512xi32, #tpu.memory_space<vmem>>
    %dma_wait3A_169 = arith.constant 0 : i32
    %dma_wait3A_170 = tpu.memref_slice %arg32[%dma_wait3A_169] : memref<81920xi32, #tpu.memory_space<vmem_shared>> -> memref<512xi32, #tpu.memory_space<vmem_shared>>
    tpu.wait_dma2 semaphore(%arg35 : memref<!tpu.dma_semaphore, #tpu.memory_space<semaphore_mem>>) src(%dma_wait3A_170 : memref<512xi32, #tpu.memory_space<vmem_shared>>) dst(%dma_wait3A_168 : memref<512xi32, #tpu.memory_space<vmem>>)
    %add3A_171 = arith.constant 16 : i32
    %add3A_172 = arith.addi %scan3A_153, %add3A_171 : i32
    %sub3A_173 = arith.constant 1 : i32
    %sub3A_174 = arith.subi %add3A_172, %sub3A_173 : i32
    %jit3A_175 = arith.constant 16 : i32
    %div3A_176 = arith.divsi %sub3A_174, %jit3A_175 : i32
    %sign3A_177 = arith.constant 0 : i32
    %sign3A_178 = arith.cmpi sgt, %sub3A_174, %sign3A_177 : i32
    %sign3A_179 = arith.extui %sign3A_178 : i1 to i32
    %sign3A_180 = arith.constant 0 : i32
    %sign3A_181 = arith.cmpi slt, %sub3A_174, %sign3A_180 : i32
    %sign3A_182 = arith.extui %sign3A_181 : i1 to i32
    %sign3A_183 = arith.subi %sign3A_179, %sign3A_182 : i32
    %sign3A_184 = arith.constant 0 : i32
    %sign3A_185 = arith.cmpi sgt, %jit3A_175, %sign3A_184 : i32
    %sign3A_186 = arith.extui %sign3A_185 : i1 to i32
    %sign3A_187 = arith.constant 0 : i32
    %sign3A_188 = arith.cmpi slt, %jit3A_175, %sign3A_187 : i32
    %sign3A_189 = arith.extui %sign3A_188 : i1 to i32
    %sign3A_190 = arith.subi %sign3A_186, %sign3A_189 : i32
    %ne3A_191 = arith.cmpi ne, %sign3A_183, %sign3A_190 : i32
    %rem3A_192 = arith.remsi %sub3A_174, %jit3A_175 : i32
    %ne3A_193 = arith.constant 0 : i32
    %ne3A_194 = arith.cmpi ne, %rem3A_192, %ne3A_193 : i32
    %and3A_195 = arith.andi %ne3A_191, %ne3A_194 : i1
    %sub3A_196 = arith.constant 1 : i32
    %sub3A_197 = arith.subi %div3A_176, %sub3A_196 : i32
    %select_n3A_198 = arith.select %and3A_195, %sub3A_197, %div3A_176 : i32
    %mul3A_199 = arith.constant 16 : i32
    %mul3A_200 = arith.muli %select_n3A_198, %mul3A_199 : i32
    %add3A_201 = vector.broadcast %scan3A_153 : i32 to vector<16xi32>
    %add3A_202 = arith.addi %add3A_201, %iota3A : vector<16xi32>
    %broadcast_in_dim3A_203 = arith.constant 32 : i32
    %broadcast_in_dim3A_204 = vector.broadcast %broadcast_in_dim3A_203 : i32 to vector<16xi32>
    %lt3A_205 = vector.broadcast %mul3A_200 : i32 to vector<16xi32>
    %lt3A_206 = arith.cmpi slt, %add3A_202, %lt3A_205 : vector<16xi32>
    tpu.vector_store_idx %arg20[%add3A_202], %broadcast_in_dim3A_204 masked %lt3A_206 : memref<768xi32, #tpu.memory_space<vmem>>[vector<16xi32>], vector<16xi32>, vector<16xi1>
    %broadcast_in_dim3A_207 = arith.constant 0 : i32
    %broadcast_in_dim3A_208 = vector.broadcast %broadcast_in_dim3A_207 : i32 to vector<16xi32>
    %lt3A_209 = vector.broadcast %mul3A_200 : i32 to vector<16xi32>
    %lt3A_210 = arith.cmpi slt, %add3A_202, %lt3A_209 : vector<16xi32>
    tpu.vector_store_idx %arg19[%add3A_202], %broadcast_in_dim3A_208 masked %lt3A_210 : memref<768xi32, #tpu.memory_space<vmem>>[vector<16xi32>], vector<16xi32>, vector<16xi1>
    %jit3A_211 = arith.constant 16 : i32
    %div3A_212 = arith.divsi %mul3A_200, %jit3A_211 : i32
    %sign3A_213 = arith.constant 0 : i32
    %sign3A_214 = arith.cmpi sgt, %mul3A_200, %sign3A_213 : i32
    %sign3A_215 = arith.extui %sign3A_214 : i1 to i32
    %sign3A_216 = arith.constant 0 : i32
    %sign3A_217 = arith.cmpi slt, %mul3A_200, %sign3A_216 : i32
    %sign3A_218 = arith.extui %sign3A_217 : i1 to i32
    %sign3A_219 = arith.subi %sign3A_215, %sign3A_218 : i32
    %sign3A_220 = arith.constant 0 : i32
    %sign3A_221 = arith.cmpi sgt, %jit3A_211, %sign3A_220 : i32
    %sign3A_222 = arith.extui %sign3A_221 : i1 to i32
    %sign3A_223 = arith.constant 0 : i32
    %sign3A_224 = arith.cmpi slt, %jit3A_211, %sign3A_223 : i32
    %sign3A_225 = arith.extui %sign3A_224 : i1 to i32
    %sign3A_226 = arith.subi %sign3A_222, %sign3A_225 : i32
    %ne3A_227 = arith.cmpi ne, %sign3A_219, %sign3A_226 : i32
    %rem3A_228 = arith.remsi %mul3A_200, %jit3A_211 : i32
    %ne3A_229 = arith.constant 0 : i32
    %ne3A_230 = arith.cmpi ne, %rem3A_228, %ne3A_229 : i32
    %and3A_231 = arith.andi %ne3A_227, %ne3A_230 : i1
    %sub3A_232 = arith.constant 1 : i32
    %sub3A_233 = arith.subi %div3A_212, %sub3A_232 : i32
    %select_n3A_234 = arith.select %and3A_231, %sub3A_233, %div3A_212 : i32
    %while3A_235 = arith.constant 0 : i32
    %while3A_236 = arith.constant 0 : i32
    %while3A_237 = arith.subi %select_n3A_234, %while3A_235 : i32
    %while3A_238 = arith.addi %while3A_235, %while3A_237 : i32
    %while3A_239 = arith.constant 1 : i32
    %while3A_240 = arith.divsi %while3A_237, %while3A_239 : i32
    %while3A_241 = arith.muli %while3A_240, %while3A_239 : i32
    %while3A_242 = arith.addi %while3A_235, %while3A_241 : i32
    %while3A_243 = arith.constant 1 : i32
    %while3A_244 = scf.for %while3A_289 = %while3A_235 to %while3A_242 step %while3A_243 iter_args(%while3A_290 = %while3A_236) -> (i32)  : i32 {
      %mul3A_291 = arith.constant 16 : i32
      %mul3A_292 = arith.muli %while3A_289, %mul3A_291 : i32
      %multiple_of3A_293 = tpu.assume_multiple %mul3A_292, 16 : i32
      %get3A_294 = arith.index_cast %multiple_of3A_293 : i32 to index
      %get3A_295 = tpu.vector_load %arg19[%get3A_294] {strides = array<i32>} : memref<768xi32, #tpu.memory_space<vmem>>, vector<16xi32>,
      %swap3A_296 = arith.constant 0 : index
      %swap3A_297 = tpu.vector_load %arg21[%swap3A_296] {strides = array<i32>} : memref<128xi32, #tpu.memory_space<vmem>>, vector<16xi32>,
      tpu.vector_store %arg21[%swap3A_296], %get3A_295 {strides = array<i32>} : memref<128xi32, #tpu.memory_space<vmem>>, vector<16xi32>,
      %dma_start3A_298 = arith.constant 0 : i32
      %dma_start3A_299 = arith.constant 0 : i32
      %dma_start3A_300 = tpu.memref_slice %arg22[%dma_start3A_298, %dma_start3A_299] : memref<128x256xf32, #tpu.memory_space<vmem>> -> memref<16x256xf32, #tpu.memory_space<vmem>>
      %dma_start3A_301 = arith.constant 0 : i32
      %dma_start3A_302 = tpu.memref_slice %arg21[%dma_start3A_301] : memref<128xi32, #tpu.memory_space<vmem>> -> memref<16xi32, #tpu.memory_space<vmem>>
      %dma_start3A_303 = arith.constant 0 : i32
      %dma_start3A_304 = arith.constant 0 : i32
      %dma_start3A_305 = tpu.memref_slice %arg2[%dma_start3A_303, %dma_start3A_304] : memref<10000x256xf32, #tpu.memory_space<hbm>> -> memref<10000x256xf32, #tpu.memory_space<hbm>>
      tpu.enqueue_indirect_dma source(%dma_start3A_305 : memref<10000x256xf32, #tpu.memory_space<hbm>>) target(%dma_start3A_300 : memref<16x256xf32, #tpu.memory_space<vmem>>) offsets(%dma_start3A_302 : memref<16xi32, #tpu.memory_space<vmem>>) semaphore(%arg34 : memref<!tpu.dma_semaphore, #tpu.memory_space<semaphore_mem>>)
      %dma_wait3A_306 = arith.constant 0 : i32
      %dma_wait3A_307 = arith.constant 0 : i32
      %dma_wait3A_308 = tpu.memref_slice %arg22[%dma_wait3A_306, %dma_wait3A_307] : memref<128x256xf32, #tpu.memory_space<vmem>> -> memref<16x256xf32, #tpu.memory_space<vmem>>
      %dma_wait3A_309 = arith.constant 0 : i32
      %dma_wait3A_310 = tpu.memref_slice %arg21[%dma_wait3A_309] : memref<128xi32, #tpu.memory_space<vmem>> -> memref<16xi32, #tpu.memory_space<vmem>>
      %dma_wait3A_311 = arith.constant 0 : i32
      %dma_wait3A_312 = arith.constant 0 : i32
      %dma_wait3A_313 = tpu.memref_slice %arg2[%dma_wait3A_311, %dma_wait3A_312] : memref<10000x256xf32, #tpu.memory_space<hbm>> -> memref<10000x256xf32, #tpu.memory_space<hbm>>
      tpu.wait_indirect_dma semaphore(%arg34 : memref<!tpu.dma_semaphore, #tpu.memory_space<semaphore_mem>>) src(%dma_wait3A_313 : memref<10000x256xf32, #tpu.memory_space<hbm>>) dst(%dma_wait3A_308 : memref<16x256xf32, #tpu.memory_space<vmem>>)
      %scan3A_314 = arith.constant 0 : i32
      %scan3A_315 = arith.constant 0 : i32
      %scan3A_316 = arith.constant 16 : i32
      %scan3A_317 = arith.addi %scan3A_315, %scan3A_316 : i32
      %scan3A_318 = arith.constant 4 : i32
      %scan3A_319 = scf.for %scan3A_322 = %scan3A_315 to %scan3A_317 step %scan3A_318 iter_args(%scan3A_323 = %scan3A_314) -> (i32)  : i32 {
        %broadcast_in_dim3A_324 = arith.constant 0 : i32
        %broadcast_in_dim3A_325 = vector.broadcast %broadcast_in_dim3A_324 : i32 to vector<16xi32>
        %add3A_326 = arith.addi %multiple_of3A_293, %scan3A_322 : i32
        %add3A_327 = vector.broadcast %add3A_326 : i32 to vector<16xi32>
        %add3A_328 = arith.addi %broadcast_in_dim3A_325, %add3A_327 : vector<16xi32>
        %gather3A = tpu.vector_load_idx %arg20[%add3A_328] : memref<768xi32, #tpu.memory_space<vmem>>[vector<16xi32>], vector<16xi32>,
        %parallel_loop3A_329 = arith.constant 0 : i32
        %parallel_loop3A_330 = arith.constant 16 : i32
        %parallel_loop3A_331 = arith.constant 1 : i32
        scf.for %parallel_loop3A_381 = %parallel_loop3A_329 to %parallel_loop3A_330 step %parallel_loop3A_331  : i32 {
          %parallel_loop3A_382 = arith.constant 16 : i32
          %parallel_loop3A_383 = arith.muli %parallel_loop3A_381, %parallel_loop3A_382 : i32
          %parallel_loop3A_384 = vector.broadcast %parallel_loop3A_383 : i32 to vector<16xi32>
          %parallel_loop3A_385 = arith.addi %iota3A, %parallel_loop3A_384 : vector<16xi32>
          %parallel_loop3A_386 = arith.constant 16 : i32
          %parallel_loop3A_387 = arith.muli %parallel_loop3A_381, %parallel_loop3A_386 : i32
          %parallel_loop3A_388 = arith.index_cast %scan3A_322 : i32 to index
          %parallel_loop3A_389 = arith.index_cast %parallel_loop3A_387 : i32 to index
          %parallel_loop3A_390 = tpu.vector_load %arg22[%parallel_loop3A_388, %parallel_loop3A_389] {strides = array<i32>} : memref<128x256xf32, #tpu.memory_space<vmem>>, vector<16xf32>,
          tpu.vector_store_idx %arg25[%gather3A, %parallel_loop3A_385], %parallel_loop3A_390 {add = true} : memref<40x384xf32, #tpu.memory_space<vmem>>[vector<16xi32>, vector<16xi32>], vector<16xf32>,
        } {sc.loop_unroll_factor = 16 : i64, sc.parallel_access}
        %add3A_332 = arith.constant 256 : i32
        %add3A_333 = vector.broadcast %add3A_332 : i32 to vector<16xi32>
        %add3A_334 = arith.addi %iota3A, %add3A_333 : vector<16xi32>
        tpu.vector_store_idx %arg25[%gather3A, %add3A_334], %broadcast_in_dim3A_132 {add = true} : memref<40x384xf32, #tpu.memory_space<vmem>>[vector<16xi32>, vector<16xi32>], vector<16xf32>,
        %scan3A_335 = arith.constant 0 : i32
        %scan3A_336 = arith.constant 1 : i32
        %scan3A_337 = arith.addi %scan3A_322, %scan3A_336 : i32
        %broadcast_in_dim3A_338 = arith.constant 0 : i32
        %broadcast_in_dim3A_339 = vector.broadcast %broadcast_in_dim3A_338 : i32 to vector<16xi32>
        %add3A_340 = arith.addi %multiple_of3A_293, %scan3A_337 : i32
        %add3A_341 = vector.broadcast %add3A_340 : i32 to vector<16xi32>
        %add3A_342 = arith.addi %broadcast_in_dim3A_339, %add3A_341 : vector<16xi32>
        %gather3A_343 = tpu.vector_load_idx %arg20[%add3A_342] : memref<768xi32, #tpu.memory_space<vmem>>[vector<16xi32>], vector<16xi32>,
        %parallel_loop3A_344 = arith.constant 0 : i32
        %parallel_loop3A_345 = arith.constant 16 : i32
        %parallel_loop3A_346 = arith.constant 1 : i32
        scf.for %parallel_loop3A_381 = %parallel_loop3A_344 to %parallel_loop3A_345 step %parallel_loop3A_346  : i32 {
          %parallel_loop3A_382 = arith.constant 16 : i32
          %parallel_loop3A_383 = arith.muli %parallel_loop3A_381, %parallel_loop3A_382 : i32
          %parallel_loop3A_384 = vector.broadcast %parallel_loop3A_383 : i32 to vector<16xi32>
          %parallel_loop3A_385 = arith.addi %iota3A, %parallel_loop3A_384 : vector<16xi32>
          %parallel_loop3A_386 = arith.constant 16 : i32
          %parallel_loop3A_387 = arith.muli %parallel_loop3A_381, %parallel_loop3A_386 : i32
          %parallel_loop3A_388 = arith.index_cast %scan3A_337 : i32 to index
          %parallel_loop3A_389 = arith.index_cast %parallel_loop3A_387 : i32 to index
          %parallel_loop3A_390 = tpu.vector_load %arg22[%parallel_loop3A_388, %parallel_loop3A_389] {strides = array<i32>} : memref<128x256xf32, #tpu.memory_space<vmem>>, vector<16xf32>,
          tpu.vector_store_idx %arg25[%gather3A_343, %parallel_loop3A_385], %parallel_loop3A_390 {add = true} : memref<40x384xf32, #tpu.memory_space<vmem>>[vector<16xi32>, vector<16xi32>], vector<16xf32>,
        } {sc.loop_unroll_factor = 16 : i64, sc.parallel_access}
        %add3A_347 = arith.constant 256 : i32
        %add3A_348 = vector.broadcast %add3A_347 : i32 to vector<16xi32>
        %add3A_349 = arith.addi %iota3A, %add3A_348 : vector<16xi32>
        tpu.vector_store_idx %arg25[%gather3A_343, %add3A_349], %broadcast_in_dim3A_132 {add = true} : memref<40x384xf32, #tpu.memory_space<vmem>>[vector<16xi32>, vector<16xi32>], vector<16xf32>,
        %scan3A_350 = arith.constant 0 : i32
        %scan3A_351 = arith.constant 2 : i32
        %scan3A_352 = arith.addi %scan3A_322, %scan3A_351 : i32
        %broadcast_in_dim3A_353 = arith.constant 0 : i32
        %broadcast_in_dim3A_354 = vector.broadcast %broadcast_in_dim3A_353 : i32 to vector<16xi32>
        %add3A_355 = arith.addi %multiple_of3A_293, %scan3A_352 : i32
        %add3A_356 = vector.broadcast %add3A_355 : i32 to vector<16xi32>
        %add3A_357 = arith.addi %broadcast_in_dim3A_354, %add3A_356 : vector<16xi32>
        %gather3A_358 = tpu.vector_load_idx %arg20[%add3A_357] : memref<768xi32, #tpu.memory_space<vmem>>[vector<16xi32>], vector<16xi32>,
        %parallel_loop3A_359 = arith.constant 0 : i32
        %parallel_loop3A_360 = arith.constant 16 : i32
        %parallel_loop3A_361 = arith.constant 1 : i32
        scf.for %parallel_loop3A_381 = %parallel_loop3A_359 to %parallel_loop3A_360 step %parallel_loop3A_361  : i32 {
          %parallel_loop3A_382 = arith.constant 16 : i32
          %parallel_loop3A_383 = arith.muli %parallel_loop3A_381, %parallel_loop3A_382 : i32
          %parallel_loop3A_384 = vector.broadcast %parallel_loop3A_383 : i32 to vector<16xi32>
          %parallel_loop3A_385 = arith.addi %iota3A, %parallel_loop3A_384 : vector<16xi32>
          %parallel_loop3A_386 = arith.constant 16 : i32
          %parallel_loop3A_387 = arith.muli %parallel_loop3A_381, %parallel_loop3A_386 : i32
          %parallel_loop3A_388 = arith.index_cast %scan3A_352 : i32 to index
          %parallel_loop3A_389 = arith.index_cast %parallel_loop3A_387 : i32 to index
          %parallel_loop3A_390 = tpu.vector_load %arg22[%parallel_loop3A_388, %parallel_loop3A_389] {strides = array<i32>} : memref<128x256xf32, #tpu.memory_space<vmem>>, vector<16xf32>,
          tpu.vector_store_idx %arg25[%gather3A_358, %parallel_loop3A_385], %parallel_loop3A_390 {add = true} : memref<40x384xf32, #tpu.memory_space<vmem>>[vector<16xi32>, vector<16xi32>], vector<16xf32>,
        } {sc.loop_unroll_factor = 16 : i64, sc.parallel_access}
        %add3A_362 = arith.constant 256 : i32
        %add3A_363 = vector.broadcast %add3A_362 : i32 to vector<16xi32>
        %add3A_364 = arith.addi %iota3A, %add3A_363 : vector<16xi32>
        tpu.vector_store_idx %arg25[%gather3A_358, %add3A_364], %broadcast_in_dim3A_132 {add = true} : memref<40x384xf32, #tpu.memory_space<vmem>>[vector<16xi32>, vector<16xi32>], vector<16xf32>,
        %scan3A_365 = arith.constant 0 : i32
        %scan3A_366 = arith.constant 3 : i32
        %scan3A_367 = arith.addi %scan3A_322, %scan3A_366 : i32
        %broadcast_in_dim3A_368 = arith.constant 0 : i32
        %broadcast_in_dim3A_369 = vector.broadcast %broadcast_in_dim3A_368 : i32 to vector<16xi32>
        %add3A_370 = arith.addi %multiple_of3A_293, %scan3A_367 : i32
        %add3A_371 = vector.broadcast %add3A_370 : i32 to vector<16xi32>
        %add3A_372 = arith.addi %broadcast_in_dim3A_369, %add3A_371 : vector<16xi32>
        %gather3A_373 = tpu.vector_load_idx %arg20[%add3A_372] : memref<768xi32, #tpu.memory_space<vmem>>[vector<16xi32>], vector<16xi32>,
        %parallel_loop3A_374 = arith.constant 0 : i32
        %parallel_loop3A_375 = arith.constant 16 : i32
        %parallel_loop3A_376 = arith.constant 1 : i32
        scf.for %parallel_loop3A_381 = %parallel_loop3A_374 to %parallel_loop3A_375 step %parallel_loop3A_376  : i32 {
          %parallel_loop3A_382 = arith.constant 16 : i32
          %parallel_loop3A_383 = arith.muli %parallel_loop3A_381, %parallel_loop3A_382 : i32
          %parallel_loop3A_384 = vector.broadcast %parallel_loop3A_383 : i32 to vector<16xi32>
          %parallel_loop3A_385 = arith.addi %iota3A, %parallel_loop3A_384 : vector<16xi32>
          %parallel_loop3A_386 = arith.constant 16 : i32
          %parallel_loop3A_387 = arith.muli %parallel_loop3A_381, %parallel_loop3A_386 : i32
          %parallel_loop3A_388 = arith.index_cast %scan3A_367 : i32 to index
          %parallel_loop3A_389 = arith.index_cast %parallel_loop3A_387 : i32 to index
          %parallel_loop3A_390 = tpu.vector_load %arg22[%parallel_loop3A_388, %parallel_loop3A_389] {strides = array<i32>} : memref<128x256xf32, #tpu.memory_space<vmem>>, vector<16xf32>,
          tpu.vector_store_idx %arg25[%gather3A_373, %parallel_loop3A_385], %parallel_loop3A_390 {add = true} : memref<40x384xf32, #tpu.memory_space<vmem>>[vector<16xi32>, vector<16xi32>], vector<16xf32>,
        } {sc.loop_unroll_factor = 16 : i64, sc.parallel_access}
        %add3A_377 = arith.constant 256 : i32
        %add3A_378 = vector.broadcast %add3A_377 : i32 to vector<16xi32>
        %add3A_379 = arith.addi %iota3A, %add3A_378 : vector<16xi32>
        tpu.vector_store_idx %arg25[%gather3A_373, %add3A_379], %broadcast_in_dim3A_132 {add = true} : memref<40x384xf32, #tpu.memory_space<vmem>>[vector<16xi32>, vector<16xi32>], vector<16xf32>,
        %scan3A_380 = arith.constant 0 : i32
        scf.yield %scan3A_380 : i32
      }
      %scan3A_320 = arith.constant 16 : i32
      %while3A_321 = arith.constant 0 : i32
      scf.yield %while3A_321 : i32
    }
    %while3A_245 = arith.constant 1 : i32
    %while3A_246 = scf.for %while3A_289 = %while3A_242 to %while3A_238 step %while3A_245 iter_args(%while3A_290 = %while3A_244) -> (i32)  : i32 {
      %mul3A_291 = arith.constant 16 : i32
      %mul3A_292 = arith.muli %while3A_289, %mul3A_291 : i32
      %multiple_of3A_293 = tpu.assume_multiple %mul3A_292, 16 : i32
      %get3A_294 = arith.index_cast %multiple_of3A_293 : i32 to index
      %get3A_295 = tpu.vector_load %arg19[%get3A_294] {strides = array<i32>} : memref<768xi32, #tpu.memory_space<vmem>>, vector<16xi32>,
      %swap3A_296 = arith.constant 0 : index
      %swap3A_297 = tpu.vector_load %arg21[%swap3A_296] {strides = array<i32>} : memref<128xi32, #tpu.memory_space<vmem>>, vector<16xi32>,
      tpu.vector_store %arg21[%swap3A_296], %get3A_295 {strides = array<i32>} : memref<128xi32, #tpu.memory_space<vmem>>, vector<16xi32>,
      %dma_start3A_298 = arith.constant 0 : i32
      %dma_start3A_299 = arith.constant 0 : i32
      %dma_start3A_300 = tpu.memref_slice %arg22[%dma_start3A_298, %dma_start3A_299] : memref<128x256xf32, #tpu.memory_space<vmem>> -> memref<16x256xf32, #tpu.memory_space<vmem>>
      %dma_start3A_301 = arith.constant 0 : i32
      %dma_start3A_302 = tpu.memref_slice %arg21[%dma_start3A_301] : memref<128xi32, #tpu.memory_space<vmem>> -> memref<16xi32, #tpu.memory_space<vmem>>
      %dma_start3A_303 = arith.constant 0 : i32
      %dma_start3A_304 = arith.constant 0 : i32
      %dma_start3A_305 = tpu.memref_slice %arg2[%dma_start3A_303, %dma_start3A_304] : memref<10000x256xf32, #tpu.memory_space<hbm>> -> memref<10000x256xf32, #tpu.memory_space<hbm>>
      tpu.enqueue_indirect_dma source(%dma_start3A_305 : memref<10000x256xf32, #tpu.memory_space<hbm>>) target(%dma_start3A_300 : memref<16x256xf32, #tpu.memory_space<vmem>>) offsets(%dma_start3A_302 : memref<16xi32, #tpu.memory_space<vmem>>) semaphore(%arg34 : memref<!tpu.dma_semaphore, #tpu.memory_space<semaphore_mem>>)
      %dma_wait3A_306 = arith.constant 0 : i32
      %dma_wait3A_307 = arith.constant 0 : i32
      %dma_wait3A_308 = tpu.memref_slice %arg22[%dma_wait3A_306, %dma_wait3A_307] : memref<128x256xf32, #tpu.memory_space<vmem>> -> memref<16x256xf32, #tpu.memory_space<vmem>>
      %dma_wait3A_309 = arith.constant 0 : i32
      %dma_wait3A_310 = tpu.memref_slice %arg21[%dma_wait3A_309] : memref<128xi32, #tpu.memory_space<vmem>> -> memref<16xi32, #tpu.memory_space<vmem>>
      %dma_wait3A_311 = arith.constant 0 : i32
      %dma_wait3A_312 = arith.constant 0 : i32
      %dma_wait3A_313 = tpu.memref_slice %arg2[%dma_wait3A_311, %dma_wait3A_312] : memref<10000x256xf32, #tpu.memory_space<hbm>> -> memref<10000x256xf32, #tpu.memory_space<hbm>>
      tpu.wait_indirect_dma semaphore(%arg34 : memref<!tpu.dma_semaphore, #tpu.memory_space<semaphore_mem>>) src(%dma_wait3A_313 : memref<10000x256xf32, #tpu.memory_space<hbm>>) dst(%dma_wait3A_308 : memref<16x256xf32, #tpu.memory_space<vmem>>)
      %scan3A_314 = arith.constant 0 : i32
      %scan3A_315 = arith.constant 0 : i32
      %scan3A_316 = arith.constant 16 : i32
      %scan3A_317 = arith.addi %scan3A_315, %scan3A_316 : i32
      %scan3A_318 = arith.constant 4 : i32
      %scan3A_319 = scf.for %scan3A_322 = %scan3A_315 to %scan3A_317 step %scan3A_318 iter_args(%scan3A_323 = %scan3A_314) -> (i32)  : i32 {
        %broadcast_in_dim3A_324 = arith.constant 0 : i32
        %broadcast_in_dim3A_325 = vector.broadcast %broadcast_in_dim3A_324 : i32 to vector<16xi32>
        %add3A_326 = arith.addi %multiple_of3A_293, %scan3A_322 : i32
        %add3A_327 = vector.broadcast %add3A_326 : i32 to vector<16xi32>
        %add3A_328 = arith.addi %broadcast_in_dim3A_325, %add3A_327 : vector<16xi32>
        %gather3A = tpu.vector_load_idx %arg20[%add3A_328] : memref<768xi32, #tpu.memory_space<vmem>>[vector<16xi32>], vector<16xi32>,
        %parallel_loop3A_329 = arith.constant 0 : i32
        %parallel_loop3A_330 = arith.constant 16 : i32
        %parallel_loop3A_331 = arith.constant 1 : i32
        scf.for %parallel_loop3A_381 = %parallel_loop3A_329 to %parallel_loop3A_330 step %parallel_loop3A_331  : i32 {
          %parallel_loop3A_382 = arith.constant 16 : i32
          %parallel_loop3A_383 = arith.muli %parallel_loop3A_381, %parallel_loop3A_382 : i32
          %parallel_loop3A_384 = vector.broadcast %parallel_loop3A_383 : i32 to vector<16xi32>
          %parallel_loop3A_385 = arith.addi %iota3A, %parallel_loop3A_384 : vector<16xi32>
          %parallel_loop3A_386 = arith.constant 16 : i32
          %parallel_loop3A_387 = arith.muli %parallel_loop3A_381, %parallel_loop3A_386 : i32
          %parallel_loop3A_388 = arith.index_cast %scan3A_322 : i32 to index
          %parallel_loop3A_389 = arith.index_cast %parallel_loop3A_387 : i32 to index
          %parallel_loop3A_390 = tpu.vector_load %arg22[%parallel_loop3A_388, %parallel_loop3A_389] {strides = array<i32>} : memref<128x256xf32, #tpu.memory_space<vmem>>, vector<16xf32>,
          tpu.vector_store_idx %arg25[%gather3A, %parallel_loop3A_385], %parallel_loop3A_390 {add = true} : memref<40x384xf32, #tpu.memory_space<vmem>>[vector<16xi32>, vector<16xi32>], vector<16xf32>,
        } {sc.loop_unroll_factor = 16 : i64, sc.parallel_access}
        %add3A_332 = arith.constant 256 : i32
        %add3A_333 = vector.broadcast %add3A_332 : i32 to vector<16xi32>
        %add3A_334 = arith.addi %iota3A, %add3A_333 : vector<16xi32>
        tpu.vector_store_idx %arg25[%gather3A, %add3A_334], %broadcast_in_dim3A_132 {add = true} : memref<40x384xf32, #tpu.memory_space<vmem>>[vector<16xi32>, vector<16xi32>], vector<16xf32>,
        %scan3A_335 = arith.constant 0 : i32
        %scan3A_336 = arith.constant 1 : i32
        %scan3A_337 = arith.addi %scan3A_322, %scan3A_336 : i32
        %broadcast_in_dim3A_338 = arith.constant 0 : i32
        %broadcast_in_dim3A_339 = vector.broadcast %broadcast_in_dim3A_338 : i32 to vector<16xi32>
        %add3A_340 = arith.addi %multiple_of3A_293, %scan3A_337 : i32
        %add3A_341 = vector.broadcast %add3A_340 : i32 to vector<16xi32>
        %add3A_342 = arith.addi %broadcast_in_dim3A_339, %add3A_341 : vector<16xi32>
        %gather3A_343 = tpu.vector_load_idx %arg20[%add3A_342] : memref<768xi32, #tpu.memory_space<vmem>>[vector<16xi32>], vector<16xi32>,
        %parallel_loop3A_344 = arith.constant 0 : i32
        %parallel_loop3A_345 = arith.constant 16 : i32
        %parallel_loop3A_346 = arith.constant 1 : i32
        scf.for %parallel_loop3A_381 = %parallel_loop3A_344 to %parallel_loop3A_345 step %parallel_loop3A_346  : i32 {
          %parallel_loop3A_382 = arith.constant 16 : i32
          %parallel_loop3A_383 = arith.muli %parallel_loop3A_381, %parallel_loop3A_382 : i32
          %parallel_loop3A_384 = vector.broadcast %parallel_loop3A_383 : i32 to vector<16xi32>
          %parallel_loop3A_385 = arith.addi %iota3A, %parallel_loop3A_384 : vector<16xi32>
          %parallel_loop3A_386 = arith.constant 16 : i32
          %parallel_loop3A_387 = arith.muli %parallel_loop3A_381, %parallel_loop3A_386 : i32
          %parallel_loop3A_388 = arith.index_cast %scan3A_337 : i32 to index
          %parallel_loop3A_389 = arith.index_cast %parallel_loop3A_387 : i32 to index
          %parallel_loop3A_390 = tpu.vector_load %arg22[%parallel_loop3A_388, %parallel_loop3A_389] {strides = array<i32>} : memref<128x256xf32, #tpu.memory_space<vmem>>, vector<16xf32>,
          tpu.vector_store_idx %arg25[%gather3A_343, %parallel_loop3A_385], %parallel_loop3A_390 {add = true} : memref<40x384xf32, #tpu.memory_space<vmem>>[vector<16xi32>, vector<16xi32>], vector<16xf32>,
        } {sc.loop_unroll_factor = 16 : i64, sc.parallel_access}
        %add3A_347 = arith.constant 256 : i32
        %add3A_348 = vector.broadcast %add3A_347 : i32 to vector<16xi32>
        %add3A_349 = arith.addi %iota3A, %add3A_348 : vector<16xi32>
        tpu.vector_store_idx %arg25[%gather3A_343, %add3A_349], %broadcast_in_dim3A_132 {add = true} : memref<40x384xf32, #tpu.memory_space<vmem>>[vector<16xi32>, vector<16xi32>], vector<16xf32>,
        %scan3A_350 = arith.constant 0 : i32
        %scan3A_351 = arith.constant 2 : i32
        %scan3A_352 = arith.addi %scan3A_322, %scan3A_351 : i32
        %broadcast_in_dim3A_353 = arith.constant 0 : i32
        %broadcast_in_dim3A_354 = vector.broadcast %broadcast_in_dim3A_353 : i32 to vector<16xi32>
        %add3A_355 = arith.addi %multiple_of3A_293, %scan3A_352 : i32
        %add3A_356 = vector.broadcast %add3A_355 : i32 to vector<16xi32>
        %add3A_357 = arith.addi %broadcast_in_dim3A_354, %add3A_356 : vector<16xi32>
        %gather3A_358 = tpu.vector_load_idx %arg20[%add3A_357] : memref<768xi32, #tpu.memory_space<vmem>>[vector<16xi32>], vector<16xi32>,
        %parallel_loop3A_359 = arith.constant 0 : i32
        %parallel_loop3A_360 = arith.constant 16 : i32
        %parallel_loop3A_361 = arith.constant 1 : i32
        scf.for %parallel_loop3A_381 = %parallel_loop3A_359 to %parallel_loop3A_360 step %parallel_loop3A_361  : i32 {
          %parallel_loop3A_382 = arith.constant 16 : i32
          %parallel_loop3A_383 = arith.muli %parallel_loop3A_381, %parallel_loop3A_382 : i32
          %parallel_loop3A_384 = vector.broadcast %parallel_loop3A_383 : i32 to vector<16xi32>
          %parallel_loop3A_385 = arith.addi %iota3A, %parallel_loop3A_384 : vector<16xi32>
          %parallel_loop3A_386 = arith.constant 16 : i32
          %parallel_loop3A_387 = arith.muli %parallel_loop3A_381, %parallel_loop3A_386 : i32
          %parallel_loop3A_388 = arith.index_cast %scan3A_352 : i32 to index
          %parallel_loop3A_389 = arith.index_cast %parallel_loop3A_387 : i32 to index
          %parallel_loop3A_390 = tpu.vector_load %arg22[%parallel_loop3A_388, %parallel_loop3A_389] {strides = array<i32>} : memref<128x256xf32, #tpu.memory_space<vmem>>, vector<16xf32>,
          tpu.vector_store_idx %arg25[%gather3A_358, %parallel_loop3A_385], %parallel_loop3A_390 {add = true} : memref<40x384xf32, #tpu.memory_space<vmem>>[vector<16xi32>, vector<16xi32>], vector<16xf32>,
        } {sc.loop_unroll_factor = 16 : i64, sc.parallel_access}
        %add3A_362 = arith.constant 256 : i32
        %add3A_363 = vector.broadcast %add3A_362 : i32 to vector<16xi32>
        %add3A_364 = arith.addi %iota3A, %add3A_363 : vector<16xi32>
        tpu.vector_store_idx %arg25[%gather3A_358, %add3A_364], %broadcast_in_dim3A_132 {add = true} : memref<40x384xf32, #tpu.memory_space<vmem>>[vector<16xi32>, vector<16xi32>], vector<16xf32>,
        %scan3A_365 = arith.constant 0 : i32
        %scan3A_366 = arith.constant 3 : i32
        %scan3A_367 = arith.addi %scan3A_322, %scan3A_366 : i32
        %broadcast_in_dim3A_368 = arith.constant 0 : i32
        %broadcast_in_dim3A_369 = vector.broadcast %broadcast_in_dim3A_368 : i32 to vector<16xi32>
        %add3A_370 = arith.addi %multiple_of3A_293, %scan3A_367 : i32
        %add3A_371 = vector.broadcast %add3A_370 : i32 to vector<16xi32>
        %add3A_372 = arith.addi %broadcast_in_dim3A_369, %add3A_371 : vector<16xi32>
        %gather3A_373 = tpu.vector_load_idx %arg20[%add3A_372] : memref<768xi32, #tpu.memory_space<vmem>>[vector<16xi32>], vector<16xi32>,
        %parallel_loop3A_374 = arith.constant 0 : i32
        %parallel_loop3A_375 = arith.constant 16 : i32
        %parallel_loop3A_376 = arith.constant 1 : i32
        scf.for %parallel_loop3A_381 = %parallel_loop3A_374 to %parallel_loop3A_375 step %parallel_loop3A_376  : i32 {
          %parallel_loop3A_382 = arith.constant 16 : i32
          %parallel_loop3A_383 = arith.muli %parallel_loop3A_381, %parallel_loop3A_382 : i32
          %parallel_loop3A_384 = vector.broadcast %parallel_loop3A_383 : i32 to vector<16xi32>
          %parallel_loop3A_385 = arith.addi %iota3A, %parallel_loop3A_384 : vector<16xi32>
          %parallel_loop3A_386 = arith.constant 16 : i32
          %parallel_loop3A_387 = arith.muli %parallel_loop3A_381, %parallel_loop3A_386 : i32
          %parallel_loop3A_388 = arith.index_cast %scan3A_367 : i32 to index
          %parallel_loop3A_389 = arith.index_cast %parallel_loop3A_387 : i32 to index
          %parallel_loop3A_390 = tpu.vector_load %arg22[%parallel_loop3A_388, %parallel_loop3A_389] {strides = array<i32>} : memref<128x256xf32, #tpu.memory_space<vmem>>, vector<16xf32>,
          tpu.vector_store_idx %arg25[%gather3A_373, %parallel_loop3A_385], %parallel_loop3A_390 {add = true} : memref<40x384xf32, #tpu.memory_space<vmem>>[vector<16xi32>, vector<16xi32>], vector<16xf32>,
        } {sc.loop_unroll_factor = 16 : i64, sc.parallel_access}
        %add3A_377 = arith.constant 256 : i32
        %add3A_378 = vector.broadcast %add3A_377 : i32 to vector<16xi32>
        %add3A_379 = arith.addi %iota3A, %add3A_378 : vector<16xi32>
        tpu.vector_store_idx %arg25[%gather3A_373, %add3A_379], %broadcast_in_dim3A_132 {add = true} : memref<40x384xf32, #tpu.memory_space<vmem>>[vector<16xi32>, vector<16xi32>], vector<16xf32>,
        %scan3A_380 = arith.constant 0 : i32
        scf.yield %scan3A_380 : i32
      }
      %scan3A_320 = arith.constant 16 : i32
      %while3A_321 = arith.constant 0 : i32
      scf.yield %while3A_321 : i32
    }
    %mul3A_247 = arith.constant 512 : i32
    %mul3A_248 = arith.muli %arg0, %mul3A_247 : i32
    %mul3A_249 = arith.constant 32 : i32
    %mul3A_250 = arith.muli %arg1, %mul3A_249 : i32
    %add3A_251 = arith.addi %mul3A_248, %mul3A_250 : i32
    "tpu.region"() ({
      %run_scoped3A = tpu.sem_alloc : memref<!tpu.dma_semaphore, #tpu.memory_space<semaphore_mem>>
      %dma_start3A_289 = arith.constant 0 : i32
      %dma_start3A_290 = arith.constant 0 : i32
      %dma_start3A_291 = tpu.memref_slice %arg25[%dma_start3A_289, %dma_start3A_290] : memref<40x384xf32, #tpu.memory_space<vmem>> -> memref<32x384xf32, #tpu.memory_space<vmem>>
      %dma_start3A_292 = arith.constant 0 : i32
      %dma_start3A_293 = tpu.memref_slice %arg8[%add3A_251, %dma_start3A_292] : memref<1024x384xf32, #tpu.memory_space<hbm>> -> memref<32x384xf32, #tpu.memory_space<hbm>>
      %dma_start3A_294 = arith.constant 0 : i32
      %dma_start3A_295 = tpu.memref_slice %arg8[%add3A_251, %dma_start3A_294] : memref<1024x384xf32, #tpu.memory_space<hbm>> -> memref<32x384xf32, #tpu.memory_space<hbm>>
      %dma_start3A_296 = arith.constant 0 : i32
      %dma_start3A_297 = arith.constant 0 : i32
      %dma_start3A_298 = tpu.memref_slice %arg25[%dma_start3A_296, %dma_start3A_297] : memref<40x384xf32, #tpu.memory_space<vmem>> -> memref<32x384xf32, #tpu.memory_space<vmem>>
      tpu.enqueue_dma source(%dma_start3A_298 : memref<32x384xf32, #tpu.memory_space<vmem>>) target(%dma_start3A_295 : memref<32x384xf32, #tpu.memory_space<hbm>>) target_semaphore(%run_scoped3A : memref<!tpu.dma_semaphore, #tpu.memory_space<semaphore_mem>>)
      %dma_wait3A_299 = arith.constant 0 : i32
      %dma_wait3A_300 = arith.constant 0 : i32
      %dma_wait3A_301 = tpu.memref_slice %arg25[%dma_wait3A_299, %dma_wait3A_300] : memref<40x384xf32, #tpu.memory_space<vmem>> -> memref<32x384xf32, #tpu.memory_space<vmem>>
      %dma_wait3A_302 = arith.constant 0 : i32
      %dma_wait3A_303 = tpu.memref_slice %arg8[%add3A_251, %dma_wait3A_302] : memref<1024x384xf32, #tpu.memory_space<hbm>> -> memref<32x384xf32, #tpu.memory_space<hbm>>
      %dma_wait3A_304 = arith.constant 0 : i32
      %dma_wait3A_305 = tpu.memref_slice %arg8[%add3A_251, %dma_wait3A_304] : memref<1024x384xf32, #tpu.memory_space<hbm>> -> memref<32x384xf32, #tpu.memory_space<hbm>>
      %dma_wait3A_306 = arith.constant 0 : i32
      %dma_wait3A_307 = arith.constant 0 : i32
      %dma_wait3A_308 = tpu.memref_slice %arg25[%dma_wait3A_306, %dma_wait3A_307] : memref<40x384xf32, #tpu.memory_space<vmem>> -> memref<32x384xf32, #tpu.memory_space<vmem>>
      tpu.wait_dma2 semaphore(%run_scoped3A : memref<!tpu.dma_semaphore, #tpu.memory_space<semaphore_mem>>) src(%dma_wait3A_308 : memref<32x384xf32, #tpu.memory_space<vmem>>) dst(%dma_wait3A_305 : memref<32x384xf32, #tpu.memory_space<hbm>>)
      tpu.yield
    }) : () -> ()
    %barrier3A_252 = arith.constant 0 : index
    tpu.barrier barrier_id(%barrier3A_252)
    %sub3A_253 = arith.constant 1 : i32
    %sub3A_254 = arith.subi %sub3A_253, %arg0 : i32
    %semaphore_signal3A = arith.constant 1 : i32
    tpu.sem_signal %arg36, %semaphore_signal3A core_id %sub3A_254 : memref<!tpu.semaphore, #tpu.memory_space<semaphore_mem>>
    %semaphore_wait3A = arith.constant 1 : i32
    %semaphore_wait3A_255 = arith.constant true
    tpu.sem_wait %arg36, %semaphore_wait3A : memref<!tpu.semaphore, #tpu.memory_space<semaphore_mem>>
    %mul3A_256 = arith.constant 2 : i32
    %mul3A_257 = arith.muli %arg1, %mul3A_256 : i32
    %add3A_258 = arith.addi %mul3A_257, %arg0 : i32
    %mul3A_259 = arith.constant 16 : i32
    %mul3A_260 = arith.muli %add3A_258, %mul3A_259 : i32
    "tpu.region"() ({
      %run_scoped3A = tpu.sem_alloc : memref<!tpu.dma_semaphore, #tpu.memory_space<semaphore_mem>>
      %dma_start3A_289 = tpu.memref_slice %arg7[%mul3A_260] : memref<512xi32, #tpu.memory_space<hbm>> -> memref<16xi32, #tpu.memory_space<hbm>>
      %dma_start3A_290 = tpu.memref_slice %arg7[%mul3A_260] : memref<512xi32, #tpu.memory_space<hbm>> -> memref<16xi32, #tpu.memory_space<hbm>>
      tpu.enqueue_dma source(%dma_start3A_290 : memref<16xi32, #tpu.memory_space<hbm>>) target(%arg26 : memref<16xi32, #tpu.memory_space<vmem>>) target_semaphore(%run_scoped3A : memref<!tpu.dma_semaphore, #tpu.memory_space<semaphore_mem>>)
      %dma_wait3A_291 = tpu.memref_slice %arg7[%mul3A_260] : memref<512xi32, #tpu.memory_space<hbm>> -> memref<16xi32, #tpu.memory_space<hbm>>
      %dma_wait3A_292 = tpu.memref_slice %arg7[%mul3A_260] : memref<512xi32, #tpu.memory_space<hbm>> -> memref<16xi32, #tpu.memory_space<hbm>>
      tpu.wait_dma2 semaphore(%run_scoped3A : memref<!tpu.dma_semaphore, #tpu.memory_space<semaphore_mem>>) src(%dma_wait3A_292 : memref<16xi32, #tpu.memory_space<hbm>>) dst(%arg26 : memref<16xi32, #tpu.memory_space<vmem>>)
      tpu.yield
    }) : () -> ()
    %get3A_261 = arith.constant 0 : index
    %get3A_262 = tpu.vector_load %arg26[%get3A_261] {strides = array<i32>} : memref<16xi32, #tpu.memory_space<vmem>>, vector<16xi32>,
    %add3A_263 = arith.constant 512 : i32
    %add3A_264 = vector.broadcast %add3A_263 : i32 to vector<16xi32>
    %add3A_265 = arith.addi %get3A_262, %add3A_264 : vector<16xi32>
    %swap3A_266 = arith.constant 0 : index
    %swap3A_267 = tpu.vector_load %arg27[%swap3A_266] {strides = array<i32>} : memref<16xi32, #tpu.memory_space<vmem>>, vector<16xi32>,
    tpu.vector_store %arg27[%swap3A_266], %add3A_265 {strides = array<i32>} : memref<16xi32, #tpu.memory_space<vmem>>, vector<16xi32>,
    %dma_start3A_268 = arith.constant 0 : i32
    %dma_start3A_269 = arith.constant 0 : i32
    %dma_start3A_270 = tpu.memref_slice %arg8[%dma_start3A_268, %dma_start3A_269] : memref<1024x384xf32, #tpu.memory_space<hbm>> -> memref<1024x384xf32, #tpu.memory_space<hbm>>
    tpu.enqueue_indirect_dma source(%dma_start3A_270 : memref<1024x384xf32, #tpu.memory_space<hbm>>) target(%arg28 : memref<16x384xf32, #tpu.memory_space<vmem>>) offsets(%arg26 : memref<16xi32, #tpu.memory_space<vmem>>) semaphore(%arg34 : memref<!tpu.dma_semaphore, #tpu.memory_space<semaphore_mem>>)
    %dma_start3A_271 = arith.constant 0 : i32
    %dma_start3A_272 = arith.constant 0 : i32
    %dma_start3A_273 = tpu.memref_slice %arg8[%dma_start3A_271, %dma_start3A_272] : memref<1024x384xf32, #tpu.memory_space<hbm>> -> memref<1024x384xf32, #tpu.memory_space<hbm>>
    tpu.enqueue_indirect_dma source(%dma_start3A_273 : memref<1024x384xf32, #tpu.memory_space<hbm>>) target(%arg29 : memref<16x384xf32, #tpu.memory_space<vmem>>) offsets(%arg27 : memref<16xi32, #tpu.memory_space<vmem>>) semaphore(%arg34 : memref<!tpu.dma_semaphore, #tpu.memory_space<semaphore_mem>>)
    %dma_wait3A_274 = arith.constant 0 : i32
    %dma_wait3A_275 = arith.constant 0 : i32
    %dma_wait3A_276 = tpu.memref_slice %arg8[%dma_wait3A_274, %dma_wait3A_275] : memref<1024x384xf32, #tpu.memory_space<hbm>> -> memref<1024x384xf32, #tpu.memory_space<hbm>>
    tpu.wait_indirect_dma semaphore(%arg34 : memref<!tpu.dma_semaphore, #tpu.memory_space<semaphore_mem>>) src(%dma_wait3A_276 : memref<1024x384xf32, #tpu.memory_space<hbm>>) dst(%arg28 : memref<16x384xf32, #tpu.memory_space<vmem>>)
    %dma_wait3A_277 = arith.constant 0 : i32
    %dma_wait3A_278 = arith.constant 0 : i32
    %dma_wait3A_279 = tpu.memref_slice %arg8[%dma_wait3A_277, %dma_wait3A_278] : memref<1024x384xf32, #tpu.memory_space<hbm>> -> memref<1024x384xf32, #tpu.memory_space<hbm>>
    tpu.wait_indirect_dma semaphore(%arg34 : memref<!tpu.dma_semaphore, #tpu.memory_space<semaphore_mem>>) src(%dma_wait3A_279 : memref<1024x384xf32, #tpu.memory_space<hbm>>) dst(%arg29 : memref<16x384xf32, #tpu.memory_space<vmem>>)
    %broadcast_in_dim3A_280 = arith.constant 1.000000e+00 : f32
    %broadcast_in_dim3A_281 = vector.broadcast %broadcast_in_dim3A_280 : f32 to vector<16xf32>
    %scan3A_282 = arith.constant 0 : i32
    %scan3A_283 = arith.constant 0 : i32
    %scan3A_284 = arith.constant 16 : i32
    %scan3A_285 = arith.addi %scan3A_283, %scan3A_284 : i32
    %scan3A_286 = arith.constant 1 : i32
    %scan3A_287 = scf.for %scan3A_289 = %scan3A_283 to %scan3A_285 step %scan3A_286 iter_args(%scan3A_290 = %scan3A_282) -> (i32)  : i32 {
      %get3A_291 = arith.index_cast %scan3A_289 : i32 to index
      %get3A_292 = arith.constant 256 : index
      %get3A_293 = tpu.vector_load %arg28[%get3A_291, %get3A_292] {strides = array<i32>} : memref<16x384xf32, #tpu.memory_space<vmem>>, vector<16xf32>,
      %get3A_294 = arith.index_cast %scan3A_289 : i32 to index
      %get3A_295 = arith.constant 256 : index
      %get3A_296 = tpu.vector_load %arg29[%get3A_294, %get3A_295] {strides = array<i32>} : memref<16x384xf32, #tpu.memory_space<vmem>>, vector<16xf32>,
      %add3A_297 = arith.addf %get3A_293, %get3A_296 : vector<16xf32>
      %max3A = arith.maximumf %add3A_297, %broadcast_in_dim3A_281 : vector<16xf32>
      %div3A_298 = arith.divf %broadcast_in_dim3A_281, %max3A : vector<16xf32>
      %scan3A_299 = arith.constant 0 : i32
      %scan3A_300 = arith.constant 0 : i32
      %scan3A_301 = arith.constant 16 : i32
      %scan3A_302 = arith.addi %scan3A_300, %scan3A_301 : i32
      %scan3A_303 = arith.constant 1 : i32
      %scan3A_304 = scf.for %scan3A_307 = %scan3A_300 to %scan3A_302 step %scan3A_303 iter_args(%scan3A_308 = %scan3A_299) -> (i32)  : i32 {
        %mul3A_309 = arith.constant 16 : i32
        %mul3A_310 = arith.muli %scan3A_307, %mul3A_309 : i32
        %multiple_of3A_311 = tpu.assume_multiple %mul3A_310, 16 : i32
        %get3A_312 = arith.index_cast %scan3A_289 : i32 to index
        %get3A_313 = arith.index_cast %multiple_of3A_311 : i32 to index
        %get3A_314 = tpu.vector_load %arg28[%get3A_312, %get3A_313] {strides = array<i32>} : memref<16x384xf32, #tpu.memory_space<vmem>>, vector<16xf32>,
        %get3A_315 = arith.index_cast %scan3A_289 : i32 to index
        %get3A_316 = arith.index_cast %multiple_of3A_311 : i32 to index
        %get3A_317 = tpu.vector_load %arg29[%get3A_315, %get3A_316] {strides = array<i32>} : memref<16x384xf32, #tpu.memory_space<vmem>>, vector<16xf32>,
        %add3A_318 = arith.addf %get3A_314, %get3A_317 : vector<16xf32>
        %mul3A_319 = arith.mulf %add3A_318, %div3A_298 : vector<16xf32>
        %swap3A_320 = arith.index_cast %scan3A_289 : i32 to index
        %swap3A_321 = arith.index_cast %multiple_of3A_311 : i32 to index
        %swap3A_322 = tpu.vector_load %arg30[%swap3A_320, %swap3A_321] {strides = array<i32>} : memref<16x256xf32, #tpu.memory_space<vmem>>, vector<16xf32>,
        tpu.vector_store %arg30[%swap3A_320, %swap3A_321], %mul3A_319 {strides = array<i32>} : memref<16x256xf32, #tpu.memory_space<vmem>>, vector<16xf32>,
        %scan3A_323 = arith.constant 0 : i32
        scf.yield %scan3A_323 : i32
      }
      %scan3A_305 = arith.constant 16 : i32
      %scan3A_306 = arith.constant 0 : i32
      scf.yield %scan3A_306 : i32
    }
    %scan3A_288 = arith.constant 16 : i32
    "tpu.region"() ({
      %run_scoped3A = tpu.sem_alloc : memref<!tpu.dma_semaphore, #tpu.memory_space<semaphore_mem>>
      %dma_start3A_289 = arith.constant 0 : i32
      %dma_start3A_290 = tpu.memref_slice %arg9[%mul3A_260, %dma_start3A_289] : memref<512x256xf32, #tpu.memory_space<hbm>> -> memref<16x256xf32, #tpu.memory_space<hbm>>
      %dma_start3A_291 = arith.constant 0 : i32
      %dma_start3A_292 = tpu.memref_slice %arg9[%mul3A_260, %dma_start3A_291] : memref<512x256xf32, #tpu.memory_space<hbm>> -> memref<16x256xf32, #tpu.memory_space<hbm>>
      tpu.enqueue_dma source(%arg30 : memref<16x256xf32, #tpu.memory_space<vmem>>) target(%dma_start3A_292 : memref<16x256xf32, #tpu.memory_space<hbm>>) target_semaphore(%run_scoped3A : memref<!tpu.dma_semaphore, #tpu.memory_space<semaphore_mem>>)
      %dma_wait3A_293 = arith.constant 0 : i32
      %dma_wait3A_294 = tpu.memref_slice %arg9[%mul3A_260, %dma_wait3A_293] : memref<512x256xf32, #tpu.memory_space<hbm>> -> memref<16x256xf32, #tpu.memory_space<hbm>>
      %dma_wait3A_295 = arith.constant 0 : i32
      %dma_wait3A_296 = tpu.memref_slice %arg9[%mul3A_260, %dma_wait3A_295] : memref<512x256xf32, #tpu.memory_space<hbm>> -> memref<16x256xf32, #tpu.memory_space<hbm>>
      tpu.wait_dma2 semaphore(%run_scoped3A : memref<!tpu.dma_semaphore, #tpu.memory_space<semaphore_mem>>) src(%arg30 : memref<16x256xf32, #tpu.memory_space<vmem>>) dst(%dma_wait3A_296 : memref<16x256xf32, #tpu.memory_space<hbm>>)
      tpu.yield
    }) : () -> ()
    return
  }
}

</mosaic_0001>

<sc_bundles>
// kernel: kernel.3.cloned.1.call-start
scs
__scs_entry_jumppad:
0x0: {  	(pc) =	sbr.rel $0x88, $3  }
0x1: {  	(tag) =	ssettag $0x0;
	lr =	simm.s32 $0x1  }
0x2: {  	[smem:$0x3F9E] =	sst lr;
	_ =	strace $0xD0000000  }
0x3: {  	_ = 	snop  }
0x4: {  	_ = 	snop  }
0x5: {  	_ = 	snop  }
0x6: {  	_ = 	snop  }
0x7: {  	_ = 	snop  }
__scs_overlays_trampoline_lowered:
0x8: {  	[smem:$0x3FAD] =	sst s0  }
0x9: {  	[smem:$0x3FAE] =	sst s1  }
0xa: {  	[smem:$0x3FAF] =	sst s2  }
0xb: {  	[smem:$0x3FB0] =	sst s3  }
0xc: {  	[smem:$0x3FB1] =	sst s4  }
0xd: {  	[smem:$0x3FB2] =	sst s5  }
0xe: {  	[smem:$0x3FB3] =	sst s6  }
0xf: {  	[smem:$0x3FB4] =	sst s7  }
0x10: {  	[smem:$0x3FB5] =	sst s8  }
0x11: {  	[smem:$0x3FB6] =	sst s9;
	s0 =	simm.s32 @!p0 $0x0  }
0x12: {  	s1 =	sld [smem:$0x3F9C];
	s0 =	simm.s32 @p0 $0x1  }
0x13: {  	[smem:$0x3FB7] =	sst s0;
	s0 =	simm.s32 @!p1 $0x0  }
0x14: {  	s2 =	sld [smem:$0x3F9B];
	s0 =	simm.s32 @p1 $0x1  }
0x15: {  	[smem:$0x3FB8] =	sst s0;
	s0 =	simm.s32 @!p2 $0x0  }
0x16: {  	s3 =	sld [smem:$0x3FDB];
	s0 =	simm.s32 @p2 $0x1  }
0x17: {  	s4 =	simm.s32 $0x1BF5;
	[smem:$0x3FBA] =	sst s0  }
0x18: {  	s0 =	sld [smem:$0x3F9D];
	_ =	swait.ge [sflag:s4], $0x0  }
0x19: {  	s7 =	sld [smem:$0x3F9E]  }
0x1a: {  	s8 =	sadd.s32 $0xFFFFE003, lr  }
0x1b: {  	s9 =	sadd.s32 $0xFFFFFEF7, lr;
	s5 =	simm.s32 $0xFFFFFFFF;
	p2 =	slt.u32 s8, $0xFFFFF086  }
0x1c: {  	p1 =	slt.u32 s9, $0xF7A;
	s5 =	simm.s32 @!p2 $0x0  }
0x1d: {  	s5 =	simm.s32 @p1 $0x1;
	p0 =	seq.s32 s7, s2  }
0x1e: {  	s7 =	smul.u32 @!p0 $0xF7A, s2;
	p2 =	seq.s32 @!p0 s5, $0x0  }
0x1f: {  	s9 =	smul.u32 $0xF7A, s1;
	s8 =	simm.s32 @!p0 $0x1BF5;
	p2 =	por !p2, p0  }
0x20: {  	[sflag:s8] =	ssyncset.s32 @!p0 $0xFFFFF086;
	s6 =	sadd.s32 @!p0 s3, s7;
	s7 =	simm.s32 @!p0 $0x108  }
0x21: {  	s3 =	sadd.s32 s3, s9;
	s6 =	sadd.s32 @!p0 $0x88, s6;
	s7 =	simm.s32 @p2 $0x1082  }
0x22: {  	[simem:s7], [sflag:s8] =	dma.local @!p0 [hbm:s6], $0xF7A  }
0x23: {  	s9 =	sor.u32 $0xD0000000, s2;
	s6 =	simm.s32 $0x108;
	_ =	swait.ge @!p0 [sflag:s8], $0x0  }
0x24: {  	s3 =	sadd.s32 $0x88, s3;
	s6 =	simm.s32 @!p1 $0x1082;
	[sflag:s4] =	ssyncset.s32 $0xFFFFF086  }
0x25: {  	[simem:s6], [sflag:s4] =	dma.local [hbm:s3], $0xF7A  }
0x26: {  	[smem:$0x3F9E] =	sst s1;
	(tag) =	ssettag s2;
	_ =	strace s9  }
0x27: {  	s1 =	sld [smem:$0x3FAE]  }
0x28: {  	s2 =	sld [smem:$0x3FAF]  }
0x29: {  	s4 =	sld [smem:$0x3FB1]  }
0x2a: {  	p0 =	seq.s32 s5, $0x0;
	s5 =	sld [smem:$0x3FB2]  }
0x2b: {  	s6 =	sld [smem:$0x3FB3]  }
0x2c: {  	s7 =	sld [smem:$0x3FB4]  }
0x2d: {  	s3 =	simm.s32 $0x108;
	s8 =	sld [smem:$0x3FB5]  }
0x2e: {  	s3 =	simm.s32 @!p0 $0x1082;
	s9 =	sld [smem:$0x3FB6]  }
0x2f: {  	lr =	sadd.s32 s0, s3;
	s0 =	sld [smem:$0x3FAD]  }
0x30: {  	s3 =	sld [smem:$0x3FB0]  }
0x31: {  	[smem:$0x3FB9] =	sst s10  }
0x32: {  	s10 =	sld [smem:$0x3FB7];
	_ =	sdelay $0x3  }
0x33: {  	p0 =	seq.s32 s10, $0x1;
	s10 =	sld [smem:$0x3FB9];
	_ =	sdelay $0x3  }
0x34: {  	[smem:$0x3FB9] =	sst s10  }
0x35: {  	s10 =	sld [smem:$0x3FB8];
	_ =	sdelay $0x3  }
0x36: {  	p1 =	seq.s32 s10, $0x1;
	s10 =	sld [smem:$0x3FB9];
	_ =	sdelay $0x3  }
0x37: {  	[smem:$0x3FB9] =	sst s10  }
0x38: {  	s10 =	sld [smem:$0x3FBA]  }
0x39: {  	_ = 	snop;
	(pc) =	sbr.ind lr, $3  }
0x3a: {  	_ = 	snop  }
0x3b: {  	_ = 	snop  }
0x3c: {  	p2 =	seq.s32 s10, $0x1;
	s10 =	sld [smem:$0x3FB9]  }
0x3d: {  	_ =	shalt  }
0x3e: {  	_ =	shalt  }
0x3f: {  	_ =	shalt  }
0x40: {  	_ =	shalt  }
0x41: {  	_ =	shalt  }
0x42: {  	_ =	shalt  }
0x43: {  	_ =	shalt  }
0x44: {  	_ =	shalt  }
0x45: {  	_ =	shalt  }
0x46: {  	_ =	shalt  }
0x47: {  	_ =	shalt  }
0x48: {  	_ =	shalt  }
0x49: {  	_ =	shalt  }
0x4a: {  	_ =	shalt  }
0x4b: {  	_ =	shalt  }
0x4c: {  	_ =	shalt  }
0x4d: {  	_ =	shalt  }
0x4e: {  	_ =	shalt  }
0x4f: {  	_ =	shalt  }
0x50: {  	_ =	shalt  }
0x51: {  	_ =	shalt  }
0x52: {  	_ =	shalt  }
0x53: {  	_ =	shalt  }
0x54: {  	_ =	shalt  }
0x55: {  	_ =	shalt  }
0x56: {  	_ =	shalt  }
0x57: {  	_ =	shalt  }
0x58: {  	_ =	shalt  }
0x59: {  	_ =	shalt  }
0x5a: {  	_ =	shalt  }
0x5b: {  	_ =	shalt  }
0x5c: {  	_ =	shalt  }
0x5d: {  	_ =	shalt  }
0x5e: {  	_ =	shalt  }
0x5f: {  	_ =	shalt  }
0x60: {  	_ =	shalt  }
0x61: {  	_ =	shalt  }
0x62: {  	_ =	shalt  }
0x63: {  	_ =	shalt  }
0x64: {  	_ =	shalt  }
0x65: {  	_ =	shalt  }
0x66: {  	_ =	shalt  }
0x67: {  	_ =	shalt  }
0x68: {  	_ =	shalt  }
0x69: {  	_ =	shalt  }
0x6a: {  	_ =	shalt  }
0x6b: {  	_ =	shalt  }
0x6c: {  	_ =	shalt  }
0x6d: {  	_ =	shalt  }
0x6e: {  	_ =	shalt  }
0x6f: {  	_ =	shalt  }
0x70: {  	_ =	shalt  }
0x71: {  	_ =	shalt  }
0x72: {  	_ =	shalt  }
0x73: {  	_ =	shalt  }
0x74: {  	_ =	shalt  }
0x75: {  	_ =	shalt  }
0x76: {  	_ =	shalt  }
0x77: {  	_ =	shalt  }
0x78: {  	_ =	shalt  }
0x79: {  	_ =	shalt  }
0x7a: {  	_ =	shalt  }
0x7b: {  	_ =	shalt  }
0x7c: {  	_ =	shalt  }
0x7d: {  	_ =	shalt  }
0x7e: {  	_ =	shalt  }
0x7f: {  	_ =	shalt  }
0x80: {  	_ =	shalt  }
0x81: {  	_ =	shalt  }
0x82: {  	_ =	shalt  }
0x83: {  	_ =	shalt  }
0x84: {  	_ =	shalt  }
0x85: {  	_ =	shalt  }
0x86: {  	_ =	shalt  }
0x87: {  	_ =	shalt  }
.Lfunc_end0:
.L_simem_size_0:
called_computation_lowered:
.L_overlay_start_0:
0x88: {  	s2 =	sld [smem:$0x3FD9]  }
0x89: {  	s3 =	sld [smem:$0x3FFE];
	_ =	sdelay $0x1  }
0x8a: {  	s1 =	srdreg.scid  }
0x8b: {  	s0 =	sand.u32 $0x1, s1  }
0x8c: {  	s17 =	sshll.u32 s0, $0xA;
	s2 =	sadd.s32 s3, s2  }
0x8d: {  	s2 =	sadd.s32 s2, s17  }
0x8e: {  	[smem:$0x3FC5] =	sst s2  }
0x8f: {  	_ = 	snop  }
0x90: {  	s2 =	sld [smem:$0x3FC9]  }
0x91: {  	s18 =	sld [smem:$0x3FD0];
	(tm) =	ssettm $0x1  }
0x92: {  	s4 =	sld [smem:$0x3FFB];
	_ =	sdelay $0x3  }
0x93: {  	_ =	strace s4  }
0x94: {  	s4 =	sld [smem:$0x3FFC];
	_ =	sdelay $0x3  }
0x95: {  	_ =	strace s4  }
0x96: {  	s4 =	sld [smem:$0x3FFD];
	_ =	sdelay $0x3  }
0x97: {  	_ =	strace s4  }
0x98: {  	_ =	strace $0x8FFFFFFF  }
0x99: {  	s19 =	sld [smem:$0x3FDB];
	_ =	sdelay $0x1  }
0x9a: {  	s5 =	simm.s32 $_scs_section_size  }
0x9b: {  	s6 =	simm.s32 $_size__tile_overlayer_lowered;
	s7 =	simm.s32 $_tile_overlayer_lowered  }
0x9c: {  	s22 =	simm.s32 $0x1BFF;
	s21 =	sshll.u32 s7, $0x1;
	s4 =	sadd.s32 s5, s19  }
0x9d: {  	s8 =	simm.s32 $0x0;
	s20 =	sshll.u32 s6, $0x1;
	s6 =	sadd.s32 s21, s4  }
0x9e: {  	[timem:s8], [sflag:s22] =	dma.local [hbm:s6], s20  }
0x9f: {  	_ =	swait.ge [sflag:s22], s20  }
0xa0: {  	s5 =	ssub.s32 $0x0, s20;
	[sflag:s22] =	ssyncset.done $0x0  }
0xa1: {  	[sflag:s22] =	ssyncadd.s32 s5;
	_ =	sdelay $0x1  }
0xa2: {  	s23 =	simm.s32 $0x1B8B  }
0xa3: {  	_ =	swait.ge [sflag:s23], $0x1  }
0xa4: {  	[sflag:s23] =	ssyncset.done $0x0  }
0xa5: {  	s25 =	simm.s32 $0x1B8E;
	s24 =	sld [smem:$0x3FFE];
	[sflag:s23] =	ssyncadd.s32 $0xFFFFFFFF  }
0xa6: {  	s26 =	simm.s32 $execute0_lowered;
	[smem:$0x3FD2] =	sst s25  }
0xa7: {  	s6 =	sshll.u32 s26, $0x1;
	_ =	strace $0x80000046;
	[dreg:$0x1] =	wrdreg $0xFFFFFFFF  }
0xa8: {  	s28 =	simm.s32 $_size_execute0_lowered;
	s4 =	sadd.s32 s4, s6;
	[dreg:$0x0] =	wrdreg $0x0  }
0xa9: {  	s6 =	sshll.u32 s28, $0x1;
	[dreg:$0x2] =	wrdreg s4  }
0xaa: {  	[dreg:$0x3] =	wrdreg s6  }
0xab: {  	[dreg:$0x4] =	wrdreg $0xC0  }
0xac: {  	_ =	task [dreg:s8], $0x5FFFF  }
0xad: {  	[dreg:$0x1] =	wrdreg $0xFFFFFFFF  }
0xae: {  	[dreg:$0x0] =	wrdreg $0x60  }
0xaf: {  	[dreg:$0x2] =	wrdreg s2  }
0xb0: {  	[dreg:$0x3] =	wrdreg s24  }
0xb1: {  	[dreg:$0x4] =	wrdreg s18  }
0xb2: {  	[dreg:$0x5] =	wrdreg $0x1C2000  }
0xb3: {  	[dreg:$0x6] =	wrdreg $0x19A000  }
0xb4: {  	[dreg:$0x7] =	wrdreg $0x1AE000  }
0xb5: {  	[dreg:$0x8] =	wrdreg $0x9  }
0xb6: {  	_ =	task.clear_ibuf [dreg:s8], $0x9FFFF;
	_ =	strace $0x90000046  }
0xb7: {  	s29 =	simm.s32 $0x9;
	_ =	strace $0x80000048  }
0xb8: {  	_ =	swait.ge [sflag:s29], $0x1  }
0xb9: {  	[sflag:s29] =	ssyncadd.s32 $0xFFFFFFFF  }
0xba: {  	_ =	strace $0x90000048  }
0xbb: {  	_ =	sfence  }
0xbc: {  	s30 =	sld [smem:$0x0];
	_ =	sdelay $0x2  }
0xbd: {  	s31 =	sshll.u32 s1, $0xD;
	s1 =	sshrl.u32 s1, $0x2  }
0xbe: {  	s3 =	sand.u32 $0x4000, s31;
	s1 =	sadd.s32 s1, s30  }
0xbf: {  	s0 =	sor.u32 s3, s0;
	s1 =	sshll.u32 s1, $0x11  }
0xc0: {  	s0 =	sor.u32 s1, s0  }
0xc1: {  	s0 =	sadd.s32 $0x8F2B, s0  }
0xc2: {  	[sflag:s0] =	ssyncadd.remote.s32 $0x1  }
0xc3: {  	_ =	sfence.sel $0xFFFF  }
0xc4: {  	[dreg:$0x0] =	wrdreg $0xFFFFFFFF;
	(pc) =	sbr.abs _section_cstart, $3  }
0xc5: {  	[dreg:$0x1] =	wrdreg $0xFFFFFFFF  }
0xc6: {  	_ =	task.clear_ibuf [dreg:s8], $0x2FFFF;
	_ =	strace $0x9FFFFFFF  }
0xc7: {  	(tm) =	ssettm $0x7FFFFFFF  }
tec
execute0_lowered:
.L_overlay_start_1:
0x0: {  	(tag) =	ssettag $0x1  }
0x1: {  	s1 =	rddreg [dreg:$0x0]  }
0x2: {  	s0 =	rddreg [dreg:$0x1]  }
0x3: {  	s2 =	rddreg [dreg:$0x2]  }
0x4: {  	s13 =	rddreg [dreg:$0x3]  }
0x5: {  	s14 =	rddreg [dreg:$0x4]  }
0x6: {  	s16 =	rddreg [dreg:$0x5];
	s3 =	srdreg.scid  }
0x7: {  	s19 =	simm.s32 $0x0;
	s15 =	stileid.u32;
	s4 =	sand.u32 $0x1, s3  }
0x8: {  	[smem:$0x7FF] =	sst s19;
	s5 =	sshll.u32 s15, $0x5;
	s7 =	sadd.s32 $0xA000, s0  }
0x9: {  	s9 =	sadd.s32 $0xA800, s0;
	s31 =	smul.u32 $0x1388, s15;
	s17 =	sadd.s32 $0xB000, s0  }
0xa: {  	s21 =	sshll.u32 s15, $0x4;
	s22 =	sand.u32 $0x2, s3;
	s3 =	sshrl.u32 s3, $0x2  }
0xb: {  	s25 =	smul.u32 $0x5000, s15;
	s15 =	simm.s32 $0x10380;
	s6 =	sshll.u32 s4, $0x4  }
0xc: {  	_ =	strace $0x80000047;
	[dreg:$0x7] =	wrdreg s7;
	s8 =	smul.u32 $0x13880, s4  }
0xd: {  	[dreg:$0x8] =	wrdreg s9;
	s10 =	ssub.s32 $0x2, s4;
	s11 =	sshll.u32 s4, $0x9  }
0xe: {  	s23 =	sadd.s32 $0x20, s5;
	[dreg:$0x9] =	wrdreg s17;
	s4 =	ssub.s32 s22, s4  }
0xf: {  	[dreg:$0xe] =	wrdreg s3;
	s3 =	simm.s32 $0x0;
	s6 =	sor.u32 s6, s5  }
0x10: {  	s12 =	sshrl.u32 s10, $0x1;
	s18 =	sor.u32 s5, s11;
	s24 =	sadd.s32 $0x5, s4  }
0x11: {  	s29 =	sshrl.u32 s25, $0x2;
	s25 =	simm.s32 $0x1;
	v1 =	vmov s23;
	s23 =	simm.s32 $0x9800  }
0x12: {  	s30 =	sshrl.u32 s6, $0x3;
	s8 =	sadd.s32 s31, s8;
	s10 =	ssub.s32 s10, s12  }
0x13: {  	s9 =	sshrl.u32 s18, $0x3;
	s26 =	sshll.u32 s6, $0x5;
	s31 =	sshll.u32 s24, $0xE  }
0x14: {  	s7 =	sadd.s32 s30, s0;
	s28 =	smax.u32 s10, $0x1;
	[dreg:$0x15] =	wrdreg s31  }
0x15: {  	vm0 =	vmmov $0xff;
	v2 =	vlaneseq.u32;
	v3 =	vimm.s32 $0x138;
	s8 =	sshrl.u32 s8, $0x3;
	s30 =	sadd.s32 s29, s14;
	[dreg:$0x12] =	wrdreg s28  }
0x16: {  	vm1 =	vmmov $0x1ff;
	v4 =	vimm.s32 $0x200;
	vm2 =	vmmov $0xffff;
	s24 =	simm.s32 $0x11D00;
	s20 =	sadd.s32 s0, s8;
	[dreg:$0x13] =	wrdreg s30  }
0x17: {  	v24 =	vimm.f32 $1.000000000e+00;
	v25 =	vimm.s32 $0x20;
	v26 =	vimm.s32 $0x0;
	s12 =	simm.s32 $0xEB80;
	s8 =	sadd.s32 s21, s13;
	[dreg:$0xa] =	wrdreg s20  }
0x18: {  	v6 =	vshrl.u32 v2, $0x3;
	v5 =	vand.u32 $0x7, v2;
	v7 =	vor.u32 $0x8, v2;
	s18 =	simm.s32 $0x11380;
	s7 =	sadd.s32 $0xA600, s7;
	[dreg:$0xc] =	wrdreg s8  }
0x19: {  	v8 =	vor.u32 $0x10, v2;
	v9 =	vor.u32 $0x20, v2;
	v10 =	vor.u32 $0x30, v2;
	s9 =	smul.u32 $0x180, s9;
	s0 =	sadd.s32 $0xB100, s0;
	[dreg:$0xf] =	wrdreg s7  }
0x1a: {  	v11 =	vor.u32 $0x40, v2;
	v12 =	vor.u32 $0x50, v2;
	v13 =	vor.u32 $0x60, v2;
	s14 =	simm.s32 $0xFB80;
	s11 =	sadd.s32 $0x5000, s20;
	[dreg:$0x10] =	wrdreg s0  }
0x1b: {  	v14 =	vor.u32 $0x70, v2;
	v15 =	vor.u32 $0x400, v2;
	v16 =	vor.u32 $0x410, v2;
	s13 =	simm.s32 $0xF380;
	s9 =	sadd.s32 s17, s9;
	[dreg:$0xb] =	wrdreg s11  }
0x1c: {  	v17 =	vor.u32 $0x420, v2;
	v18 =	vor.u32 $0x430, v2;
	v19 =	vor.u32 $0x440, v2;
	s0 =	sadd.s32 s2, s26;
	s7 =	simm.s32 $0xD380;
	[dreg:$0xd] =	wrdreg s9  }
0x1d: {  	v20 =	vor.u32 $0x450, v2;
	v21 =	vor.u32 $0x460, v2;
	v22 =	vor.u32 $0x470, v2;
	s8 =	simm.s32 $0xDB80;
	[dreg:$0x11] =	wrdreg s0;
	s0 =	sadd.s32 s29, s16  }
0x1e: {  	v23 =	vor.u32 $0x800, v2;
	v0 =	vmov s5;
	v6 =	vmul.u32 $0x8, v6;
	s17 =	simm.s32 $0x10B80;
	s11 =	simm.s32 $0xE380;
	[dreg:$0x14] =	wrdreg s0  }
.LBB2_1:
0x1f: {  	[dreg:$0x16] =	wrdreg s3  }
0x20: {  	s0 =	rddreg [dreg:$0x7]  }
0x21: {  	[tilespmem:s19], [sflag:$0x1] =	stream.linear.gather [hbm4b:s0+s19], $0x2780, $0x38;
	[tilespmem:$0x1C210] =	vst v63  }
0x22: {  	s21 =	rddreg [dreg:$0xb];
	s2 =	simm.s32 $0x3B80  }
0x23: {  	[tilespmem:s2], [sflag:$0x1] =	stream.linear.gather [hbm4b:s21+s19], $0x1388, $0x38;
	[tilespmem:$0x1C210] =	vst v63  }
0x24: {  	s22 =	rddreg [dreg:$0xa];
	s26 =	simm.s32 $0x2780  }
0x25: {  	[tilespmem:s26], [sflag:$0x1] =	stream.linear.gather [hbm4b:s22+s19], $0x1388, $0x38;
	[tilespmem:$0x1C210] =	vst v63  }
0x26: {  	s28 =	rddreg [dreg:$0x8]  }
0x27: {  	[tilespmem:s24], [sflag:$0x1] =	stream.linear.gather [hbm4b:s28+s19], $0x3C00, $0x38;
	[tilespmem:$0x1C210] =	vst v63  }
0x28: {  	_ =	swait.ge [sflag:s25], $0x2780  }
0x29: {  	[sflag:s25] =	ssyncset.done $0x0  }
0x2a: {  	[sflag:s25] =	ssyncadd.s32 $0xFFFFD880  }
0x2b: {  	_ =	swait.ge [sflag:s25], $0x1388  }
0x2c: {  	[sflag:s25] =	ssyncset.done $0x0  }
0x2d: {  	[sflag:s25] =	ssyncadd.s32 $0xFFFFEC78  }
0x2e: {  	_ =	swait.ge [sflag:s25], $0x1388  }
0x2f: {  	[sflag:s25] =	ssyncset.done $0x0  }
0x30: {  	[sflag:s25] =	ssyncadd.s32 $0xFFFFEC78  }
0x31: {  	_ =	swait.ge [sflag:s25], $0x3C00  }
0x32: {  	[sflag:s25] =	ssyncset.done $0x0  }
0x33: {  	[sflag:s25] =	ssyncadd.s32 $0xFFFFC400  }
0x34: {  	v27 =	vld [tilespmem:$0x3B00];
	_ =	sdelay $0x4  }
0x35: {  	v27 =	vnsel vm0, $0x2710, v27  }
0x36: {  	s29 =	simm.s32 $0x27A0;
	[tilespmem:$0x3B00] =	vst v27  }
0x37: {  	v27 =	vld [tilespmem:s29+$0x10];
	_ =	sdelay $0x3  }
0x38: {  	v29 =	vld [tilespmem:s29+$0xFFFFFFE0]  }
0x39: {  	v30 =	vld [tilespmem:s29+$0xFFFFFFF0]  }
0x3a: {  	s30 =	simm.s32 $0x27E0;
	v32 =	vld [tilespmem:s29+$0x0]  }
0x3b: {  	v36 =	vld [tilespmem:s30+$0x10]  }
0x3c: {  	v37 =	vld.idx.msk [tilespmem:v27+s19+$0x0], $0xffff  }
0x3d: {  	v28 =	vld [tilespmem:s30+$0xFFFFFFF0]  }
0x3e: {  	s5 =	simm.s32 $0x3;
	v34 =	vld [tilespmem:s30+$0xFFFFFFE0]  }
0x3f: {  	s6 =	simm.s32 $0x2;
	v38 =	vmov s5;
	v27 =	vld [tilespmem:s30+$0x0]  }
0x40: {  	s31 =	simm.s32 $0x1;
	v40 =	vmov s6;
	v33 =	vld.idx.msk [tilespmem:v29+s19+$0x0], $0xffff;
	v29 =	vmov s19  }
0x41: {  	v31 =	vld.idx.msk [tilespmem:v30+s19+$0x0], $0xffff;
	v30 =	vmov s31;
	v29 =	vand.u32 $0xFFFFFFFC, v29;
	vm3 =	vgt.s32 v37, $0xFFFFFFFF  }
0x42: {  	s5 =	simm.s32 $0x77A0;
	v32 =	vld.idx.msk [tilespmem:v32+s19+$0x0], $0xffff;
	v30 =	vand.u32 $0xFFFFFFFD, v30;
	v35 =	vbroadcast v29, $0x0;
	v39 =	vmpcnt.ones.xlane vm3  }
0x43: {  	s9 =	simm.s32 $0x2820;
	s0 =	simm.s32 $0x8B80;
	v63 =	vand.u32 $0xFFFFFFFE, v40;
	v29 =	vld.idx.msk [tilespmem:v36+s19+$0x0], $0xffff;
	[tilespmem:s5+$0x10] =	vst v37;
	v37 =	vbroadcast v30, $0x0  }
0x44: {  	s3 =	simm.s32 $0x8;
	s10 =	simm.s32 $0xC;
	s6 =	simm.s32 $0x4;
	v36 =	vbroadcast v63, $0x0;
	v30 =	vld [tilespmem:s9+$0x10];
	[tilespmem:v38+s0+$0x0] =	vst.idx.msk $0x1, v39  }
.LBB2_2:
0x45: {  	p0 =	slt.u32 s10, $0x134;
	v38 =	vld [tilespmem:s9+$0xFFFFFFF0];
	[tilespmem:s5+$0xFFFFFFE0] =	vst v33;
	vm3 =	vgt.s32 v33, $0xFFFFFFFF  }
0x46: {  	s16 =	sadd.s32 $0x3, s6;
	v39 =	vld [tilespmem:s9+$0x0];
	v40 =	vmpcnt.ones.xlane vm3;
	[tilespmem:s5+$0xFFFFFFF0] =	vst v31;
	vm3 =	vgt.s32 v31, $0xFFFFFFFF  }
0x47: {  	v42 =	vmov s16;
	v41 =	vld [tilespmem:s9+$0xFFFFFFE0];
	v43 =	vmpcnt.ones.xlane vm3;
	[tilespmem:s5+$0x0] =	vst v32;
	vm3 =	vgt.s32 v32, $0xFFFFFFFF  }
0x48: {  	v33 =	vld.idx.msk [tilespmem:v34+s19+$0x0], $0xffff;
	[tilespmem:v35+s0+$0x0] =	vst.idx.msk $0x1, v40;
	v34 =	vmpcnt.ones.xlane vm3  }
.Ltmp0:
0x49: {  	s16 =	sadd.s32 $0x1, s6;
	v32 =	vmov s6;
	vm3 =	vgt.s32 v29, $0xFFFFFFFF;
	v31 =	vld.idx.msk [tilespmem:v28+s19+$0x0], $0xffff;
	[tilespmem:v37+s0+$0x0] =	vst.idx.msk $0x1, v43;
	(pc) =	sbr.rel @p0 .LBB2_2-.Ltmp0, $4  }
0x4a: {  	s5 =	sadd.s32 $0x40, s5;
	v35 =	vand.u32 $0xFFFFFFFC, v32;
	v37 =	vmov s16;
	s16 =	sadd.s32 $0x2, s6;
	v40 =	vmpcnt.ones.xlane vm3;
	s6 =	smov.u32 s3;
	v32 =	vld.idx.msk [tilespmem:v27+s19+$0x0], $0xffff;
	[tilespmem:v36+s0+$0x0] =	vst.idx.msk $0x1, v34;
	v28 =	vmovc v38  }
0x4b: {  	v35 =	vbroadcast v35, $0x0;
	s3 =	smov.u32 s10;
	v38 =	vand.u32 $0xFFFFFFFD, v37;
	v36 =	vmov s16;
	[tilespmem:s5+$0x10] =	vst v29;
	v27 =	vmovc v39  }
0x4c: {  	s9 =	sadd.s32 $0x40, s9;
	v37 =	vbroadcast v38, $0x0;
	v36 =	vand.u32 $0xFFFFFFFE, v36;
	v29 =	vld.idx.msk [tilespmem:v30+s19+$0x0], $0xffff;
	[tilespmem:v42+s0+$0x0] =	vst.idx.msk $0x1, v40;
	v34 =	vmov v41  }
0x4d: {  	s10 =	sadd.s32 $0x4, s10;
	v36 =	vbroadcast v36, $0x0;
	v30 =	vld [tilespmem:s9+$0x10]  }
0x4e: {  	_ =	sdelay $0x1  }
0x4f: {  	v38 =	vld [tilespmem:s9+$0xFFFFFFF0];
	[tilespmem:s5+$0xFFFFFFE0] =	vst v33;
	vm3 =	vgt.s32 v33, $0xFFFFFFFF  }
0x50: {  	[tilespmem:s5+$0xFFFFFFF0] =	vst v31;
	v58 =	vld [tilespmem:s9+$0xFFFFFFE0];
	v39 =	vmpcnt.ones.xlane vm3  }
0x51: {  	v59 =	vld.idx.msk [tilespmem:v34+s19+$0x0], $0xffff;
	s21 =	sadd.s32 $0x1, s6;
	vm3 =	vgt.s32 v31, $0xFFFFFFFF;
	[tilespmem:s5+$0x0] =	vst v32  }
0x52: {  	v28 =	vld.idx.msk [tilespmem:v28+s19+$0x0], $0xffff;
	s26 =	sadd.s32 $0x40, s5;
	v62 =	vmov s21;
	v41 =	vmpcnt.ones.xlane vm3;
	vm3 =	vgt.s32 v32, $0xFFFFFFFF;
	[tilespmem:v35+s0+$0x0] =	vst.idx.msk $0x1, v39  }
0x53: {  	s10 =	sadd.s32 $0x3, s6;
	v61 =	vmov s6;
	s22 =	sadd.s32 $0x2, s6;
	v27 =	vld.idx.msk [tilespmem:v27+s19+$0x0], $0xffff;
	v43 =	vand.u32 $0xFFFFFFFD, v62;
	v60 =	vmpcnt.ones.xlane vm3;
	[tilespmem:s26+$0x10] =	vst v29  }
0x54: {  	v57 =	vld [tilespmem:s9+$0x0];
	v40 =	vmov s10;
	v44 =	vmov s22;
	v46 =	vbroadcast v43, $0x0;
	[tilespmem:v37+s0+$0x0] =	vst.idx.msk $0x1, v41  }
0x55: {  	v47 =	vand.u32 $0xFFFFFFFE, v44;
	vm3 =	vgt.s32 v29, $0xFFFFFFFF;
	v35 =	vand.u32 $0xFFFFFFFC, v61;
	[tilespmem:v36+s0+$0x0] =	vst.idx.msk $0x1, v60  }
0x56: {  	v63 =	vmpcnt.ones.xlane vm3;
	v42 =	vbroadcast v35, $0x0;
	v45 =	vld.idx.msk [tilespmem:v30+s19+$0x0], $0xffff;
	[tilespmem:s26+$0xFFFFFFE0] =	vst v59;
	vm3 =	vgt.s32 v59, $0xFFFFFFFF  }
0x57: {  	v35 =	vbroadcast v47, $0x0;
	[tilespmem:s26+$0xFFFFFFF0] =	vst v28;
	v32 =	vmpcnt.ones.xlane vm3;
	vm3 =	vgt.s32 v28, $0xFFFFFFFF  }
0x58: {  	s28 =	sadd.s32 $0x3, s3;
	[tilespmem:s26+$0x0] =	vst v27;
	v49 =	vmpcnt.ones.xlane vm3  }
0x59: {  	v51 =	vmov s3;
	s29 =	sadd.s32 $0x1, s3;
	v48 =	vmov s28;
	[tilespmem:v40+s0+$0x0] =	vst.idx.msk $0x1, v63  }
0x5a: {  	v53 =	vand.u32 $0xFFFFFFFC, v51;
	v54 =	vmov s29;
	s5 =	sadd.s32 $0x40, s26;
	vm3 =	vgt.s32 v27, $0xFFFFFFFF;
	v27 =	vld.idx.msk [tilespmem:v58+s19+$0x0], $0xffff;
	[tilespmem:v46+s0+$0x0] =	vst.idx.msk $0x1, v49  }
0x5b: {  	s30 =	sadd.s32 $0x2, s3;
	v56 =	vand.u32 $0xFFFFFFFD, v54;
	v50 =	vmpcnt.ones.xlane vm3;
	v52 =	vld.idx.msk [tilespmem:v38+s19+$0x0], $0xffff;
	vm3 =	vgt.s32 v45, $0xFFFFFFFF;
	[tilespmem:s5+$0x10] =	vst v45  }
0x5c: {  	v30 =	vbroadcast v53, $0x0;
	v33 =	vld.idx.msk [tilespmem:v57+s19+$0x0], $0xffff;
	v57 =	vmov s30;
	[tilespmem:v42+s0+$0x0] =	vst.idx.msk $0x1, v32;
	v55 =	vmpcnt.ones.xlane vm3  }
0x5d: {  	v58 =	vbroadcast v56, $0x0;
	v59 =	vand.u32 $0xFFFFFFFE, v57;
	[tilespmem:v35+s0+$0x0] =	vst.idx.msk $0x1, v50  }
0x5e: {  	v60 =	vbroadcast v59, $0x0;
	[tilespmem:v48+s0+$0x0] =	vst.idx.msk $0x1, v55  }
0x5f: {  	[tilespmem:s5+$0xFFFFFFE0] =	vst v27;
	vm3 =	vgt.s32 v27, $0xFFFFFFFF  }
0x60: {  	[tilespmem:s5+$0xFFFFFFF0] =	vst v52;
	v27 =	vmpcnt.ones.xlane vm3;
	vm3 =	vgt.s32 v52, $0xFFFFFFFF  }
0x61: {  	[tilespmem:s5+$0x0] =	vst v33;
	v61 =	vmpcnt.ones.xlane vm3;
	vm3 =	vgt.s32 v33, $0xFFFFFFFF  }
0x62: {  	[tilespmem:v30+s0+$0x0] =	vst.idx.msk $0x1, v27;
	v27 =	vmpcnt.ones.xlane vm3  }
0x63: {  	[tilespmem:v58+s0+$0x0] =	vst.idx.msk $0x1, v61  }
0x64: {  	[tilespmem:v60+s0+$0x0] =	vst.idx.msk $0x1, v27  }
0x65: {  	v27 =	vld [tilespmem:$0x3B00];
	_ =	sdelay $0x6  }
0x66: {  	s3 =	simm.s32 $0x0  }
0x67: {  	v27 =	vld.idx.msk [tilespmem:v27+s3+$0x0], $0xffff;
	_ =	sdelay $0x4  }
0x68: {  	vm3 =	vgt.s32 v27, $0xFFFFFFFF  }
0x69: {  	v62 =	vmpcnt.ones.xlane vm3  }
0x6a: {  	[tilespmem:$0x8B00] =	vst v27  }
0x6b: {  	[tilespmem:v3+s0+$0x0] =	vst.idx.msk $0x1, v62  }
0x6c: {  	v27 =	vld [tilespmem:$0x8CB0];
	_ =	sdelay $0x4  }
0x6d: {  	v27 =	vnsel vm1, $0x0, v27  }
0x6e: {  	s31 =	simm.s32 $0x0;
	[tilespmem:$0x8CB0] =	vst v27  }
0x6f: {  	v27 =	vld [tilespmem:s31+$0x8B80];
	_ =	sdelay $0x4  }
0x70: {  	(xrf0) =	vadd.scan.msk.s32 $0xffff, v27;
	_ =	sdelay $0x5  }
0x71: {  	v63, _, _ =	vpop (xrf0)  }
0x72: {  	(v2sf) =	vpush v63, $0xF  }
0x73: {  	v27 =	vsub.s32 s3, v27  }
0x74: {  	v27 =	vadd.s32 v63, v27  }
0x75: {  	s9 =	simm.s32 $0x80;
	s6 =	simm.s32 $0x0;
	s5 =	simm.s32 $0x10;
	[tilespmem:s31+$0x8B80] =	vst v27  }
.LBB2_4:
0x76: {  	p0 =	sne.s32 s9, $0x4C0;
	v27 =	vld [tilespmem:s5+$0x8B80];
	_ =	sdelay $0x4  }
0x77: {  	(xrf0) =	vadd.scan.msk.s32 $0xffff, v27;
	_ =	sdelay $0x5  }
.Ltmp1:
0x78: {  	v28, _, _ =	vpop (xrf0);
	s10 =	spop (v2sf);
	(pc) =	sbr.rel @p0 .LBB2_4-.Ltmp1, $4  }
0x79: {  	(v2sf) =	vpush v28, $0xF;
	s6 =	sadd.s32 s6, s10  }
0x7a: {  	v27 =	vsub.s32 s6, v27  }
0x7b: {  	v27 =	vadd.s32 v28, v27  }
0x7c: {  	[tilespmem:s5+$0x8B80] =	vst v27;
	s5 =	sshra.s32 s9, $0x2;
	s9 =	sadd.s32 $0x40, s9  }
0x7d: {  	_ =	sdelay $0x1  }
0x7e: {  	v27 =	vld [tilespmem:s5+$0x8B80];
	_ =	sdelay $0x4  }
0x7f: {  	s9 =	simm.s32 $0x2;
	(xrf0) =	vadd.scan.msk.s32 $0xffff, v27  }
0x80: {  	v28 =	vmov s9  }
0x81: {  	v29 =	vmov s3;
	v28 =	vand.u32 $0xFFFFFFFE, v28  }
0x82: {  	v29 =	vand.u32 $0xFFFFFFFC, v29;
	v28 =	vbroadcast v28, $0x0  }
0x83: {  	s31 =	simm.s32 $0x1;
	v29 =	vbroadcast v29, $0x0;
	s2 =	spop (v2sf)  }
0x84: {  	v30 =	vmov s31;
	s4 =	sadd.s32 s6, s2  }
0x85: {  	v30 =	vand.u32 $0xFFFFFFFD, v30;
	v31, _, _ =	vpop (xrf0);
	v27 =	vsub.s32 s4, v27  }
0x86: {  	v30 =	vbroadcast v30, $0x0;
	v27 =	vadd.s32 v31, v27  }
0x87: {  	[tilespmem:s5+$0x8B80] =	vst v27  }
0x88: {  	v27 =	vld.idx.msk [tilespmem:v28+s0+$0x0], $0xffff  }
0x89: {  	s6 =	simm.s32 $0x3;
	v29 =	vld.idx.msk [tilespmem:v29+s0+$0x0], $0xffff  }
0x8a: {  	v28 =	vmov s6  }
0x8b: {  	(v2sf) =	vpush v31, $0xF  }
0x8c: {  	s9 =	simm.s32 $0x6;
	v30 =	vld.idx.msk [tilespmem:v30+s0+$0x0], $0xffff  }
0x8d: {  	s10 =	simm.s32 $0x4;
	v32 =	vmov s9;
	(v2sf) =	vpush v27, $0x0  }
0x8e: {  	s16 =	simm.s32 $0x5;
	v60 =	vmov s10;
	v31 =	vand.u32 $0xFFFFFFFE, v32;
	(v2sf) =	vpush v29, $0x0  }
0x8f: {  	v61 =	vmov s16;
	v31 =	vbroadcast v31, $0x0;
	v27 =	vld.idx.msk [tilespmem:v28+s0+$0x0], $0xffff;
	v28 =	vand.u32 $0xFFFFFFFC, v60  }
0x90: {  	v32 =	vand.u32 $0xFFFFFFFD, v61;
	v28 =	vbroadcast v28, $0x0  }
0x91: {  	v29 =	vbroadcast v32, $0x0;
	(v2sf) =	vpush v30, $0x0;
	_ =	sdelay $0x1  }
0x92: {  	s5 =	simm.s32 $0x3BA0  }
0x93: {  	v35 =	vld [tilespmem:s5+$0x0];
	(v2sf) =	vpush v27, $0x0  }
0x94: {  	s19 =	simm.s32 $0x7;
	v30 =	vld.idx.msk [tilespmem:v31+s0+$0x0], $0xffff  }
0x95: {  	s26 =	simm.s32 $0x9;
	v33 =	vmov s19;
	v62 =	vld.idx.msk [tilespmem:v28+s0+$0x0], $0xffff  }
0x96: {  	s20 =	simm.s32 $0x77A0;
	v36 =	vmov s26;
	v63 =	vld.idx.msk [tilespmem:v29+s0+$0x0], $0xffff  }
0x97: {  	s21 =	simm.s32 $0xA;
	v36 =	vand.u32 $0xFFFFFFFD, v36;
	v28 =	vld [tilespmem:s20+$0x0]  }
0x98: {  	s22 =	simm.s32 $0x8;
	v36 =	vbroadcast v36, $0x0;
	v37 =	vld [tilespmem:s20+$0xFFFFFFF0];
	v27 =	vmov s21  }
0x99: {  	v34 =	vmov s22;
	v27 =	vand.u32 $0xFFFFFFFE, v27;
	s28 =	spop (v2sf);
	v29 =	vld [tilespmem:s20+$0xFFFFFFE0];
	(v2sf) =	vpush v30, $0x0  }
0x9a: {  	v34 =	vand.u32 $0xFFFFFFFC, v34;
	v31 =	vld.idx.msk [tilespmem:v33+s0+$0x0], $0xffff;
	v27 =	vbroadcast v27, $0x0  }
0x9b: {  	v34 =	vbroadcast v34, $0x0;
	v39 =	vld [tilespmem:s20+$0x10];
	s29 =	spop (v2sf);
	(v2sf) =	vpush v62, $0x0  }
0x9c: {  	v40 =	vld [tilespmem:s5+$0xFFFFFFE0];
	vm3 =	vgt.s32 v28, $0xFFFFFFFF;
	s30 =	spop (v2sf);
	(v2sf) =	vpush v63, $0x0  }
0x9d: {  	s10 =	simm.s32 $0xB;
	v41 =	vld [tilespmem:s5+$0xFFFFFFF0];
	[tilespmem:s29+$0x6380] =	vst.msk vm3, v28  }
0x9e: {  	v38 =	vmov s10;
	v32 =	vld.idx.msk [tilespmem:v36+s0+$0x0], $0xffff;
	[tilespmem:s29+$0x4F80] =	vst.msk vm3, v35;
	vm3 =	vgt.s32 v29, $0xFFFFFFFF  }
0x9f: {  	vm4 =	vgt.s32 v37, $0xFFFFFFFF;
	v28 =	vld [tilespmem:s5+$0x10];
	s31 =	spop (v2sf);
	(v2sf) =	vpush v31, $0x0;
	[tilespmem:s30+$0x6380] =	vst.msk vm3, v29  }
0xa0: {  	v29 =	vld.idx.msk [tilespmem:v27+s0+$0x0], $0xffff;
	[tilespmem:s31+$0x6380] =	vst.msk vm4, v37  }
0xa1: {  	s6 =	simm.s32 $0x77E0;
	v30 =	vld.idx.msk [tilespmem:v34+s0+$0x0], $0xffff;
	[tilespmem:s30+$0x4F80] =	vst.msk vm3, v40  }
0xa2: {  	s19 =	simm.s32 $0xE;
	v31 =	vld [tilespmem:s6+$0x0];
	vm3 =	vgt.s32 v39, $0xFFFFFFFF;
	[tilespmem:s31+$0x4F80] =	vst.msk vm4, v41;
	s16 =	spop (v2sf)  }
0xa3: {  	s9 =	simm.s32 $0xC;
	s10 =	simm.s32 $0x10;
	v33 =	vmov s19;
	s3 =	sadd.s32 s4, s28;
	v27 =	vld.idx.msk [tilespmem:v38+s0+$0x0], $0xffff;
	[tilespmem:s16+$0x6380] =	vst.msk vm3, v39  }
.LBB2_6:
0xa4: {  	p0 =	slt.u32 s10, $0x134;
	v33 =	vand.u32 $0xFFFFFFFE, v33;
	v34 =	vld [tilespmem:s6+$0xFFFFFFE0];
	[tilespmem:s16+$0x4F80] =	vst.msk vm3, v28;
	s5 =	sadd.s32 $0x40, s5  }
0xa5: {  	v28 =	vmov s9;
	s16 =	sadd.s32 $0x1, s9;
	s19 =	sadd.s32 $0x3, s9;
	s9 =	smov.u32 s10;
	v33 =	vbroadcast v33, $0x0;
	(v2sf) =	vpush v29, $0x0;
	v29 =	vld [tilespmem:s5+$0x0]  }
0xa6: {  	v28 =	vand.u32 $0xFFFFFFFC, v28;
	v35 =	vmov s16;
	v36 =	vmov s19;
	v37 =	vld [tilespmem:s6+$0xFFFFFFF0]  }
0xa7: {  	v38 =	vbroadcast v28, $0x0;
	v28 =	vand.u32 $0xFFFFFFFD, v35;
	(v2sf) =	vpush v30, $0x0;
	v35 =	vld [tilespmem:s6+$0x10]  }
0xa8: {  	v39 =	vbroadcast v28, $0x0;
	(v2sf) =	vpush v32, $0x0;
	v32 =	vld [tilespmem:s5+$0xFFFFFFE0];
	vm3 =	vgt.s32 v31, $0xFFFFFFFF;
	s16 =	spop (v2sf)  }
0xa9: {  	vm4 =	vgt.s32 v34, $0xFFFFFFFF;
	v40 =	vld [tilespmem:s5+$0xFFFFFFF0];
	[tilespmem:s16+$0x6380] =	vst.msk vm3, v31  }
0xaa: {  	[tilespmem:s16+$0x4F80] =	vst.msk vm3, v29;
	v28 =	vld [tilespmem:s5+$0x10];
	s16 =	spop (v2sf)  }
.Ltmp2:
0xab: {  	v29 =	vld.idx.msk [tilespmem:v33+s0+$0x0], $0xffff;
	(v2sf) =	vpush v27, $0x0;
	[tilespmem:s16+$0x6380] =	vst.msk vm4, v34;
	vm5 =	vgt.s32 v37, $0xFFFFFFFF;
	s19 =	spop (v2sf);
	(pc) =	sbr.rel @p0 .LBB2_6-.Ltmp2, $4  }
0xac: {  	v27 =	vld.idx.msk [tilespmem:v36+s0+$0x0], $0xffff;
	[tilespmem:s19+$0x6380] =	vst.msk vm5, v37;
	vm3 =	vgt.s32 v35, $0xFFFFFFFF  }
0xad: {  	v30 =	vld.idx.msk [tilespmem:v38+s0+$0x0], $0xffff;
	[tilespmem:s16+$0x4F80] =	vst.msk vm4, v32  }
0xae: {  	s20 =	sadd.s32 $0x2, s10;
	s6 =	sadd.s32 $0x40, s6;
	v32 =	vld.idx.msk [tilespmem:v39+s0+$0x0], $0xffff;
	[tilespmem:s19+$0x4F80] =	vst.msk vm5, v40;
	s16 =	spop (v2sf)  }
0xaf: {  	s10 =	sadd.s32 $0x4, s10;
	v33 =	vmov s20;
	v31 =	vld [tilespmem:s6+$0x0];
	[tilespmem:s16+$0x6380] =	vst.msk vm3, v35  }
0xb0: {  	v33 =	vand.u32 $0xFFFFFFFE, v33  }
0xb1: {  	v34 =	vmov s9;
	s10 =	sadd.s32 $0x1, s9;
	v33 =	vbroadcast v33, $0x0  }
0xb2: {  	v35 =	vmov s10;
	v34 =	vand.u32 $0xFFFFFFFC, v34  }
0xb3: {  	v36 =	vld [tilespmem:s6+$0xFFFFFFE0];
	v34 =	vbroadcast v34, $0x0;
	v35 =	vand.u32 $0xFFFFFFFD, v35  }
0xb4: {  	(v2sf) =	vpush v29, $0x0;
	v37 =	vld [tilespmem:s6+$0xFFFFFFF0];
	v35 =	vbroadcast v35, $0x0  }
0xb5: {  	s5 =	sadd.s32 $0x40, s5;
	v44 =	vld [tilespmem:s6+$0x10];
	(v2sf) =	vpush v30, $0x0  }
0xb6: {  	v43 =	vld [tilespmem:s5+$0x0]  }
0xb7: {  	s10 =	sadd.s32 $0x3, s9;
	v45 =	vld.idx.msk [tilespmem:v33+s0+$0x0], $0xffff  }
0xb8: {  	v38 =	vld [tilespmem:s5+$0xFFFFFFE0];
	v46 =	vmov s10;
	(v2sf) =	vpush v32, $0x0  }
0xb9: {  	(v2sf) =	vpush v27, $0x0;
	v34 =	vld.idx.msk [tilespmem:v34+s0+$0x0], $0xffff  }
0xba: {  	v27 =	vld.idx.msk [tilespmem:v35+s0+$0x0], $0xffff  }
0xbb: {  	[tilespmem:s16+$0x4F80] =	vst.msk vm3, v28;
	v47 =	vld [tilespmem:s5+$0xFFFFFFF0];
	vm3 =	vgt.s32 v31, $0xFFFFFFFF;
	s19 =	spop (v2sf)  }
0xbc: {  	v48 =	vld [tilespmem:s5+$0x10];
	[tilespmem:s19+$0x6380] =	vst.msk vm3, v31;
	(v2sf) =	vpush v45, $0x0  }
0xbd: {  	s21 =	sadd.s32 $0x40, s6;
	vm4 =	vgt.s32 v36, $0xFFFFFFFF;
	[tilespmem:s19+$0x4F80] =	vst.msk vm3, v43;
	s20 =	spop (v2sf);
	v49 =	vld.idx.msk [tilespmem:v46+s0+$0x0], $0xffff  }
0xbe: {  	v50 =	vld [tilespmem:s21+$0x0];
	vm3 =	vgt.s32 v37, $0xFFFFFFFF;
	[tilespmem:s20+$0x6380] =	vst.msk vm4, v36;
	s22 =	spop (v2sf);
	(v2sf) =	vpush v34, $0x0  }
0xbf: {  	v51 =	vld [tilespmem:s21+$0xFFFFFFE0];
	[tilespmem:s22+$0x6380] =	vst.msk vm3, v37;
	(v2sf) =	vpush v27, $0x0  }
0xc0: {  	s5 =	sadd.s32 $0x40, s5;
	v52 =	vld [tilespmem:s21+$0xFFFFFFF0];
	[tilespmem:s20+$0x4F80] =	vst.msk vm4, v38  }
0xc1: {  	vm10 =	vgt.s32 v44, $0xFFFFFFFF;
	[tilespmem:s22+$0x4F80] =	vst.msk vm3, v47;
	s26 =	spop (v2sf);
	v27 =	vld [tilespmem:s5+$0x0]  }
0xc2: {  	v54 =	vld [tilespmem:s5+$0xFFFFFFE0];
	[tilespmem:s26+$0x6380] =	vst.msk vm10, v44;
	(v2sf) =	vpush v49, $0x0  }
0xc3: {  	v53 =	vld [tilespmem:s21+$0x10];
	vm3 =	vgt.s32 v50, $0xFFFFFFFF;
	[tilespmem:s26+$0x4F80] =	vst.msk vm10, v48;
	s28 =	spop (v2sf)  }
0xc4: {  	s6 =	sadd.s32 $0x40, s21;
	v55 =	vld [tilespmem:s5+$0xFFFFFFF0];
	vm11 =	vgt.s32 v51, $0xFFFFFFFF;
	[tilespmem:s28+$0x6380] =	vst.msk vm3, v50;
	s29 =	spop (v2sf)  }
0xc5: {  	v56 =	vld [tilespmem:s6+$0x0];
	[tilespmem:s29+$0x6380] =	vst.msk vm11, v51  }
0xc6: {  	[tilespmem:s28+$0x4F80] =	vst.msk vm3, v27;
	v27 =	vld [tilespmem:s5+$0x10]  }
0xc7: {  	v57 =	vld [tilespmem:s6+$0xFFFFFFE0];
	s30 =	spop (v2sf);
	vm3 =	vgt.s32 v52, $0xFFFFFFFF;
	s5 =	sadd.s32 $0x40, s5;
	[tilespmem:s29+$0x4F80] =	vst.msk vm11, v54  }
0xc8: {  	vm12 =	vgt.s32 v53, $0xFFFFFFFF;
	s31 =	spop (v2sf);
	[tilespmem:s30+$0x6380] =	vst.msk vm3, v52;
	v58 =	vld [tilespmem:s5+$0x0]  }
0xc9: {  	v59 =	vld [tilespmem:s6+$0xFFFFFFF0];
	[tilespmem:s31+$0x6380] =	vst.msk vm12, v53  }
0xca: {  	v60 =	vld [tilespmem:s6+$0x10];
	[tilespmem:s30+$0x4F80] =	vst.msk vm3, v55  }
0xcb: {  	vm3 =	vgt.s32 v56, $0xFFFFFFFF;
	[tilespmem:s31+$0x4F80] =	vst.msk vm12, v27;
	v27 =	vld [tilespmem:s5+$0xFFFFFFE0];
	s2 =	spop (v2sf)  }
0xcc: {  	v61 =	vld [tilespmem:s5+$0xFFFFFFF0];
	[tilespmem:s2+$0x6380] =	vst.msk vm3, v56  }
0xcd: {  	vm13 =	vgt.s32 v57, $0xFFFFFFFF;
	s4 =	spop (v2sf);
	[tilespmem:s2+$0x4F80] =	vst.msk vm3, v58  }
0xce: {  	v62 =	vld [tilespmem:s5+$0x10];
	[tilespmem:s4+$0x6380] =	vst.msk vm13, v57;
	vm3 =	vgt.s32 v59, $0xFFFFFFFF;
	s9 =	spop (v2sf)  }
0xcf: {  	[tilespmem:s9+$0x6380] =	vst.msk vm3, v59  }
0xd0: {  	[tilespmem:s4+$0x4F80] =	vst.msk vm13, v27  }
0xd1: {  	vm14 =	vgt.s32 v60, $0xFFFFFFFF;
	s10 =	spop (v2sf);
	[tilespmem:s9+$0x4F80] =	vst.msk vm3, v61  }
0xd2: {  	[tilespmem:s10+$0x6380] =	vst.msk vm14, v60  }
0xd3: {  	[tilespmem:s10+$0x4F80] =	vst.msk vm14, v62  }
0xd4: {  	v27 =	vld.idx.msk [tilespmem:v3+s0+$0x0], $0xffff;
	_ =	sdelay $0x4  }
0xd5: {  	(v2sf) =	vpush v27, $0x0;
	_ =	sdelay $0x4  }
0xd6: {  	s16 =	sadd.s32 $0xF, s3  }
0xd7: {  	s19 =	sand.u32 $0xF, s16  }
0xd8: {  	p0 =	slt.s32 s16, $0x1;
	p1 =	sne.s32 s19, $0x0;
	s20 =	sshra.s32 s16, $0x1F  }
0xd9: {  	p0 =	por !p0, !p1;
	s21 =	sshrl.u32 s20, $0x1C  }
0xda: {  	s6 =	simm.s32 $0x1;
	p0 =	por !p0, !p0;
	s5 =	sadd.s32 s21, s16  }
0xdb: {  	s6 =	simm.s32 @!p0 $0x0;
	s5 =	sshrl.u32 s5, $0x4;
	v27 =	vld [tilespmem:$0x8B00]  }
0xdc: {  	s5 =	ssub.s32 s5, s6  }
0xdd: {  	v63 =	vadd.s32 s3, v2;
	s28 =	sadd.s32 $0x1FF, s3;
	s5 =	sshll.u32 s5, $0x4  }
0xde: {  	s29 =	sand.u32 $0x1FF, s28;
	vm3 =	vlt.s32 v63, s5;
	v29 =	vld [tilespmem:$0x4F00]  }
0xdf: {  	p5 =	slt.s32 s28, $0x1;
	s30 =	sshra.s32 s28, $0x1F;
	p6 =	sne.s32 s29, $0x0  }
0xe0: {  	p0 =	por !p5, !p6;
	s31 =	sshrl.u32 s30, $0x17;
	vm15 =	vgt.s32 v27, $0xFFFFFFFF;
	s22 =	spop (v2sf)  }
0xe1: {  	p0 =	por !p0, !p0;
	s6 =	simm.s32 $0x1;
	[tilespmem:s22+$0x6380] =	vst.msk vm15, v27;
	v27 =	vmov s3;
	s3 =	sadd.s32 s31, s28  }
0xe2: {  	s6 =	simm.s32 @!p0 $0x0;
	s3 =	sshra.s32 s3, $0x9  }
0xe3: {  	s5 =	simm.s32 $0x6380;
	[tilespmem:s22+$0x4F80] =	vst.msk vm15, v29;
	s6 =	ssub.s32 s3, s6  }
0xe4: {  	s2 =	simm.s32 $0x11C80;
	[tilespmem:v63+s5+$0x0] =	vst.idx.msk vm3, v4;
	p0 =	slt.s32 s6, $0x1  }
.Ltmp3:
0xe5: {  	s4 =	simm.s32 $0x4;
	s26 =	rddreg [dreg:$0xc];
	[tilespmem:$0x11C80] =	vst v27;
	(pc) =	sbr.rel @p0 .LBB2_11-.Ltmp3, $4  }
0xe6: {  	[spmem:s26] =	stream.linear.scatter [tilespmem:s2], [sflag:$0x4], $0x10, $0x38;
	[tilespmem:$0x1C210] =	vst v63  }
0xe7: {  	_ =	swait.ge [sflag:s4], $0x10  }
0xe8: {  	[sflag:s4] =	ssyncset.done $0x0  }
0xe9: {  	s3 =	simm.s32 $0x4F80;
	[sflag:s4] =	ssyncadd.s32 $0xFFFFFFF0  }
0xea: {  	s0 =	rddreg [dreg:$0x13]  }
0xeb: {  	[spmem:s0] =	stream.linear.scatter [tilespmem:s3], [sflag:$0x4], $0x200, $0x38;
	[tilespmem:$0x1C210] =	vst v63  }
0xec: {  	p0 =	sne.s32 s6, $0x1;
	_ =	swait.ge [sflag:s4], $0x200  }
.Ltmp4:
0xed: {  	[sflag:s4] =	ssyncset.done $0x0;
	(pc) =	sbr.rel @!p0 .LBB2_10-.Ltmp4, $4  }
0xee: {  	s2 =	rddreg [dreg:$0x14];
	[sflag:s4] =	ssyncadd.s32 $0xFFFFFE00  }
0xef: {  	[spmem:s2] =	stream.linear.scatter [tilespmem:s5], [sflag:$0x4], $0x200, $0x38;
	[tilespmem:$0x1C210] =	vst v63  }
0xf0: {  	s6 =	sadd.s32 $0xFFFFFFFF, s6;
	_ =	swait.ge [sflag:s4], $0x200  }
0xf1: {  	s9 =	sadd.s32 $0x200, s0;
	s10 =	sadd.s32 $0x200, s2;
	[sflag:s4] =	ssyncset.done $0x0  }
.LBB2_9:
0xf2: {  	[sflag:s4] =	ssyncadd.s32 $0xFFFFFE00;
	s3 =	sadd.s32 $0x200, s3;
	s5 =	sadd.s32 $0x200, s5  }
0xf3: {  	[spmem:s9] =	stream.linear.scatter [tilespmem:s3], [sflag:$0x4], $0x200, $0x38;
	[tilespmem:$0x1C210] =	vst v63  }
0xf4: {  	p0 =	sne.s32 s6, $0x1;
	s6 =	sadd.s32 $0xFFFFFFFF, s6;
	_ =	swait.ge [sflag:s4], $0x200  }
.Ltmp5:
0xf5: {  	[sflag:s4] =	ssyncset.done $0x0;
	(pc) =	sbr.rel @p0 .LBB2_9-.Ltmp5, $4  }
0xf6: {  	[sflag:s4] =	ssyncadd.s32 $0xFFFFFE00  }
0xf7: {  	[spmem:s10] =	stream.linear.scatter [tilespmem:s5], [sflag:$0x4], $0x200, $0x38;
	[tilespmem:$0x1C210] =	vst v63  }
0xf8: {  	_ =	swait.ge [sflag:s4], $0x200  }
0xf9: {  	s9 =	sadd.s32 $0x200, s9;
	s10 =	sadd.s32 $0x200, s10;
	[sflag:s4] =	ssyncset.done $0x0  }
.LBB2_10:
0xfa: {  	[sflag:s4] =	ssyncadd.s32 $0xFFFFFE00  }
.LBB2_11:
0xfb: {  	[bflag:$0x0] =	sbarrier.arrive $0xFFFF  }
0xfc: {  	s2 =	simm.s32 $0x11B80;
	s0 =	rddreg [dreg:$0x3]  }
0xfd: {  	[tilespmem:s2], [sflag:$0x4] =	stream.linear.gather [spmem:s0], $0x100, $0x38;
	[tilespmem:$0x1C210] =	vst v63  }
0xfe: {  	_ =	swait.ge [sflag:s4], $0x100  }
0xff: {  	[sflag:s4] =	ssyncset.done $0x0  }
.Ltmp6:
0x100: {  	s29 =	simm.s32 $0x8D00;
	[sflag:s4] =	ssyncadd.s32 $0xFFFFFF00;
	(pc) =	sbr.rel .LBB2_13-.Ltmp6, $4  }
0x101: {  	s31 =	simm.s32 $0x9100;
	s20 =	simm.s32 $0x0;
	s28 =	rddreg [dreg:$0x4]  }
0x102: {  	[tilespmem:s29], [sflag:$0x2] =	stream.linear.gather [spmem:s28], $0x200, $0x38;
	[tilespmem:$0x1C210] =	vst v63  }
0x103: {  	p0 =	por $0x0, $0x0;
	s3 =	simm.s32 $0x0;
	s30 =	rddreg [dreg:$0x5]  }
0x104: {  	[tilespmem:s31], [sflag:$0x2] =	stream.linear.gather [spmem:s30], $0x200, $0x38;
	[tilespmem:$0x1C210] =	vst v63  }
.LBB2_12:
0x105: {  	s3 =	rddreg [dreg:$0x17]  }
0x106: {  	p1 =	seq.s32 s3, $0x10  }
.Ltmp7:
0x107: {  	_ = 	snop;
	(pc) =	sbr.rel @p1 .LBB2_27-.Ltmp7, $2  }
0x108: {  	_ =	sdelay $0x2  }
0x109: {  	p0 =	por !p0, !p0  }
.LBB2_13:
0x10a: {  	s5 =	sshll.u32 s3, $0x4  }
0x10b: {  	s5 =	sand.u32 $0x3FFFFFF0, s5  }
0x10c: {  	v27 =	vld [tilespmem:s5+$0x11B80];
	_ =	sdelay $0x4  }
0x10d: {  	(v2sf) =	vpush v27, $0x0;
	_ =	sdelay $0xe  }
0x10e: {  	s0 =	simm.s32 $0x2;
	s4 =	spop (v2sf)  }
0x10f: {  	_ =	swait.ge [sflag:s0], $0x200  }
0x110: {  	s2 =	sadd.s32 $0x1, s3;
	[sflag:s0] =	ssyncset.done $0x0  }
0x111: {  	s22 =	smin.u32 s2, $0xF;
	s6 =	sshll.u32 s2, $0x9;
	[sflag:s0] =	ssyncadd.s32 $0xFFFFFE00  }
0x112: {  	s5 =	smul.u32 $0x1400, s22;
	s6 =	sand.u32 $0x200, s6;
	_ =	swait.ge [sflag:s0], $0x200  }
0x113: {  	s10 =	sor.u32 $0x8D00, s6;
	s9 =	sadd.s32 $0x1FF, s4;
	[sflag:s0] =	ssyncset.done $0x0  }
0x114: {  	s26 =	sand.u32 $0x1FF, s9;
	s28 =	sshra.s32 s9, $0x1F;
	[sflag:s0] =	ssyncadd.s32 $0xFFFFFE00  }
0x115: {  	p1 =	slt.s32 s9, $0x1;
	p2 =	sne.s32 s26, $0x0;
	s0 =	rddreg [dreg:$0x4]  }
0x116: {  	s29 =	sshrl.u32 s28, $0x17;
	p1 =	por !p1, !p2;
	s16 =	sadd.s32 s5, s0  }
0x117: {  	[tilespmem:s10], [sflag:$0x2] =	stream.linear.gather [spmem:s16], $0x200, $0x38;
	[tilespmem:$0x1C210] =	vst v63  }
0x118: {  	s9 =	sadd.s32 s29, s9;
	p1 =	por !p1, !p1;
	s10 =	simm.s32 $0x1  }
0x119: {  	s9 =	sshra.s32 s9, $0x9;
	s10 =	simm.s32 @!p1 $0x0  }
0x11a: {  	s30 =	ssub.s32 s9, s10  }
0x11b: {  	p1 =	slt.s32 s30, $0x1  }
.Ltmp8:
0x11c: {  	[dreg:$0x17] =	wrdreg s2;
	(pc) =	sbr.rel @p1 .LBB2_12-.Ltmp8, $4  }
0x11d: {  	s31 =	rddreg [dreg:$0x5]  }
0x11e: {  	s6 =	sor.u32 $0x9100, s6;
	[dreg:$0x18] =	wrdreg s4;
	s5 =	sadd.s32 s5, s31  }
0x11f: {  	[tilespmem:s6], [sflag:$0x2] =	stream.linear.gather [spmem:s5], $0x200, $0x38;
	[tilespmem:$0x1C210] =	vst v63  }
0x120: {  	[dreg:$0x19] =	wrdreg s30  }
0x121: {  	s0 =	smul.u32 $0x1400, s3  }
.Ltmp9:
0x122: {  	s6 =	sshll.u32 s3, $0x9;
	(pc) =	sbr.rel .LBB2_15-.Ltmp9, $4  }
0x123: {  	s6 =	sand.u32 $0x200, s6  }
0x124: {  	s5 =	simm.s32 $0x1;
	[dreg:$0x1a] =	wrdreg s0;
	s30 =	sadd.s32 $0x8D00, s6  }
0x125: {  	s5 =	simm.s32 @!p0 $0x0;
	s31 =	sadd.s32 $0x9100, s6;
	[dreg:$0x1b] =	wrdreg s30  }
0x126: {  	s10 =	simm.s32 $0x0;
	s19 =	sshll.u32 s5, $0x9;
	[dreg:$0x1c] =	wrdreg s31  }
.LBB2_26:
0x127: {  	s0 =	sshll.u32 s29, $0x7  }
0x128: {  	v27 =	vld [tilespmem:s0+$0x9500];
	_ =	sdelay $0x4  }
0x129: {  	[tilespmem:$0x9500] =	vst v27  }
0x12a: {  	v27 =	vld [tilespmem:s0+$0x9800];
	_ =	sdelay $0x4  }
0x12b: {  	[tilespmem:$0x9800] =	vst v27  }
0x12c: {  	v27 =	vld [tilespmem:s0+$0x9510];
	_ =	sdelay $0x4  }
0x12d: {  	[tilespmem:$0x9510] =	vst v27  }
0x12e: {  	v27 =	vld [tilespmem:s0+$0x9810];
	_ =	sdelay $0x4  }
0x12f: {  	[tilespmem:$0x9810] =	vst v27  }
0x130: {  	v27 =	vld [tilespmem:s0+$0x9520];
	_ =	sdelay $0x4  }
0x131: {  	[tilespmem:$0x9520] =	vst v27  }
0x132: {  	v27 =	vld [tilespmem:s0+$0x9820];
	_ =	sdelay $0x4  }
0x133: {  	[tilespmem:$0x9820] =	vst v27  }
0x134: {  	v27 =	vld [tilespmem:s0+$0x9530];
	_ =	sdelay $0x4  }
0x135: {  	[tilespmem:$0x9530] =	vst v27  }
0x136: {  	v27 =	vld [tilespmem:s0+$0x9830];
	_ =	sdelay $0x4  }
0x137: {  	[tilespmem:$0x9830] =	vst v27  }
0x138: {  	v27 =	vld [tilespmem:s0+$0x9540];
	_ =	sdelay $0x4  }
0x139: {  	[tilespmem:$0x9540] =	vst v27  }
0x13a: {  	v27 =	vld [tilespmem:s0+$0x9840];
	_ =	sdelay $0x4  }
0x13b: {  	[tilespmem:$0x9840] =	vst v27  }
0x13c: {  	v27 =	vld [tilespmem:s0+$0x9550];
	_ =	sdelay $0x4  }
0x13d: {  	[tilespmem:$0x9550] =	vst v27  }
0x13e: {  	v27 =	vld [tilespmem:s0+$0x9850];
	_ =	sdelay $0x4  }
0x13f: {  	[tilespmem:$0x9850] =	vst v27  }
0x140: {  	v27 =	vld [tilespmem:s0+$0x9560];
	_ =	sdelay $0x4  }
0x141: {  	[tilespmem:$0x9560] =	vst v27  }
0x142: {  	v27 =	vld [tilespmem:s0+$0x9860];
	_ =	sdelay $0x4  }
0x143: {  	[tilespmem:$0x9860] =	vst v27  }
0x144: {  	v27 =	vld [tilespmem:s0+$0x9570];
	_ =	sdelay $0x4  }
0x145: {  	s10 =	sadd.s32 $0x1, s10;
	s2 =	rddreg [dreg:$0x19];
	[tilespmem:$0x9570] =	vst v27  }
0x146: {  	p1 =	seq.s32 s10, s2;
	v27 =	vld [tilespmem:s0+$0x9870]  }
.Ltmp10:
0x147: {  	_ = 	snop;
	(pc) =	sbr.rel @p1 .LBB2_12-.Ltmp10, $2  }
0x148: {  	_ =	sdelay $0x2  }
0x149: {  	s20 =	ssub.s32 s20, s0;
	[tilespmem:$0x9870] =	vst v27  }
.LBB2_15:
0x14a: {  	p1 =	seq.s32 s10, $0x0  }
0x14b: {  	s0 =	rddreg [dreg:$0x1a];
	s3 =	sshll.u32 @!p1 s10, $0x9  }
0x14c: {  	s5 =	sadd.s32 @!p1 s0, s3;
	s0 =	rddreg [dreg:$0x4]  }
0x14d: {  	s6 =	sadd.s32 @!p1 s5, s0;
	s0 =	rddreg [dreg:$0x1b]  }
0x14e: {  	[tilespmem:s0], [sflag:$0x4] =	stream.linear.gather @!p1 [spmem:s6], $0x200, $0x38;
	[tilespmem:$0x1C210] =	vst v63  }
0x14f: {  	s6 =	simm.s32 @!p1 $0x4  }
0x150: {  	_ =	swait.ge @!p1 [sflag:s6], $0x200  }
0x151: {  	s3 =	simm.s32 @p1 $0x0;
	[sflag:s6] =	ssyncset.done @!p1 $0x0;
	s29 =	rddreg [dreg:$0x18]  }
0x152: {  	[sflag:s6] =	ssyncadd.s32 @!p1 $0xFFFFFE00;
	s3 =	ssub.s32 s29, s3  }
0x153: {  	s0 =	rddreg [dreg:$0x5];
	p2 =	slt.s32 s3, $0x200;
	p3 =	slt.s32 s3, $0xFFFFFFF2  }
0x154: {  	s5 =	sadd.s32 @!p1 s5, s0;
	s0 =	rddreg [dreg:$0x1c];
	s3 =	simm.s32 @!p2 $0x200  }
0x155: {  	[tilespmem:s0], [sflag:$0x4] =	stream.linear.gather @!p1 [spmem:s5], $0x200, $0x38;
	[tilespmem:$0x1C210] =	vst v63  }
0x156: {  	s3 =	sadd.s32 $0xF, s3  }
0x157: {  	s30 =	sand.u32 $0xF, s3  }
0x158: {  	s31 =	sshra.s32 s3, $0x1F;
	p6 =	sne.s32 s30, $0x0  }
0x159: {  	s5 =	sshrl.u32 s31, $0x1C;
	p2 =	por !p3, !p6  }
0x15a: {  	s3 =	sadd.s32 s5, s3;
	s5 =	simm.s32 $0x1;
	p2 =	por !p2, !p2  }
0x15b: {  	s3 =	sshra.s32 s3, $0x4;
	s5 =	simm.s32 @!p2 $0x0  }
0x15c: {  	s3 =	ssub.s32 s3, s5  }
0x15d: {  	p2 =	slt.s32 s3, $0x1  }
.Ltmp11:
0x15e: {  	_ = 	snop;
	(pc) =	sbr.rel @p2 .LBB2_22-.Ltmp11, $4  }
0x15f: {  	_ = 	snop  }
0x160: {  	_ =	swait.ge @!p1 [sflag:s6], $0x200  }
0x161: {  	[sflag:s6] =	ssyncset.done @!p1 $0x0  }
0x162: {  	[sflag:s6] =	ssyncadd.s32 @!p1 $0xFFFFFE00  }
0x163: {  	p2 =	sne.s32 s3, $0x1  }
.Ltmp12:
0x164: {  	_ = 	snop;
	(pc) =	sbr.rel @!p2 .LBB2_17-.Ltmp12, $3  }
0x165: {  	_ =	sdelay $0x1  }
0x166: {  	s0 =	simm.s32 $0x0  }
0x167: {  	s3 =	sadd.s32 $0xFFFFFFFF, s3;
	p1 =	por $0x0, $0x0;
	s9 =	sadd.s32 s0, s19  }
0x168: {  	s5 =	sand.u32 $0xFFFFFF80, s9;
	s6 =	sand.u32 $0x70, s0  }
0x169: {  	s5 =	sor.u32 s6, s5  }
0x16a: {  	v27 =	vld [tilespmem:s5+$0x9100];
	_ =	sdelay $0x4  }
0x16b: {  	vm3 =	vge.s32 v27, v0;
	vm4 =	vlt.s32 v27, v1  }
0x16c: {  	vm3 =	vmand vm3, vm4  }
0x16d: {  	v29 =	vmpcnt.ones.xlane vm3  }
0x16e: {  	p2 =	sne.s32 s3, $0x1;
	v28 =	vld [tilespmem:s5+$0x8D00]  }
.Ltmp13:
0x16f: {  	(v2sf) =	vpush v29, $0x0;
	(pc) =	sbr.rel @!p2 .LBB2_19-.Ltmp13, $4  }
0x170: {  	_ = 	snop  }
0x171: {  	v27 =	vsub.s32 v27, v0  }
0x172: {  	p1 =	por $0x1, $0x1;
	s5 =	sadd.s32 $0x10, s0;
	[tilespmem:s20+$0x9800] =	vst.msk vm3, v27  }
0x173: {  	s6 =	sadd.s32 $0xFFFFFFFF, s3;
	s3 =	smov.u32 s20;
	s9 =	sadd.s32 s5, s19;
	[tilespmem:s20+$0x9500] =	vst.msk vm3, v28  }
.LBB2_20:
0x174: {  	p2 =	sne.s32 s6, $0x1;
	s9 =	sand.u32 $0xFFFFFF80, s9;
	s16 =	sand.u32 $0x70, s5  }
0x175: {  	s9 =	sor.u32 s16, s9  }
0x176: {  	v27 =	vld [tilespmem:s9+$0x9100];
	_ =	sdelay $0x4  }
0x177: {  	vm3 =	vge.s32 v27, v0;
	vm4 =	vlt.s32 v27, v1;
	v27 =	vsub.s32 v27, v0  }
0x178: {  	v28 =	vld [tilespmem:s9+$0x8D00];
	vm3 =	vmand vm3, vm4  }
0x179: {  	v29 =	vmpcnt.ones.xlane vm3  }
0x17a: {  	s9 =	spop (v2sf)  }
.Ltmp14:
0x17b: {  	(v2sf) =	vpush v29, $0x0;
	s3 =	sadd.s32 s3, s9;
	(pc) =	sbr.rel @p2 .LBB2_20-.Ltmp14, $4  }
0x17c: {  	[tilespmem:s3+$0x9800] =	vst.msk vm3, v27  }
0x17d: {  	[tilespmem:s3+$0x9500] =	vst.msk vm3, v28  }
0x17e: {  	s5 =	sadd.s32 $0x10, s5  }
0x17f: {  	s6 =	sadd.s32 $0xFFFFFFFF, s6;
	s9 =	sadd.s32 s5, s19  }
.LBB2_21:
0x180: {  	s6 =	sand.u32 $0xFFFFFF80, s9;
	s5 =	sand.u32 $0x70, s5  }
0x181: {  	s5 =	sor.u32 s5, s6  }
0x182: {  	v27 =	vld [tilespmem:s5+$0x9100];
	_ =	sdelay $0x4  }
0x183: {  	vm3 =	vge.s32 v27, v0;
	vm4 =	vlt.s32 v27, v1  }
0x184: {  	vm3 =	vmand vm3, vm4  }
0x185: {  	v28 =	vmpcnt.ones.xlane vm3;
	_ =	sdelay $0x1  }
0x186: {  	(v2sf) =	vpush v28, $0x0;
	_ =	sdelay $0xa  }
0x187: {  	v63 =	vld [tilespmem:s5+$0x8D00]  }
0x188: {  	s5 =	spop @p1 (v2sf)  }
0x189: {  	s3 =	sadd.s32 @p1 s3, s5  }
0x18a: {  	v27 =	vsub.s32 v27, v0;
	s20 =	smov.u32 @p1 s3  }
0x18b: {  	[tilespmem:s20+$0x9800] =	vst.msk vm3, v27;
	s31 =	spop (v2sf)  }
0x18c: {  	[tilespmem:s20+$0x9500] =	vst.msk vm3, v63;
	s20 =	sadd.s32 s20, s31  }
.LBB2_22:
0x18d: {  	s3 =	sand.u32 $0x7F, s20  }
0x18e: {  	s5 =	sshra.s32 s20, $0x1F;
	p1 =	slt.s32 s20, $0x1;
	p2 =	sne.s32 s3, $0x0  }
0x18f: {  	s31 =	sshrl.u32 s5, $0x19;
	p1 =	por !p1, !p2  }
0x190: {  	s5 =	simm.s32 $0x1;
	s3 =	sadd.s32 s31, s20;
	p1 =	por !p1, !p1  }
0x191: {  	s3 =	sshra.s32 s3, $0x7;
	s5 =	simm.s32 @!p1 $0x0  }
0x192: {  	s29 =	ssub.s32 s3, s5  }
0x193: {  	p1 =	slt.s32 s29, $0x1  }
.Ltmp15:
0x194: {  	_ = 	snop;
	(pc) =	sbr.rel @p1 .LBB2_26-.Ltmp15, $2  }
0x195: {  	_ =	sdelay $0x2  }
0x196: {  	s21 =	simm.s32 $0x0;
	s3 =	simm.s32 $0x0;
	s5 =	simm.s32 $0x0  }
.LBB2_23:
0x197: {  	s6 =	sshll.u32 s5, $0x9  }
0x198: {  	s6 =	sshra.s32 s6, $0x2  }
0x199: {  	v27 =	vld [tilespmem:s6+$0x9500];
	_ =	sdelay $0x4  }
0x19a: {  	[tilespmem:$0x9B00] =	vst v27  }
0x19b: {  	v28 =	vld [tilespmem:s6+$0x9510];
	_ =	sdelay $0x4  }
0x19c: {  	[tilespmem:$0x9B10] =	vst v28  }
0x19d: {  	v28 =	vld [tilespmem:s6+$0x9520];
	_ =	sdelay $0x4  }
0x19e: {  	[tilespmem:$0x9B20] =	vst v28  }
0x19f: {  	v28 =	vld [tilespmem:s6+$0x9530];
	_ =	sdelay $0x4  }
0x1a0: {  	[tilespmem:$0x9B30] =	vst v28  }
0x1a1: {  	v28 =	vld [tilespmem:s6+$0x9540];
	_ =	sdelay $0x4  }
0x1a2: {  	[tilespmem:$0x9B40] =	vst v28  }
0x1a3: {  	v28 =	vld [tilespmem:s6+$0x9550];
	_ =	sdelay $0x4  }
0x1a4: {  	[tilespmem:$0x9B50] =	vst v28  }
0x1a5: {  	v28 =	vld [tilespmem:s6+$0x9560];
	_ =	sdelay $0x1  }
0x1a6: {  	v29 =	vshll.u32 v27, $0x1  }
0x1a7: {  	v27 =	vand.u32 $0x7, v27;
	v29 =	vand.u32 $0xFFFFFFF0, v29  }
0x1a8: {  	v27 =	vor.u32 v27, v29  }
0x1a9: {  	v55 =	vperm.xlane v27, v5;
	[tilespmem:$0x9B60] =	vst v28  }
0x1aa: {  	v56 =	vld [tilespmem:s6+$0x9570]  }
0x1ab: {  	v27 =	vperm.xlane v27, v7;
	v28 =	vadd.s32 v6, v55;
	_ =	sdelay $0x1  }
0x1ac: {  	v27 =	vadd.s32 v6, v27;
	_ =	sdelay $0x1  }
0x1ad: {  	s0 =	simm.s32 $0x9B80;
	[tilespmem:$0x9B70] =	vst v56  }
0x1ae: {  	[tilespmem:s0], [sflag:$0x1] =	stream.indirect_vreg.gather [hbm4b:s1+s21], $0x80, v28, vm2, $0xb8;
	[tilespmem:$0x1C210] =	vst v63  }
0x1af: {  	s16 =	simm.s32 $0xA380  }
0x1b0: {  	[tilespmem:s16], [sflag:$0x1] =	stream.indirect_vreg.gather [hbm4b:s1+s21], $0x80, v27, vm2, $0xb8;
	[tilespmem:$0x1C210] =	vst v63  }
0x1b1: {  	v27 =	vld [tilespmem:$0x9B10];
	_ =	sdelay $0x4  }
0x1b2: {  	v57 =	vshll.u32 v27, $0x1  }
0x1b3: {  	v27 =	vand.u32 $0x7, v27;
	v28 =	vand.u32 $0xFFFFFFF0, v57  }
0x1b4: {  	v27 =	vor.u32 v27, v28  }
0x1b5: {  	v28 =	vperm.xlane v27, v5;
	_ =	sdelay $0x1  }
0x1b6: {  	v27 =	vperm.xlane v27, v7;
	v28 =	vadd.s32 v6, v28;
	_ =	sdelay $0x1  }
0x1b7: {  	v27 =	vadd.s32 v6, v27;
	_ =	sdelay $0x1  }
0x1b8: {  	s22 =	simm.s32 $0xAB80  }
0x1b9: {  	[tilespmem:s22], [sflag:$0x1] =	stream.indirect_vreg.gather [hbm4b:s1+s21], $0x80, v28, vm2, $0xb8;
	[tilespmem:$0x1C210] =	vst v63  }
0x1ba: {  	s26 =	simm.s32 $0xB380  }
0x1bb: {  	[tilespmem:s26], [sflag:$0x1] =	stream.indirect_vreg.gather [hbm4b:s1+s21], $0x80, v27, vm2, $0xb8;
	[tilespmem:$0x1C210] =	vst v63  }
0x1bc: {  	v27 =	vld [tilespmem:$0x9B20];
	_ =	sdelay $0x4  }
0x1bd: {  	v58 =	vshll.u32 v27, $0x1  }
0x1be: {  	v27 =	vand.u32 $0x7, v27;
	v28 =	vand.u32 $0xFFFFFFF0, v58  }
0x1bf: {  	v27 =	vor.u32 v27, v28  }
0x1c0: {  	v28 =	vperm.xlane v27, v5;
	_ =	sdelay $0x1  }
0x1c1: {  	v27 =	vperm.xlane v27, v7;
	v28 =	vadd.s32 v6, v28;
	_ =	sdelay $0x1  }
0x1c2: {  	v27 =	vadd.s32 v6, v27;
	_ =	sdelay $0x1  }
0x1c3: {  	s28 =	simm.s32 $0xBB80  }
0x1c4: {  	[tilespmem:s28], [sflag:$0x1] =	stream.indirect_vreg.gather [hbm4b:s1+s21], $0x80, v28, vm2, $0xb8;
	[tilespmem:$0x1C210] =	vst v63  }
0x1c5: {  	s30 =	simm.s32 $0xC380  }
0x1c6: {  	[tilespmem:s30], [sflag:$0x1] =	stream.indirect_vreg.gather [hbm4b:s1+s21], $0x80, v27, vm2, $0xb8;
	[tilespmem:$0x1C210] =	vst v63  }
0x1c7: {  	v27 =	vld [tilespmem:$0x9B30];
	_ =	sdelay $0x4  }
0x1c8: {  	v59 =	vshll.u32 v27, $0x1  }
0x1c9: {  	v27 =	vand.u32 $0x7, v27;
	v28 =	vand.u32 $0xFFFFFFF0, v59  }
0x1ca: {  	v27 =	vor.u32 v27, v28  }
0x1cb: {  	v28 =	vperm.xlane v27, v5;
	_ =	sdelay $0x1  }
0x1cc: {  	v27 =	vperm.xlane v27, v7;
	v28 =	vadd.s32 v6, v28;
	_ =	sdelay $0x1  }
0x1cd: {  	v27 =	vadd.s32 v6, v27;
	_ =	sdelay $0x1  }
0x1ce: {  	s31 =	simm.s32 $0xCB80  }
0x1cf: {  	[tilespmem:s31], [sflag:$0x1] =	stream.indirect_vreg.gather [hbm4b:s1+s21], $0x80, v28, vm2, $0xb8;
	[tilespmem:$0x1C210] =	vst v63  }
0x1d0: {  	_ = 	snop  }
0x1d1: {  	[tilespmem:s7], [sflag:$0x1] =	stream.indirect_vreg.gather [hbm4b:s1+s21], $0x80, v27, vm2, $0xb8;
	[tilespmem:$0x1C210] =	vst v63  }
0x1d2: {  	v27 =	vld [tilespmem:$0x9B40];
	_ =	sdelay $0x4  }
0x1d3: {  	v60 =	vshll.u32 v27, $0x1  }
0x1d4: {  	v27 =	vand.u32 $0x7, v27;
	v28 =	vand.u32 $0xFFFFFFF0, v60  }
0x1d5: {  	v27 =	vor.u32 v27, v28  }
0x1d6: {  	v28 =	vperm.xlane v27, v5;
	_ =	sdelay $0x1  }
0x1d7: {  	v27 =	vperm.xlane v27, v7;
	v28 =	vadd.s32 v6, v28;
	_ =	sdelay $0x1  }
0x1d8: {  	v27 =	vadd.s32 v6, v27;
	_ =	sdelay $0x2  }
0x1d9: {  	[tilespmem:s8], [sflag:$0x1] =	stream.indirect_vreg.gather [hbm4b:s1+s21], $0x80, v28, vm2, $0xb8;
	[tilespmem:$0x1C210] =	vst v63  }
0x1da: {  	_ = 	snop  }
0x1db: {  	[tilespmem:s11], [sflag:$0x1] =	stream.indirect_vreg.gather [hbm4b:s1+s21], $0x80, v27, vm2, $0xb8;
	[tilespmem:$0x1C210] =	vst v63  }
0x1dc: {  	v27 =	vld [tilespmem:$0x9B50];
	_ =	sdelay $0x4  }
0x1dd: {  	v61 =	vshll.u32 v27, $0x1  }
0x1de: {  	v27 =	vand.u32 $0x7, v27;
	v28 =	vand.u32 $0xFFFFFFF0, v61  }
0x1df: {  	v27 =	vor.u32 v27, v28  }
0x1e0: {  	v28 =	vperm.xlane v27, v5;
	_ =	sdelay $0x1  }
0x1e1: {  	v27 =	vperm.xlane v27, v7;
	v28 =	vadd.s32 v6, v28;
	_ =	sdelay $0x1  }
0x1e2: {  	v27 =	vadd.s32 v6, v27;
	_ =	sdelay $0x2  }
0x1e3: {  	[tilespmem:s12], [sflag:$0x1] =	stream.indirect_vreg.gather [hbm4b:s1+s21], $0x80, v28, vm2, $0xb8;
	[tilespmem:$0x1C210] =	vst v63  }
0x1e4: {  	_ = 	snop  }
0x1e5: {  	[tilespmem:s13], [sflag:$0x1] =	stream.indirect_vreg.gather [hbm4b:s1+s21], $0x80, v27, vm2, $0xb8;
	[tilespmem:$0x1C210] =	vst v63  }
0x1e6: {  	v27 =	vld [tilespmem:$0x9B60];
	_ =	sdelay $0x4  }
0x1e7: {  	v62 =	vshll.u32 v27, $0x1  }
0x1e8: {  	v27 =	vand.u32 $0x7, v27;
	v28 =	vand.u32 $0xFFFFFFF0, v62  }
0x1e9: {  	v27 =	vor.u32 v27, v28  }
0x1ea: {  	v28 =	vperm.xlane v27, v5;
	_ =	sdelay $0x1  }
0x1eb: {  	v27 =	vperm.xlane v27, v7;
	v28 =	vadd.s32 v6, v28;
	_ =	sdelay $0x1  }
0x1ec: {  	v27 =	vadd.s32 v6, v27;
	_ =	sdelay $0x2  }
0x1ed: {  	[tilespmem:s14], [sflag:$0x1] =	stream.indirect_vreg.gather [hbm4b:s1+s21], $0x80, v28, vm2, $0xb8;
	[tilespmem:$0x1C210] =	vst v63  }
0x1ee: {  	_ = 	snop  }
0x1ef: {  	[tilespmem:s15], [sflag:$0x1] =	stream.indirect_vreg.gather [hbm4b:s1+s21], $0x80, v27, vm2, $0xb8;
	[tilespmem:$0x1C210] =	vst v63  }
0x1f0: {  	v27 =	vld [tilespmem:$0x9B70];
	_ =	sdelay $0x4  }
0x1f1: {  	v63 =	vshll.u32 v27, $0x1  }
0x1f2: {  	v27 =	vand.u32 $0x7, v27;
	v28 =	vand.u32 $0xFFFFFFF0, v63  }
0x1f3: {  	v27 =	vor.u32 v27, v28  }
0x1f4: {  	v28 =	vperm.xlane v27, v5;
	_ =	sdelay $0x1  }
0x1f5: {  	v27 =	vperm.xlane v27, v7;
	v28 =	vadd.s32 v6, v28;
	_ =	sdelay $0x1  }
0x1f6: {  	v27 =	vadd.s32 v6, v27;
	_ =	sdelay $0x2  }
0x1f7: {  	[tilespmem:s17], [sflag:$0x1] =	stream.indirect_vreg.gather [hbm4b:s1+s21], $0x80, v28, vm2, $0xb8;
	[tilespmem:$0x1C210] =	vst v63  }
0x1f8: {  	_ = 	snop  }
0x1f9: {  	[tilespmem:s18], [sflag:$0x1] =	stream.indirect_vreg.gather [hbm4b:s1+s21], $0x80, v27, vm2, $0xb8;
	[tilespmem:$0x1C210] =	vst v63  }
0x1fa: {  	s9 =	simm.s32 $0x180;
	p1 =	por $0x0, $0x0;
	_ =	swait.ge [sflag:s25], $0x8000  }
0x1fb: {  	s6 =	simm.s32 $0xFFFFFFFC;
	s16 =	simm.s32 $0x0;
	[sflag:s25] =	ssyncset.done $0x0  }
0x1fc: {  	s22 =	simm.s32 $0x0;
	s26 =	simm.s32 $0x0;
	[sflag:s25] =	ssyncadd.s32 $0xFFFF8000  }
.LBB2_24:
0x1fd: {  	s31 =	sadd.s32 s6, s3  }
0x1fe: {  	s28 =	sadd.s32 $0x4, s31  }
0x1ff: {  	v27 =	vmov s28  }
0x200: {  	v27 =	vand.u32 $0xFFFFFFFC, v27  }
0x201: {  	s0 =	sand.u32 $0x7800, s26;
	s30 =	sadd.s32 $0xFFFFFE80, s9;
	v27 =	vbroadcast v27, $0x0  }
0x202: {  	s2 =	sand.u32 $0x200, s30;
	s30 =	sadd.s32 $0x9B80, s0  }
0x203: {  	s2 =	sadd.s32 s2, s30  }
0x204: {  	v47 =	vld [tilespmem:s2+$0x0]  }
0x205: {  	v48 =	vld [tilespmem:s2+$0x10]  }
0x206: {  	v30 =	vld [tilespmem:s2+$0x20]  }
0x207: {  	v27 =	vld.idx.msk [tilespmem:v27+s23+$0x0], $0xffff  }
0x208: {  	s28 =	simm.s32 $0x1;
	v32 =	vld [tilespmem:s2+$0x30]  }
0x209: {  	v34 =	vld [tilespmem:s2+$0x40];
	s28 =	simm.s32 @!p1 $0x0  }
0x20a: {  	v36 =	vld [tilespmem:s2+$0x50];
	s28 =	sshll.u32 s28, $0x9  }
0x20b: {  	v50 =	vld [tilespmem:s2+$0x60];
	s28 =	sadd.s32 s28, s26  }
0x20c: {  	v52 =	vld [tilespmem:s2+$0x70];
	s4 =	sor.u32 $0x400, s28;
	v28 =	vshrl.u32 v27, $0x3  }
0x20d: {  	s0 =	sor.u32 $0x410, s28;
	v54 =	vld [tilespmem:s4+$0x9B80];
	v27 =	vshll.u32 v27, $0x7;
	v28 =	vmul.u32 $0xC00, v28  }
0x20e: {  	v56 =	vld [tilespmem:s0+$0x9B80];
	s4 =	sor.u32 $0x420, s28;
	v27 =	vand.u32 $0x380, v27  }
0x20f: {  	s0 =	sor.u32 $0x430, s28;
	v58 =	vld [tilespmem:s4+$0x9B80];
	v27 =	vor.u32 v27, v28  }
0x210: {  	v60 =	vld [tilespmem:s0+$0x9B80];
	s4 =	sor.u32 $0x440, s28;
	v29 =	vor.u32 v2, v27  }
0x211: {  	s0 =	sor.u32 $0x450, s28;
	v62 =	vld [tilespmem:s4+$0x9B80];
	v49 =	vor.u32 v8, v27  }
0x212: {  	v40 =	vld [tilespmem:s0+$0x9B80];
	s4 =	sor.u32 $0x460, s28;
	v31 =	vor.u32 v9, v27  }
0x213: {  	s28 =	sor.u32 $0x470, s28;
	v42 =	vld [tilespmem:s4+$0x9B80];
	v33 =	vor.u32 v10, v27  }
0x214: {  	v45 =	vld [tilespmem:s28+$0x9B80];
	v35 =	vor.u32 v11, v27  }
0x215: {  	v37 =	vor.u32 v12, v27;
	[tilespmem:v29+s24+$0x0] =	vst.idx.add.f32.msk $0xffff, v47  }
0x216: {  	v51 =	vor.u32 v13, v27;
	[tilespmem:v49+s24+$0x0] =	vst.idx.add.f32.msk $0xffff, v48  }
0x217: {  	v53 =	vor.u32 v14, v27;
	[tilespmem:v31+s24+$0x0] =	vst.idx.add.f32.msk $0xffff, v30  }
0x218: {  	v55 =	vadd.s32 v15, v27;
	[tilespmem:v33+s24+$0x0] =	vst.idx.add.f32.msk $0xffff, v32  }
0x219: {  	v57 =	vadd.s32 v16, v27;
	[tilespmem:v35+s24+$0x0] =	vst.idx.add.f32.msk $0xffff, v34  }
0x21a: {  	v59 =	vadd.s32 v17, v27;
	[tilespmem:v37+s24+$0x0] =	vst.idx.add.f32.msk $0xffff, v36  }
0x21b: {  	v61 =	vadd.s32 v18, v27;
	[tilespmem:v51+s24+$0x0] =	vst.idx.add.f32.msk $0xffff, v50  }
0x21c: {  	v63 =	vadd.s32 v19, v27;
	[tilespmem:v53+s24+$0x0] =	vst.idx.add.f32.msk $0xffff, v52  }
0x21d: {  	v41 =	vadd.s32 v20, v27;
	[tilespmem:v55+s24+$0x0] =	vst.idx.add.f32.msk $0xffff, v54  }
0x21e: {  	s0 =	sadd.s32 $0x5, s31;
	v43 =	vadd.s32 v21, v27;
	[tilespmem:v57+s24+$0x0] =	vst.idx.add.f32.msk $0xffff, v56  }
0x21f: {  	v44 =	vmov s0;
	v38 =	vadd.s32 v22, v27;
	[tilespmem:v59+s24+$0x0] =	vst.idx.add.f32.msk $0xffff, v58  }
0x220: {  	v27 =	vadd.s32 v23, v27;
	v36 =	vand.u32 $0xFFFFFFFD, v44;
	[tilespmem:v61+s24+$0x0] =	vst.idx.add.f32.msk $0xffff, v60  }
0x221: {  	[tilespmem:v63+s24+$0x0] =	vst.idx.add.f32.msk $0xffff, v62;
	v46 =	vbroadcast v36, $0x0  }
0x222: {  	[tilespmem:v41+s24+$0x0] =	vst.idx.add.f32.msk $0xffff, v40  }
0x223: {  	s4 =	sadd.s32 $0xFFFFFF00, s9;
	[tilespmem:v43+s24+$0x0] =	vst.idx.add.f32.msk $0xffff, v42  }
0x224: {  	s0 =	sand.u32 $0x280, s4;
	[tilespmem:v38+s24+$0x0] =	vst.idx.add.f32.msk $0xffff, v45  }
0x225: {  	s0 =	sadd.s32 s0, s30;
	[tilespmem:v27+s24+$0x0] =	vst.idx.add.f32.msk $0xffff, v24  }
0x226: {  	v47 =	vld [tilespmem:s0+$0x0]  }
0x227: {  	v27 =	vld.idx.msk [tilespmem:v46+s23+$0x0], $0xffff  }
0x228: {  	v49 =	vld [tilespmem:s0+$0x10]  }
0x229: {  	v30 =	vld [tilespmem:s0+$0x20]  }
0x22a: {  	s28 =	sand.u32 $0x7, s22;
	v32 =	vld [tilespmem:s0+$0x30]  }
0x22b: {  	s2 =	sshll.u32 s28, $0x7;
	v34 =	vld [tilespmem:s0+$0x40]  }
0x22c: {  	s28 =	sadd.s32 s26, s2;
	v54 =	vld [tilespmem:s0+$0x50];
	v28 =	vshrl.u32 v27, $0x3  }
0x22d: {  	s2 =	sadd.s32 $0x80, s28;
	v56 =	vld [tilespmem:s0+$0x60];
	v27 =	vshll.u32 v27, $0x7;
	v28 =	vmul.u32 $0xC00, v28  }
0x22e: {  	s4 =	sor.u32 $0x400, s2;
	v58 =	vld [tilespmem:s0+$0x70];
	v27 =	vand.u32 $0x380, v27  }
0x22f: {  	v60 =	vld [tilespmem:s4+$0x9B80];
	s4 =	sor.u32 $0x410, s2;
	v27 =	vor.u32 v27, v28  }
0x230: {  	v62 =	vld [tilespmem:s4+$0x9B80];
	s4 =	sor.u32 $0x420, s2;
	v48 =	vor.u32 v2, v27  }
0x231: {  	v40 =	vld [tilespmem:s4+$0x9B80];
	s4 =	sor.u32 $0x430, s2;
	v50 =	vor.u32 v8, v27  }
0x232: {  	v42 =	vld [tilespmem:s4+$0x9B80];
	s4 =	sor.u32 $0x440, s2;
	v51 =	vor.u32 v9, v27  }
0x233: {  	v44 =	vld [tilespmem:s4+$0x9B80];
	s4 =	sor.u32 $0x450, s2;
	v52 =	vor.u32 v10, v27  }
0x234: {  	v46 =	vld [tilespmem:s4+$0x9B80];
	v53 =	vor.u32 v11, v27  }
0x235: {  	v55 =	vor.u32 v12, v27;
	[tilespmem:v48+s24+$0x0] =	vst.idx.add.f32.msk $0xffff, v47  }
0x236: {  	v57 =	vor.u32 v13, v27;
	[tilespmem:v50+s24+$0x0] =	vst.idx.add.f32.msk $0xffff, v49  }
0x237: {  	v59 =	vor.u32 v14, v27;
	[tilespmem:v51+s24+$0x0] =	vst.idx.add.f32.msk $0xffff, v30  }
0x238: {  	v61 =	vadd.s32 v15, v27;
	[tilespmem:v52+s24+$0x0] =	vst.idx.add.f32.msk $0xffff, v32  }
0x239: {  	v63 =	vadd.s32 v16, v27;
	[tilespmem:v53+s24+$0x0] =	vst.idx.add.f32.msk $0xffff, v34  }
0x23a: {  	v41 =	vadd.s32 v17, v27;
	[tilespmem:v55+s24+$0x0] =	vst.idx.add.f32.msk $0xffff, v54  }
0x23b: {  	[tilespmem:v57+s24+$0x0] =	vst.idx.add.f32.msk $0xffff, v56  }
0x23c: {  	[tilespmem:v59+s24+$0x0] =	vst.idx.add.f32.msk $0xffff, v58  }
0x23d: {  	v43 =	vadd.s32 v18, v27;
	[tilespmem:v61+s24+$0x0] =	vst.idx.add.f32.msk $0xffff, v60  }
0x23e: {  	v45 =	vadd.s32 v19, v27;
	[tilespmem:v63+s24+$0x0] =	vst.idx.add.f32.msk $0xffff, v62  }
0x23f: {  	s0 =	sor.u32 $0x460, s2;
	[tilespmem:v41+s24+$0x0] =	vst.idx.add.f32.msk $0xffff, v40;
	v47 =	vadd.s32 v20, v27  }
0x240: {  	s2 =	sor.u32 $0x470, s2;
	s4 =	sadd.s32 $0x6, s31;
	v48 =	vld [tilespmem:s0+$0x9B80];
	v49 =	vadd.s32 v21, v27  }
0x241: {  	v50 =	vmov s4;
	v51 =	vld [tilespmem:s2+$0x9B80];
	v52 =	vadd.s32 v22, v27  }
0x242: {  	[tilespmem:v43+s24+$0x0] =	vst.idx.add.f32.msk $0xffff, v42;
	v27 =	vadd.s32 v23, v27;
	v36 =	vand.u32 $0xFFFFFFFE, v50  }
0x243: {  	[tilespmem:v45+s24+$0x0] =	vst.idx.add.f32.msk $0xffff, v44;
	v53 =	vbroadcast v36, $0x0  }
0x244: {  	[tilespmem:v47+s24+$0x0] =	vst.idx.add.f32.msk $0xffff, v46  }
0x245: {  	s2 =	sadd.s32 $0xFFFFFF80, s9;
	[tilespmem:v49+s24+$0x0] =	vst.idx.add.f32.msk $0xffff, v48  }
0x246: {  	s0 =	sand.u32 $0x300, s2;
	[tilespmem:v52+s24+$0x0] =	vst.idx.add.f32.msk $0xffff, v51  }
0x247: {  	s0 =	sadd.s32 s0, s30;
	[tilespmem:v27+s24+$0x0] =	vst.idx.add.f32.msk $0xffff, v24  }
0x248: {  	v54 =	vld [tilespmem:s0+$0x0]  }
0x249: {  	v27 =	vld.idx.msk [tilespmem:v53+s23+$0x0], $0xffff  }
0x24a: {  	v56 =	vld [tilespmem:s0+$0x10]  }
0x24b: {  	v30 =	vld [tilespmem:s0+$0x20]  }
0x24c: {  	s4 =	sand.u32 $0x3, s16;
	v32 =	vld [tilespmem:s0+$0x30]  }
0x24d: {  	s2 =	sshll.u32 s4, $0x8;
	v34 =	vld [tilespmem:s0+$0x40]  }
0x24e: {  	s2 =	sadd.s32 s26, s2;
	v61 =	vld [tilespmem:s0+$0x50];
	v28 =	vshrl.u32 v27, $0x3  }
0x24f: {  	s2 =	sadd.s32 $0x100, s2;
	v63 =	vld [tilespmem:s0+$0x60];
	v27 =	vshll.u32 v27, $0x7;
	v28 =	vmul.u32 $0xC00, v28  }
0x250: {  	s4 =	sor.u32 $0x400, s2;
	v41 =	vld [tilespmem:s0+$0x70];
	v27 =	vand.u32 $0x380, v27  }
0x251: {  	v43 =	vld [tilespmem:s4+$0x9B80];
	s4 =	sor.u32 $0x410, s2;
	v27 =	vor.u32 v27, v28  }
0x252: {  	v45 =	vld [tilespmem:s4+$0x9B80];
	s4 =	sor.u32 $0x420, s2;
	v55 =	vor.u32 v2, v27  }
0x253: {  	v47 =	vld [tilespmem:s4+$0x9B80];
	s4 =	sor.u32 $0x430, s2;
	v57 =	vor.u32 v8, v27  }
0x254: {  	v49 =	vld [tilespmem:s4+$0x9B80];
	s4 =	sor.u32 $0x440, s2;
	v58 =	vor.u32 v9, v27  }
0x255: {  	v51 =	vld [tilespmem:s4+$0x9B80];
	s4 =	sor.u32 $0x450, s2;
	v59 =	vor.u32 v10, v27  }
0x256: {  	v53 =	vld [tilespmem:s4+$0x9B80];
	v60 =	vor.u32 v11, v27  }
0x257: {  	v62 =	vor.u32 v12, v27;
	[tilespmem:v55+s24+$0x0] =	vst.idx.add.f32.msk $0xffff, v54  }
0x258: {  	v40 =	vor.u32 v13, v27;
	[tilespmem:v57+s24+$0x0] =	vst.idx.add.f32.msk $0xffff, v56  }
0x259: {  	v42 =	vor.u32 v14, v27;
	[tilespmem:v58+s24+$0x0] =	vst.idx.add.f32.msk $0xffff, v30  }
0x25a: {  	v44 =	vadd.s32 v15, v27;
	[tilespmem:v59+s24+$0x0] =	vst.idx.add.f32.msk $0xffff, v32  }
0x25b: {  	v46 =	vadd.s32 v16, v27;
	[tilespmem:v60+s24+$0x0] =	vst.idx.add.f32.msk $0xffff, v34  }
0x25c: {  	v48 =	vadd.s32 v17, v27;
	[tilespmem:v62+s24+$0x0] =	vst.idx.add.f32.msk $0xffff, v61  }
0x25d: {  	[tilespmem:v40+s24+$0x0] =	vst.idx.add.f32.msk $0xffff, v63  }
0x25e: {  	[tilespmem:v42+s24+$0x0] =	vst.idx.add.f32.msk $0xffff, v41  }
0x25f: {  	v50 =	vadd.s32 v18, v27;
	[tilespmem:v44+s24+$0x0] =	vst.idx.add.f32.msk $0xffff, v43  }
0x260: {  	v52 =	vadd.s32 v19, v27;
	[tilespmem:v46+s24+$0x0] =	vst.idx.add.f32.msk $0xffff, v45  }
0x261: {  	s4 =	sor.u32 $0x460, s2;
	[tilespmem:v48+s24+$0x0] =	vst.idx.add.f32.msk $0xffff, v47;
	v54 =	vadd.s32 v20, v27  }
0x262: {  	v55 =	vld [tilespmem:s4+$0x9B80];
	v56 =	vadd.s32 v21, v27;
	s4 =	sor.u32 $0x470, s2  }
0x263: {  	v58 =	vadd.s32 v22, v27;
	v57 =	vld [tilespmem:s4+$0x9B80]  }
0x264: {  	s31 =	sadd.s32 $0x7, s31;
	[tilespmem:v50+s24+$0x0] =	vst.idx.add.f32.msk $0xffff, v49;
	v27 =	vadd.s32 v23, v27  }
0x265: {  	[tilespmem:v52+s24+$0x0] =	vst.idx.add.f32.msk $0xffff, v51;
	v59 =	vmov s31  }
0x266: {  	[tilespmem:v54+s24+$0x0] =	vst.idx.add.f32.msk $0xffff, v53  }
0x267: {  	[tilespmem:v56+s24+$0x0] =	vst.idx.add.f32.msk $0xffff, v55  }
0x268: {  	[tilespmem:v58+s24+$0x0] =	vst.idx.add.f32.msk $0xffff, v57  }
0x269: {  	s2 =	sand.u32 $0x380, s9;
	[tilespmem:v27+s24+$0x0] =	vst.idx.add.f32.msk $0xffff, v24  }
0x26a: {  	s0 =	sadd.s32 s2, s30;
	v27 =	vld.idx.msk [tilespmem:v59+s23+$0x0], $0xffff  }
0x26b: {  	v60 =	vld [tilespmem:s0+$0x0]  }
0x26c: {  	v62 =	vld [tilespmem:s0+$0x10]  }
0x26d: {  	v30 =	vld [tilespmem:s0+$0x20]  }
0x26e: {  	v32 =	vld [tilespmem:s0+$0x30]  }
0x26f: {  	v34 =	vld [tilespmem:s0+$0x40]  }
0x270: {  	v36 =	vld [tilespmem:s0+$0x50];
	v28 =	vshrl.u32 v27, $0x3  }
0x271: {  	s2 =	sadd.s32 $0x180, s28;
	v44 =	vld [tilespmem:s0+$0x60];
	v27 =	vshll.u32 v27, $0x7;
	v28 =	vmul.u32 $0xC00, v28  }
0x272: {  	s4 =	sor.u32 $0x400, s2;
	v46 =	vld [tilespmem:s0+$0x70];
	v27 =	vand.u32 $0x380, v27  }
0x273: {  	s28 =	sor.u32 $0x410, s2;
	v48 =	vld [tilespmem:s4+$0x9B80];
	v27 =	vor.u32 v27, v28  }
0x274: {  	s30 =	sor.u32 $0x420, s2;
	v50 =	vld [tilespmem:s28+$0x9B80];
	v61 =	vor.u32 v2, v27  }
0x275: {  	s31 =	sor.u32 $0x430, s2;
	v52 =	vld [tilespmem:s30+$0x9B80];
	v63 =	vor.u32 v8, v27  }
0x276: {  	v54 =	vld [tilespmem:s31+$0x9B80];
	s4 =	sor.u32 $0x440, s2;
	v40 =	vor.u32 v9, v27  }
0x277: {  	s28 =	sor.u32 $0x450, s2;
	v56 =	vld [tilespmem:s4+$0x9B80];
	v41 =	vor.u32 v10, v27  }
0x278: {  	v58 =	vld [tilespmem:s28+$0x9B80];
	v42 =	vor.u32 v11, v27  }
0x279: {  	v43 =	vor.u32 v12, v27;
	[tilespmem:v61+s24+$0x0] =	vst.idx.add.f32.msk $0xffff, v60  }
0x27a: {  	v45 =	vor.u32 v13, v27;
	[tilespmem:v63+s24+$0x0] =	vst.idx.add.f32.msk $0xffff, v62  }
0x27b: {  	v47 =	vor.u32 v14, v27;
	[tilespmem:v40+s24+$0x0] =	vst.idx.add.f32.msk $0xffff, v30  }
0x27c: {  	v49 =	vadd.s32 v15, v27;
	[tilespmem:v41+s24+$0x0] =	vst.idx.add.f32.msk $0xffff, v32  }
0x27d: {  	v51 =	vadd.s32 v16, v27;
	[tilespmem:v42+s24+$0x0] =	vst.idx.add.f32.msk $0xffff, v34  }
0x27e: {  	v53 =	vadd.s32 v17, v27;
	[tilespmem:v43+s24+$0x0] =	vst.idx.add.f32.msk $0xffff, v36  }
0x27f: {  	[tilespmem:v45+s24+$0x0] =	vst.idx.add.f32.msk $0xffff, v44  }
0x280: {  	[tilespmem:v47+s24+$0x0] =	vst.idx.add.f32.msk $0xffff, v46  }
0x281: {  	v55 =	vadd.s32 v18, v27;
	[tilespmem:v49+s24+$0x0] =	vst.idx.add.f32.msk $0xffff, v48  }
0x282: {  	v57 =	vadd.s32 v19, v27;
	[tilespmem:v51+s24+$0x0] =	vst.idx.add.f32.msk $0xffff, v50  }
0x283: {  	s30 =	sor.u32 $0x460, s2;
	v59 =	vadd.s32 v20, v27;
	[tilespmem:v53+s24+$0x0] =	vst.idx.add.f32.msk $0xffff, v52  }
0x284: {  	s31 =	sor.u32 $0x470, s2;
	v60 =	vld [tilespmem:s30+$0x9B80];
	v61 =	vadd.s32 v21, v27  }
0x285: {  	s6 =	sadd.s32 $0x4, s6;
	v62 =	vld [tilespmem:s31+$0x9B80];
	v63 =	vadd.s32 v22, v27  }
0x286: {  	p2 =	slt.u32 s6, $0x7C;
	[tilespmem:v55+s24+$0x0] =	vst.idx.add.f32.msk $0xffff, v54;
	v27 =	vadd.s32 v23, v27  }
.Ltmp16:
0x287: {  	[tilespmem:v57+s24+$0x0] =	vst.idx.add.f32.msk $0xffff, v56;
	(pc) =	sbr.rel @p2 .LBB2_24-.Ltmp16, $4  }
0x288: {  	[tilespmem:v59+s24+$0x0] =	vst.idx.add.f32.msk $0xffff, v58  }
0x289: {  	[tilespmem:v61+s24+$0x0] =	vst.idx.add.f32.msk $0xffff, v60  }
0x28a: {  	p1 =	por !p1, !p1;
	s22 =	sadd.s32 $0x4, s22;
	[tilespmem:v63+s24+$0x0] =	vst.idx.add.f32.msk $0xffff, v62  }
0x28b: {  	s16 =	sadd.s32 $0x2, s16;
	s26 =	sadd.s32 $0x400, s26;
	s9 =	sadd.s32 $0x200, s9;
	[tilespmem:v27+s24+$0x0] =	vst.idx.add.f32.msk $0xffff, v24  }
0x28c: {  	s5 =	sadd.s32 $0x1, s5  }
0x28d: {  	p1 =	sne.s32 s5, s29  }
.Ltmp17:
0x28e: {  	_ = 	snop;
	(pc) =	sbr.rel @p1 .LBB2_23-.Ltmp17, $4  }
.Ltmp18:
0x28f: {  	_ = 	snop;
	(pc) =	sbr.rel @!p1 .LBB2_26-.Ltmp18, $4  }
0x290: {  	_ = 	snop  }
0x291: {  	_ = 	snop  }
0x292: {  	s3 =	sadd.s32 $0x80, s3  }
0x293: {  	_ = 	snop  }
.LBB2_17:
.Ltmp19:
0x294: {  	(pc) =	sbr.rel .LBB2_21-.Ltmp19, $2  }
0x295: {  	_ =	sdelay $0x2  }
0x296: {  	s5 =	simm.s32 $0x0;
	s3 =	smov.u32 s20  }
.LBB2_19:
.Ltmp20:
0x297: {  	(pc) =	sbr.rel .LBB2_21-.Ltmp20, $2  }
0x298: {  	_ =	sdelay $0x2  }
0x299: {  	s3 =	smov.u32 s20  }
.LBB2_27:
0x29a: {  	s0 =	sadd.s32 $0xF, s20  }
0x29b: {  	s2 =	sand.u32 $0xF, s0  }
0x29c: {  	s3 =	sshra.s32 s0, $0x1F;
	p0 =	slt.s32 s0, $0x1;
	p1 =	sne.s32 s2, $0x0  }
0x29d: {  	s29 =	sshrl.u32 s3, $0x1C;
	p0 =	por !p0, !p1  }
0x29e: {  	s2 =	simm.s32 $0x1;
	s0 =	sadd.s32 s29, s0;
	p0 =	por !p0, !p0  }
0x29f: {  	s0 =	sshrl.u32 s0, $0x4;
	s2 =	simm.s32 @!p0 $0x0  }
0x2a0: {  	s0 =	ssub.s32 s0, s2  }
0x2a1: {  	v27 =	vadd.s32 s20, v2;
	s30 =	simm.s32 $0x2;
	s0 =	sshll.u32 s0, $0x4  }
0x2a2: {  	_ =	swait.ge [sflag:s30], $0x200;
	vm3 =	vlt.s32 v27, s0  }
0x2a3: {  	[sflag:s30] =	ssyncset.done $0x0;
	s3 =	sshra.s32 s0, $0x4  }
0x2a4: {  	[sflag:s30] =	ssyncadd.s32 $0xFFFFFE00;
	p0 =	slt.s32 s3, $0x1  }
.Ltmp21:
0x2a5: {  	_ =	swait.ge [sflag:s30], $0x200;
	(pc) =	sbr.rel @p0 .LBB2_31-.Ltmp21, $4  }
0x2a6: {  	[sflag:s30] =	ssyncset.done $0x0  }
0x2a7: {  	[sflag:s30] =	ssyncadd.s32 $0xFFFFFE00  }
0x2a8: {  	s31 =	simm.s32 $0x9500;
	[tilespmem:v27+s23+$0x0] =	vst.idx.msk vm3, v25  }
0x2a9: {  	s5 =	simm.s32 $0x0;
	s9 =	simm.s32 $0x0;
	s10 =	simm.s32 $0x0;
	[tilespmem:v27+s31+$0x0] =	vst.idx.msk vm3, v26  }
.LBB2_28:
0x2aa: {  	s0 =	sshll.u32 s10, $0x4  }
0x2ab: {  	v27 =	vld [tilespmem:s0+$0x9500];
	_ =	sdelay $0x4  }
0x2ac: {  	v28 =	vshll.u32 v27, $0x1  }
0x2ad: {  	v29 =	vand.u32 $0x7, v27;
	v28 =	vand.u32 $0xFFFFFFF0, v28  }
0x2ae: {  	v28 =	vor.u32 v29, v28  }
0x2af: {  	v29 =	vperm.xlane v28, v5;
	_ =	sdelay $0x1  }
0x2b0: {  	v28 =	vperm.xlane v28, v7;
	v29 =	vadd.s32 v6, v29;
	_ =	sdelay $0x1  }
0x2b1: {  	v28 =	vadd.s32 v6, v28;
	_ =	sdelay $0x1  }
0x2b2: {  	s30 =	simm.s32 $0x9B80;
	[tilespmem:$0x9B00] =	vst v27  }
0x2b3: {  	[tilespmem:s30], [sflag:$0x1] =	stream.indirect_vreg.gather [hbm4b:s1+s5], $0x80, v29, vm2, $0xb8;
	[tilespmem:$0x1C210] =	vst v63  }
0x2b4: {  	s31 =	simm.s32 $0xA380  }
0x2b5: {  	[tilespmem:s31], [sflag:$0x1] =	stream.indirect_vreg.gather [hbm4b:s1+s5], $0x80, v28, vm2, $0xb8;
	[tilespmem:$0x1C210] =	vst v63  }
0x2b6: {  	s6 =	simm.s32 $0xFFFFFFFC;
	s16 =	simm.s32 $0x180;
	_ =	swait.ge [sflag:s25], $0x1000  }
0x2b7: {  	p0 =	por $0x0, $0x0;
	s19 =	simm.s32 $0x0;
	[sflag:s25] =	ssyncset.done $0x0  }
0x2b8: {  	s20 =	simm.s32 $0x0;
	s21 =	simm.s32 $0x0;
	[sflag:s25] =	ssyncadd.s32 $0xFFFFF000  }
.LBB2_29:
0x2b9: {  	s26 =	sadd.s32 s6, s9  }
0x2ba: {  	s0 =	sadd.s32 $0x4, s26  }
0x2bb: {  	v27 =	vmov s0  }
0x2bc: {  	v27 =	vand.u32 $0xFFFFFFFC, v27  }
0x2bd: {  	s29 =	sand.u32 $0x800, s20;
	s2 =	sadd.s32 $0xFFFFFE80, s16;
	v27 =	vbroadcast v27, $0x0  }
0x2be: {  	s2 =	sand.u32 $0x200, s2;
	s22 =	sadd.s32 $0x9B80, s29  }
0x2bf: {  	s0 =	sadd.s32 s2, s22  }
0x2c0: {  	v47 =	vld [tilespmem:s0+$0x0]  }
0x2c1: {  	v48 =	vld [tilespmem:s0+$0x10]  }
0x2c2: {  	v30 =	vld [tilespmem:s0+$0x20]  }
0x2c3: {  	v27 =	vld.idx.msk [tilespmem:v27+s23+$0x0], $0xffff  }
0x2c4: {  	s2 =	simm.s32 $0x1;
	v32 =	vld [tilespmem:s0+$0x30]  }
0x2c5: {  	v34 =	vld [tilespmem:s0+$0x40];
	s2 =	simm.s32 @!p0 $0x0  }
0x2c6: {  	v36 =	vld [tilespmem:s0+$0x50];
	s2 =	sshll.u32 s2, $0x9  }
0x2c7: {  	v50 =	vld [tilespmem:s0+$0x60];
	s2 =	sadd.s32 s2, s20  }
0x2c8: {  	v52 =	vld [tilespmem:s0+$0x70];
	s30 =	sor.u32 $0x400, s2;
	v28 =	vshrl.u32 v27, $0x3  }
0x2c9: {  	s31 =	sor.u32 $0x410, s2;
	v54 =	vld [tilespmem:s30+$0x9B80];
	v27 =	vshll.u32 v27, $0x7;
	v28 =	vmul.u32 $0xC00, v28  }
0x2ca: {  	s4 =	sor.u32 $0x420, s2;
	v56 =	vld [tilespmem:s31+$0x9B80];
	v27 =	vand.u32 $0x380, v27  }
0x2cb: {  	s28 =	sor.u32 $0x430, s2;
	v58 =	vld [tilespmem:s4+$0x9B80];
	v27 =	vor.u32 v27, v28  }
0x2cc: {  	s29 =	sor.u32 $0x440, s2;
	v60 =	vld [tilespmem:s28+$0x9B80];
	v29 =	vor.u32 v2, v27  }
0x2cd: {  	v62 =	vld [tilespmem:s29+$0x9B80];
	s30 =	sor.u32 $0x450, s2;
	v49 =	vor.u32 v8, v27  }
0x2ce: {  	s31 =	sor.u32 $0x460, s2;
	v40 =	vld [tilespmem:s30+$0x9B80];
	v31 =	vor.u32 v9, v27  }
0x2cf: {  	s28 =	sor.u32 $0x470, s2;
	v42 =	vld [tilespmem:s31+$0x9B80];
	v33 =	vor.u32 v10, v27  }
0x2d0: {  	v45 =	vld [tilespmem:s28+$0x9B80];
	v35 =	vor.u32 v11, v27  }
0x2d1: {  	v37 =	vor.u32 v12, v27;
	[tilespmem:v29+s24+$0x0] =	vst.idx.add.f32.msk $0xffff, v47  }
0x2d2: {  	v51 =	vor.u32 v13, v27;
	[tilespmem:v49+s24+$0x0] =	vst.idx.add.f32.msk $0xffff, v48  }
0x2d3: {  	v53 =	vor.u32 v14, v27;
	[tilespmem:v31+s24+$0x0] =	vst.idx.add.f32.msk $0xffff, v30  }
0x2d4: {  	v55 =	vadd.s32 v15, v27;
	[tilespmem:v33+s24+$0x0] =	vst.idx.add.f32.msk $0xffff, v32  }
0x2d5: {  	v57 =	vadd.s32 v16, v27;
	[tilespmem:v35+s24+$0x0] =	vst.idx.add.f32.msk $0xffff, v34  }
0x2d6: {  	v59 =	vadd.s32 v17, v27;
	[tilespmem:v37+s24+$0x0] =	vst.idx.add.f32.msk $0xffff, v36  }
0x2d7: {  	v61 =	vadd.s32 v18, v27;
	[tilespmem:v51+s24+$0x0] =	vst.idx.add.f32.msk $0xffff, v50  }
0x2d8: {  	v63 =	vadd.s32 v19, v27;
	[tilespmem:v53+s24+$0x0] =	vst.idx.add.f32.msk $0xffff, v52  }
0x2d9: {  	v41 =	vadd.s32 v20, v27;
	[tilespmem:v55+s24+$0x0] =	vst.idx.add.f32.msk $0xffff, v54  }
0x2da: {  	s4 =	sadd.s32 $0x5, s26;
	v43 =	vadd.s32 v21, v27;
	[tilespmem:v57+s24+$0x0] =	vst.idx.add.f32.msk $0xffff, v56  }
0x2db: {  	v44 =	vmov s4;
	v38 =	vadd.s32 v22, v27;
	[tilespmem:v59+s24+$0x0] =	vst.idx.add.f32.msk $0xffff, v58  }
0x2dc: {  	v27 =	vadd.s32 v23, v27;
	v36 =	vand.u32 $0xFFFFFFFD, v44;
	[tilespmem:v61+s24+$0x0] =	vst.idx.add.f32.msk $0xffff, v60  }
0x2dd: {  	[tilespmem:v63+s24+$0x0] =	vst.idx.add.f32.msk $0xffff, v62;
	v46 =	vbroadcast v36, $0x0  }
0x2de: {  	[tilespmem:v41+s24+$0x0] =	vst.idx.add.f32.msk $0xffff, v40  }
0x2df: {  	s29 =	sadd.s32 $0xFFFFFF00, s16;
	[tilespmem:v43+s24+$0x0] =	vst.idx.add.f32.msk $0xffff, v42  }
0x2e0: {  	s0 =	sand.u32 $0x280, s29;
	[tilespmem:v38+s24+$0x0] =	vst.idx.add.f32.msk $0xffff, v45  }
0x2e1: {  	s0 =	sadd.s32 s0, s22;
	[tilespmem:v27+s24+$0x0] =	vst.idx.add.f32.msk $0xffff, v24  }
0x2e2: {  	v47 =	vld [tilespmem:s0+$0x0]  }
0x2e3: {  	v27 =	vld.idx.msk [tilespmem:v46+s23+$0x0], $0xffff  }
0x2e4: {  	v49 =	vld [tilespmem:s0+$0x10]  }
0x2e5: {  	v30 =	vld [tilespmem:s0+$0x20]  }
0x2e6: {  	s30 =	sand.u32 $0x7, s21;
	v32 =	vld [tilespmem:s0+$0x30]  }
0x2e7: {  	s2 =	sshll.u32 s30, $0x7;
	v34 =	vld [tilespmem:s0+$0x40]  }
0x2e8: {  	s28 =	sadd.s32 s20, s2;
	v54 =	vld [tilespmem:s0+$0x50];
	v28 =	vshrl.u32 v27, $0x3  }
0x2e9: {  	s2 =	sadd.s32 $0x80, s28;
	v56 =	vld [tilespmem:s0+$0x60];
	v27 =	vshll.u32 v27, $0x7;
	v28 =	vmul.u32 $0xC00, v28  }
0x2ea: {  	s31 =	sor.u32 $0x400, s2;
	v58 =	vld [tilespmem:s0+$0x70];
	v27 =	vand.u32 $0x380, v27  }
0x2eb: {  	s4 =	sor.u32 $0x410, s2;
	v60 =	vld [tilespmem:s31+$0x9B80];
	v27 =	vor.u32 v27, v28  }
0x2ec: {  	s29 =	sor.u32 $0x420, s2;
	v62 =	vld [tilespmem:s4+$0x9B80];
	v48 =	vor.u32 v2, v27  }
0x2ed: {  	s30 =	sor.u32 $0x430, s2;
	v40 =	vld [tilespmem:s29+$0x9B80];
	v50 =	vor.u32 v8, v27  }
0x2ee: {  	v42 =	vld [tilespmem:s30+$0x9B80];
	s31 =	sor.u32 $0x440, s2;
	v51 =	vor.u32 v9, v27  }
0x2ef: {  	s4 =	sor.u32 $0x450, s2;
	v44 =	vld [tilespmem:s31+$0x9B80];
	v52 =	vor.u32 v10, v27  }
0x2f0: {  	v46 =	vld [tilespmem:s4+$0x9B80];
	v53 =	vor.u32 v11, v27  }
0x2f1: {  	v55 =	vor.u32 v12, v27;
	[tilespmem:v48+s24+$0x0] =	vst.idx.add.f32.msk $0xffff, v47  }
0x2f2: {  	v57 =	vor.u32 v13, v27;
	[tilespmem:v50+s24+$0x0] =	vst.idx.add.f32.msk $0xffff, v49  }
0x2f3: {  	v59 =	vor.u32 v14, v27;
	[tilespmem:v51+s24+$0x0] =	vst.idx.add.f32.msk $0xffff, v30  }
0x2f4: {  	v61 =	vadd.s32 v15, v27;
	[tilespmem:v52+s24+$0x0] =	vst.idx.add.f32.msk $0xffff, v32  }
0x2f5: {  	v63 =	vadd.s32 v16, v27;
	[tilespmem:v53+s24+$0x0] =	vst.idx.add.f32.msk $0xffff, v34  }
0x2f6: {  	v41 =	vadd.s32 v17, v27;
	[tilespmem:v55+s24+$0x0] =	vst.idx.add.f32.msk $0xffff, v54  }
0x2f7: {  	[tilespmem:v57+s24+$0x0] =	vst.idx.add.f32.msk $0xffff, v56  }
0x2f8: {  	[tilespmem:v59+s24+$0x0] =	vst.idx.add.f32.msk $0xffff, v58  }
0x2f9: {  	v43 =	vadd.s32 v18, v27;
	[tilespmem:v61+s24+$0x0] =	vst.idx.add.f32.msk $0xffff, v60  }
0x2fa: {  	v45 =	vadd.s32 v19, v27;
	[tilespmem:v63+s24+$0x0] =	vst.idx.add.f32.msk $0xffff, v62  }
0x2fb: {  	s29 =	sor.u32 $0x460, s2;
	[tilespmem:v41+s24+$0x0] =	vst.idx.add.f32.msk $0xffff, v40;
	v47 =	vadd.s32 v20, v27  }
0x2fc: {  	s30 =	sadd.s32 $0x6, s26;
	s31 =	sor.u32 $0x470, s2;
	v48 =	vld [tilespmem:s29+$0x9B80];
	v49 =	vadd.s32 v21, v27  }
0x2fd: {  	v50 =	vmov s30;
	v51 =	vld [tilespmem:s31+$0x9B80];
	v52 =	vadd.s32 v22, v27  }
0x2fe: {  	[tilespmem:v43+s24+$0x0] =	vst.idx.add.f32.msk $0xffff, v42;
	v27 =	vadd.s32 v23, v27;
	v36 =	vand.u32 $0xFFFFFFFE, v50  }
0x2ff: {  	[tilespmem:v45+s24+$0x0] =	vst.idx.add.f32.msk $0xffff, v44;
	v53 =	vbroadcast v36, $0x0  }
0x300: {  	[tilespmem:v47+s24+$0x0] =	vst.idx.add.f32.msk $0xffff, v46  }
0x301: {  	s2 =	sadd.s32 $0xFFFFFF80, s16;
	[tilespmem:v49+s24+$0x0] =	vst.idx.add.f32.msk $0xffff, v48  }
0x302: {  	s0 =	sand.u32 $0x300, s2;
	[tilespmem:v52+s24+$0x0] =	vst.idx.add.f32.msk $0xffff, v51  }
0x303: {  	s0 =	sadd.s32 s0, s22;
	[tilespmem:v27+s24+$0x0] =	vst.idx.add.f32.msk $0xffff, v24  }
0x304: {  	v54 =	vld [tilespmem:s0+$0x0]  }
0x305: {  	v27 =	vld.idx.msk [tilespmem:v53+s23+$0x0], $0xffff  }
0x306: {  	v56 =	vld [tilespmem:s0+$0x10]  }
0x307: {  	v30 =	vld [tilespmem:s0+$0x20]  }
0x308: {  	s4 =	sand.u32 $0x3, s19;
	v32 =	vld [tilespmem:s0+$0x30]  }
0x309: {  	s2 =	sshll.u32 s4, $0x8;
	v34 =	vld [tilespmem:s0+$0x40]  }
0x30a: {  	s2 =	sadd.s32 s20, s2;
	v61 =	vld [tilespmem:s0+$0x50];
	v28 =	vshrl.u32 v27, $0x3  }
0x30b: {  	s2 =	sadd.s32 $0x100, s2;
	v63 =	vld [tilespmem:s0+$0x60];
	v27 =	vshll.u32 v27, $0x7;
	v28 =	vmul.u32 $0xC00, v28  }
0x30c: {  	s29 =	sor.u32 $0x400, s2;
	v41 =	vld [tilespmem:s0+$0x70];
	v27 =	vand.u32 $0x380, v27  }
0x30d: {  	s30 =	sor.u32 $0x410, s2;
	v43 =	vld [tilespmem:s29+$0x9B80];
	v27 =	vor.u32 v27, v28  }
0x30e: {  	s31 =	sor.u32 $0x420, s2;
	v45 =	vld [tilespmem:s30+$0x9B80];
	v55 =	vor.u32 v2, v27  }
0x30f: {  	s4 =	sor.u32 $0x430, s2;
	v47 =	vld [tilespmem:s31+$0x9B80];
	v57 =	vor.u32 v8, v27  }
0x310: {  	v49 =	vld [tilespmem:s4+$0x9B80];
	s29 =	sor.u32 $0x440, s2;
	v58 =	vor.u32 v9, v27  }
0x311: {  	s30 =	sor.u32 $0x450, s2;
	v51 =	vld [tilespmem:s29+$0x9B80];
	v59 =	vor.u32 v10, v27  }
0x312: {  	v53 =	vld [tilespmem:s30+$0x9B80];
	v60 =	vor.u32 v11, v27  }
0x313: {  	v62 =	vor.u32 v12, v27;
	[tilespmem:v55+s24+$0x0] =	vst.idx.add.f32.msk $0xffff, v54  }
0x314: {  	v40 =	vor.u32 v13, v27;
	[tilespmem:v57+s24+$0x0] =	vst.idx.add.f32.msk $0xffff, v56  }
0x315: {  	v42 =	vor.u32 v14, v27;
	[tilespmem:v58+s24+$0x0] =	vst.idx.add.f32.msk $0xffff, v30  }
0x316: {  	v44 =	vadd.s32 v15, v27;
	[tilespmem:v59+s24+$0x0] =	vst.idx.add.f32.msk $0xffff, v32  }
0x317: {  	v46 =	vadd.s32 v16, v27;
	[tilespmem:v60+s24+$0x0] =	vst.idx.add.f32.msk $0xffff, v34  }
0x318: {  	v48 =	vadd.s32 v17, v27;
	[tilespmem:v62+s24+$0x0] =	vst.idx.add.f32.msk $0xffff, v61  }
0x319: {  	[tilespmem:v40+s24+$0x0] =	vst.idx.add.f32.msk $0xffff, v63  }
0x31a: {  	[tilespmem:v42+s24+$0x0] =	vst.idx.add.f32.msk $0xffff, v41  }
0x31b: {  	v50 =	vadd.s32 v18, v27;
	[tilespmem:v44+s24+$0x0] =	vst.idx.add.f32.msk $0xffff, v43  }
0x31c: {  	v52 =	vadd.s32 v19, v27;
	[tilespmem:v46+s24+$0x0] =	vst.idx.add.f32.msk $0xffff, v45  }
0x31d: {  	s31 =	sor.u32 $0x460, s2;
	[tilespmem:v48+s24+$0x0] =	vst.idx.add.f32.msk $0xffff, v47;
	v54 =	vadd.s32 v20, v27  }
0x31e: {  	s4 =	sor.u32 $0x470, s2;
	v55 =	vld [tilespmem:s31+$0x9B80];
	v56 =	vadd.s32 v21, v27  }
0x31f: {  	v57 =	vld [tilespmem:s4+$0x9B80];
	v58 =	vadd.s32 v22, v27  }
0x320: {  	s29 =	sadd.s32 $0x7, s26;
	[tilespmem:v50+s24+$0x0] =	vst.idx.add.f32.msk $0xffff, v49;
	v27 =	vadd.s32 v23, v27  }
0x321: {  	[tilespmem:v52+s24+$0x0] =	vst.idx.add.f32.msk $0xffff, v51;
	v59 =	vmov s29  }
0x322: {  	[tilespmem:v54+s24+$0x0] =	vst.idx.add.f32.msk $0xffff, v53  }
0x323: {  	[tilespmem:v56+s24+$0x0] =	vst.idx.add.f32.msk $0xffff, v55  }
0x324: {  	[tilespmem:v58+s24+$0x0] =	vst.idx.add.f32.msk $0xffff, v57  }
0x325: {  	s30 =	sand.u32 $0x380, s16;
	[tilespmem:v27+s24+$0x0] =	vst.idx.add.f32.msk $0xffff, v24  }
0x326: {  	s0 =	sadd.s32 s30, s22;
	v27 =	vld.idx.msk [tilespmem:v59+s23+$0x0], $0xffff  }
0x327: {  	v60 =	vld [tilespmem:s0+$0x0]  }
0x328: {  	v62 =	vld [tilespmem:s0+$0x10]  }
0x329: {  	v30 =	vld [tilespmem:s0+$0x20]  }
0x32a: {  	v32 =	vld [tilespmem:s0+$0x30]  }
0x32b: {  	v34 =	vld [tilespmem:s0+$0x40]  }
0x32c: {  	v36 =	vld [tilespmem:s0+$0x50];
	v28 =	vshrl.u32 v27, $0x3  }
0x32d: {  	s2 =	sadd.s32 $0x180, s28;
	v44 =	vld [tilespmem:s0+$0x60];
	v27 =	vshll.u32 v27, $0x7;
	v28 =	vmul.u32 $0xC00, v28  }
0x32e: {  	s31 =	sor.u32 $0x400, s2;
	v46 =	vld [tilespmem:s0+$0x70];
	v27 =	vand.u32 $0x380, v27  }
0x32f: {  	s4 =	sor.u32 $0x410, s2;
	v48 =	vld [tilespmem:s31+$0x9B80];
	v27 =	vor.u32 v27, v28  }
0x330: {  	s22 =	sor.u32 $0x420, s2;
	v50 =	vld [tilespmem:s4+$0x9B80];
	v61 =	vor.u32 v2, v27  }
0x331: {  	s26 =	sor.u32 $0x430, s2;
	v52 =	vld [tilespmem:s22+$0x9B80];
	v63 =	vor.u32 v8, v27  }
0x332: {  	s28 =	sor.u32 $0x440, s2;
	v54 =	vld [tilespmem:s26+$0x9B80];
	v40 =	vor.u32 v9, v27  }
0x333: {  	s29 =	sor.u32 $0x450, s2;
	v56 =	vld [tilespmem:s28+$0x9B80];
	v41 =	vor.u32 v10, v27  }
0x334: {  	v58 =	vld [tilespmem:s29+$0x9B80];
	v42 =	vor.u32 v11, v27  }
0x335: {  	v43 =	vor.u32 v12, v27;
	[tilespmem:v61+s24+$0x0] =	vst.idx.add.f32.msk $0xffff, v60  }
0x336: {  	v45 =	vor.u32 v13, v27;
	[tilespmem:v63+s24+$0x0] =	vst.idx.add.f32.msk $0xffff, v62  }
0x337: {  	v47 =	vor.u32 v14, v27;
	[tilespmem:v40+s24+$0x0] =	vst.idx.add.f32.msk $0xffff, v30  }
0x338: {  	v49 =	vadd.s32 v15, v27;
	[tilespmem:v41+s24+$0x0] =	vst.idx.add.f32.msk $0xffff, v32  }
0x339: {  	v51 =	vadd.s32 v16, v27;
	[tilespmem:v42+s24+$0x0] =	vst.idx.add.f32.msk $0xffff, v34  }
0x33a: {  	v53 =	vadd.s32 v17, v27;
	[tilespmem:v43+s24+$0x0] =	vst.idx.add.f32.msk $0xffff, v36  }
0x33b: {  	[tilespmem:v45+s24+$0x0] =	vst.idx.add.f32.msk $0xffff, v44  }
0x33c: {  	[tilespmem:v47+s24+$0x0] =	vst.idx.add.f32.msk $0xffff, v46  }
0x33d: {  	v55 =	vadd.s32 v18, v27;
	[tilespmem:v49+s24+$0x0] =	vst.idx.add.f32.msk $0xffff, v48  }
0x33e: {  	v57 =	vadd.s32 v19, v27;
	[tilespmem:v51+s24+$0x0] =	vst.idx.add.f32.msk $0xffff, v50  }
0x33f: {  	s30 =	sor.u32 $0x460, s2;
	v59 =	vadd.s32 v20, v27;
	[tilespmem:v53+s24+$0x0] =	vst.idx.add.f32.msk $0xffff, v52  }
0x340: {  	s31 =	sor.u32 $0x470, s2;
	v60 =	vld [tilespmem:s30+$0x9B80];
	v61 =	vadd.s32 v21, v27  }
0x341: {  	s6 =	sadd.s32 $0x4, s6;
	v62 =	vld [tilespmem:s31+$0x9B80];
	v63 =	vadd.s32 v22, v27  }
0x342: {  	p1 =	slt.u32 s6, $0xC;
	[tilespmem:v55+s24+$0x0] =	vst.idx.add.f32.msk $0xffff, v54;
	v27 =	vadd.s32 v23, v27  }
.Ltmp22:
0x343: {  	[tilespmem:v57+s24+$0x0] =	vst.idx.add.f32.msk $0xffff, v56;
	(pc) =	sbr.rel @p1 .LBB2_29-.Ltmp22, $4  }
0x344: {  	[tilespmem:v59+s24+$0x0] =	vst.idx.add.f32.msk $0xffff, v58  }
0x345: {  	[tilespmem:v61+s24+$0x0] =	vst.idx.add.f32.msk $0xffff, v60  }
0x346: {  	p0 =	por !p0, !p0;
	s21 =	sadd.s32 $0x4, s21;
	[tilespmem:v63+s24+$0x0] =	vst.idx.add.f32.msk $0xffff, v62  }
0x347: {  	s19 =	sadd.s32 $0x2, s19;
	s20 =	sadd.s32 $0x400, s20;
	s16 =	sadd.s32 $0x200, s16;
	[tilespmem:v27+s24+$0x0] =	vst.idx.add.f32.msk $0xffff, v24  }
0x348: {  	s10 =	sadd.s32 $0x1, s10  }
0x349: {  	p0 =	sne.s32 s10, s3  }
.Ltmp23:
0x34a: {  	_ = 	snop;
	(pc) =	sbr.rel @p0 .LBB2_28-.Ltmp23, $2  }
0x34b: {  	_ =	sdelay $0x2  }
0x34c: {  	s9 =	sadd.s32 $0x10, s9  }
.LBB2_31:
0x34d: {  	s3 =	simm.s32 $0x0;
	s0 =	rddreg [dreg:$0xd];
	s5 =	simm.s32 $0x4  }
0x34e: {  	[hbm4b:s0+s3] =	stream.linear.scatter [tilespmem:s24], [sflag:$0x4], $0x3000, $0x38;
	[tilespmem:$0x1C210] =	vst v63  }
0x34f: {  	_ =	swait.ge [sflag:s5], $0x3000  }
0x350: {  	[sflag:s5] =	ssyncset.done $0x0  }
0x351: {  	[sflag:s5] =	ssyncadd.s32 $0xFFFFD000  }
0x352: {  	s30 =	simm.s32 $0x100000;
	[bflag:$0x0] =	sbarrier.arrive $0xFFFF  }
0x353: {  	[smem:s30], [sflag:$0x0] =	smem.add.s32 $0x0  }
0x354: {  	_ =	swait.done [sflag:s3]  }
0x355: {  	s31 =	ssyncread [sflag:$0x0];
	_ =	sdelay $0x1  }
0x356: {  	s4 =	stileid.u32;
	s2 =	rddreg [dreg:$0xe]  }
0x357: {  	s0 =	sadd.s32 s2, s31;
	s2 =	sshll.u32 s4, $0x6;
	s4 =	rddreg [dreg:$0x15]  }
0x358: {  	s2 =	sor.u32 s4, s2;
	s0 =	sshll.u32 s0, $0x11  }
0x359: {  	[sflag:s3] =	ssyncset.s32 $0x0;
	s0 =	sor.u32 s0, s2  }
0x35a: {  	[sflag:s3] =	ssyncset.done $0x0;
	s0 =	sor.u32 $0x1C03, s0  }
0x35b: {  	s6 =	simm.s32 $0x3;
	[sflag:s0] =	ssyncadd.remote.s32 $0x1  }
0x35c: {  	_ =	swait.ge [sflag:s6], $0x1  }
0x35d: {  	[sflag:s6] =	ssyncset.done $0x0  }
0x35e: {  	s10 =	simm.s32 $0x15900;
	s9 =	rddreg [dreg:$0xf];
	[sflag:s6] =	ssyncadd.s32 $0xFFFFFFFF  }
0x35f: {  	[tilespmem:s10], [sflag:$0x4] =	stream.linear.gather [hbm4b:s9+s3], $0x10, $0x38;
	[tilespmem:$0x1C210] =	vst v63  }
0x360: {  	_ =	swait.ge [sflag:s5], $0x10  }
0x361: {  	[sflag:s5] =	ssyncset.done $0x0  }
0x362: {  	[sflag:s5] =	ssyncadd.s32 $0xFFFFFFF0  }
0x363: {  	v27 =	vld [tilespmem:$0x15900];
	_ =	sdelay $0x4  }
0x364: {  	v28 =	vshrl.u32 v27, $0x3  }
0x365: {  	v28 =	vmul.u32 $0x18, v28  }
0x366: {  	v27 =	vand.u32 $0x7, v27  }
0x367: {  	v27 =	vor.u32 v27, v28  }
0x368: {  	v62 =	vld [tilespmem:$0x15900];
	v29 =	vperm.xlane v27, v5;
	_ =	sdelay $0x1  }
0x369: {  	v29 =	vadd.s32 v6, v29;
	_ =	sdelay $0x1  }
0x36a: {  	v27 =	vperm.xlane v27, v7  }
0x36b: {  	v28 =	vadd.s32 $0x200, v62  }
0x36c: {  	s19 =	simm.s32 $0x15A00;
	s16 =	rddreg [dreg:$0x9];
	[tilespmem:$0x15980] =	vst v28;
	v27 =	vadd.s32 v6, v27  }
0x36d: {  	[tilespmem:s19], [sflag:$0x1] =	stream.indirect_vreg.gather [hbm4b:s16+s3], $0x80, v29, vm2, $0xb8;
	[tilespmem:$0x1C210] =	vst v63  }
0x36e: {  	s21 =	simm.s32 $0x16200;
	s20 =	rddreg [dreg:$0x10]  }
0x36f: {  	[tilespmem:s21], [sflag:$0x1] =	stream.indirect_vreg.gather [hbm4b:s20+s3], $0x80, v29, vm0, $0xb8;
	[tilespmem:$0x1C210] =	vst v63  }
0x370: {  	s22 =	simm.s32 $0x16600  }
0x371: {  	[tilespmem:s22], [sflag:$0x1] =	stream.indirect_vreg.gather [hbm4b:s16+s3], $0x80, v27, vm2, $0xb8;
	[tilespmem:$0x1C210] =	vst v63  }
0x372: {  	s26 =	simm.s32 $0x16E00  }
0x373: {  	[tilespmem:s26], [sflag:$0x1] =	stream.indirect_vreg.gather [hbm4b:s20+s3], $0x80, v27, vm0, $0xb8;
	[tilespmem:$0x1C210] =	vst v63  }
0x374: {  	v27 =	vld [tilespmem:$0x15980];
	_ =	sdelay $0x4  }
0x375: {  	v63 =	vshrl.u32 v27, $0x3  }
0x376: {  	v28 =	vmul.u32 $0x18, v63  }
0x377: {  	v27 =	vand.u32 $0x7, v27  }
0x378: {  	v27 =	vor.u32 v27, v28  }
0x379: {  	v28 =	vperm.xlane v27, v5;
	_ =	sdelay $0x1  }
0x37a: {  	v28 =	vadd.s32 v6, v28;
	_ =	sdelay $0x1  }
0x37b: {  	v27 =	vperm.xlane v27, v7;
	_ =	sdelay $0x1  }
0x37c: {  	s28 =	simm.s32 $0x17200;
	v27 =	vadd.s32 v6, v27  }
0x37d: {  	[tilespmem:s28], [sflag:$0x1] =	stream.indirect_vreg.gather [hbm4b:s16+s3], $0x80, v28, vm2, $0xb8;
	[tilespmem:$0x1C210] =	vst v63  }
0x37e: {  	s29 =	simm.s32 $0x17A00  }
0x37f: {  	[tilespmem:s29], [sflag:$0x1] =	stream.indirect_vreg.gather [hbm4b:s20+s3], $0x80, v28, vm0, $0xb8;
	[tilespmem:$0x1C210] =	vst v63  }
0x380: {  	s30 =	simm.s32 $0x17E00  }
0x381: {  	[tilespmem:s30], [sflag:$0x1] =	stream.indirect_vreg.gather [hbm4b:s16+s3], $0x80, v27, vm2, $0xb8;
	[tilespmem:$0x1C210] =	vst v63  }
0x382: {  	s31 =	simm.s32 $0x18600  }
0x383: {  	[tilespmem:s31], [sflag:$0x1] =	stream.indirect_vreg.gather [hbm4b:s20+s3], $0x80, v27, vm0, $0xb8;
	[tilespmem:$0x1C210] =	vst v63  }
0x384: {  	_ =	swait.ge [sflag:s25], $0x1800  }
0x385: {  	[sflag:s25] =	ssyncset.done $0x0  }
0x386: {  	[sflag:s25] =	ssyncadd.s32 $0xFFFFE800  }
0x387: {  	_ =	swait.ge [sflag:s25], $0x1800  }
0x388: {  	[sflag:s25] =	ssyncset.done $0x0  }
0x389: {  	s5 =	simm.s32 $0x0;
	[sflag:s25] =	ssyncadd.s32 $0xFFFFE800  }
.LBB2_32:
0x38a: {  	s0 =	sshrl.u32 s5, $0x3  }
0x38b: {  	s2 =	sshll.u32 s5, $0x7;
	s0 =	smul.u32 $0xC00, s0  }
0x38c: {  	s2 =	sand.u32 $0x380, s2  }
0x38d: {  	s6 =	sor.u32 s2, s0  }
0x38e: {  	v27 =	vld [tilespmem:s6+$0x16200]  }
0x38f: {  	v28 =	vld [tilespmem:s6+$0x17A00];
	_ =	sdelay $0x4  }
0x390: {  	v27 =	vadd.f32 v28, v27;
	_ =	sdelay $0x1  }
0x391: {  	s29 =	sand.u32 $0x400, s3;
	v27 =	vmax.f32 v27, $1.000000000e+00  }
0x392: {  	s4 =	sand.u32 $0x70, s3;
	s9 =	sadd.s32 s6, s29;
	(erf) = vrcp.f32 v27  }
0x393: {  	s9 =	sor.u32 s4, s9  }
0x394: {  	v28 =	vld [tilespmem:s9+$0x15A00]  }
0x395: {  	v27 =	vld [tilespmem:s9+$0x17200];
	_ =	sdelay $0x2  }
0x396: {  	s30 =	sshll.u32 s5, $0x8  }
0x397: {  	s9 =	sand.u32 $0x3FFFF800, s30  }
0x398: {  	s2 =	sor.u32 s2, s9;
	v28 =	vadd.f32 v27, v28  }
0x399: {  	s31 =	simm.s32 $0x10;
	s16 =	simm.s32 $0x80;
	s9 =	sadd.s32 $0x18A00, s2;
	v27 =	vpop (erf)  }
0x39a: {  	s20 =	simm.s32 $0x20;
	s10 =	sand.u32 $0x400, s16;
	s0 =	sadd.s32 s29, s9;
	v28 =	vmul.f32 v28, v27  }
0x39b: {  	s19 =	sand.u32 $0x70, s31;
	s21 =	sadd.s32 s6, s10;
	s22 =	sadd.s32 s4, s0  }
.LBB2_33:
0x39c: {  	p0 =	sne.s32 s20, $0xF0;
	s0 =	sor.u32 s19, s21;
	[tilespmem:s22+$0x0] =	vst v28;
	s2 =	smov.u32 s19  }
0x39d: {  	v28 =	vld [tilespmem:s0+$0x17200]  }
0x39e: {  	v29 =	vld [tilespmem:s0+$0x15A00];
	_ =	sdelay $0x3  }
.Ltmp24:
0x39f: {  	(pc) =	sbr.rel @p0 .LBB2_33-.Ltmp24, $4  }
0x3a0: {  	v28 =	vadd.f32 v28, v29  }
0x3a1: {  	s16 =	sadd.s32 $0x80, s16  }
0x3a2: {  	s19 =	sand.u32 $0x70, s20;
	s0 =	sadd.s32 s10, s9;
	s10 =	sand.u32 $0x400, s16;
	v28 =	vmul.f32 v28, v27  }
0x3a3: {  	s20 =	sadd.s32 $0x10, s20;
	s21 =	sadd.s32 s6, s10;
	s22 =	sadd.s32 s2, s0  }
0x3a4: {  	s0 =	sor.u32 s19, s21;
	[tilespmem:s22+$0x0] =	vst v28  }
0x3a5: {  	v28 =	vld [tilespmem:s0+$0x17200]  }
0x3a6: {  	v29 =	vld [tilespmem:s0+$0x15A00];
	_ =	sdelay $0x2  }
0x3a7: {  	s5 =	sadd.s32 $0x1, s5  }
0x3a8: {  	p0 =	sne.s32 s5, $0x10  }
.Ltmp25:
0x3a9: {  	v28 =	vadd.f32 v28, v29;
	(pc) =	sbr.rel @p0 .LBB2_32-.Ltmp25, $4  }
0x3aa: {  	_ = 	snop  }
0x3ab: {  	s31 =	sadd.s32 s10, s9;
	v27 =	vmul.f32 v28, v27  }
0x3ac: {  	s0 =	sadd.s32 s19, s31  }
0x3ad: {  	[tilespmem:s0+$0x0] =	vst v27  }
0x3ae: {  	s19 =	simm.s32 $0x0  }
0x3af: {  	s0 =	rddreg [dreg:$0x11];
	s2 =	simm.s32 $0x18A00;
	s30 =	simm.s32 $0x4  }
0x3b0: {  	[hbm4b:s0+s19] =	stream.linear.scatter [tilespmem:s2], [sflag:$0x4], $0x1000, $0x38;
	[tilespmem:$0x1C210] =	vst v63  }
0x3b1: {  	_ =	swait.ge [sflag:s30], $0x1000  }
0x3b2: {  	s3 =	rddreg [dreg:$0x16]  }
0x3b3: {  	s31 =	rddreg [dreg:$0x12];
	s3 =	sadd.s32 $0x1, s3  }
0x3b4: {  	p0 =	sne.s32 s3, s31  }
.Ltmp26:
0x3b5: {  	_ = 	snop;
	(pc) =	sbr.rel @p0 .LBB2_1-.Ltmp26, $3  }
0x3b6: {  	_ =	sdelay $0x1  }
0x3b7: {  	[sflag:s30] =	ssyncset.done $0x0  }
0x3b8: {  	[sflag:s30] =	ssyncadd.s32 $0xFFFFF000  }
0x3b9: {  	_ =	sfence.sel $0x180000  }
0x3ba: {  	[bflag:$0x0] =	sbarrier.arrive $0xFFFF  }
0x3bb: {  	_ =	strace $0x90000047  }
0x3bc: {  	s0 =	stileid.u32;
	[bflag:$0x2] =	sbarrier.arrive $0xFFFF  }
0x3bd: {  	p0 =	sne.s32 s0, $0x0;
	s0 =	rddreg [dreg:$0x6]  }
0x3be: {  	s0 =	sadd.s32 @!p0 $0x100000, s0  }
0x3bf: {  	[sflag:s0] =	ssyncadd.tile.s32 @!p0 $0x1;
	_ =	shalt  }
.Lfunc_end2:
_tile_overlayer_lowered:
.L_overlay_start_2:
0x3c0: {  	(tag) =	ssettag $0x2  }
0x3c1: {  	s0 =	rddreg [dreg:$0x0];
	s2 =	stileid.u32  }
0x3c2: {  	s1 =	rddreg [dreg:$0x1];
	p0 =	sne.s32 s2, $0x0  }
0x3c3: {  	s3 =	rddreg [dreg:$0x2];
	[bflag:$0x3] =	sbarrier.arrive $0xFFFF;
	s2 =	simm.s32 @!p0 $0x1C04  }
0x3c4: {  	[timem:s3], [sflag:s2] =	dma.local @!p0 [hbm:s0], s1  }
0x3c5: {  	s0 =	simm.s32 @!p0 $0x4  }
0x3c6: {  	_ =	swait.ge @!p0 [sflag:s0], s1  }
0x3c7: {  	s1 =	ssub.s32 @!p0 $0x0, s1;
	[sflag:s0] =	ssyncset.done @!p0 $0x0  }
0x3c8: {  	[sflag:s0] =	ssyncadd.s32 @!p0 s1  }
0x3c9: {  	[bflag:$0x3] =	sbarrier.arrive $0xFFFF  }
0x3ca: {  	_ =	shalt  }

</sc_bundles>
